<compile_context>
chip_gen: v7x
topology: tpu7x:2x2x1
jax: 0.10.2.dev20260603
libtpu: 0.0.44.dev20260713+nightly
codegen_flags: <defaults>
</compile_context>

<pallas_src>
import functools

import jax
import jax.numpy as jnp
from jax import lax
from jax.experimental import pallas as pl
from jax.experimental.pallas import tpu as pltpu
from jax.experimental.pallas import tpu_sc as plsc

_R = 32
_EPS = 0.0
_B, _C, _N = 8, 64, 32768
_V = _R ** 3
_NC, _NS, _L = 2, 16, 16
_NVEC = _N // _L
_FCH = 8192
_UNROLL = 8




def _norm_idx_body(coords_ref, norm_ref, idx_ref):
    c = coords_ref[0]
    mean = jnp.mean(c, axis=1, keepdims=True)
    nc = c - mean
    nrm = jnp.sqrt(jnp.sum(nc * nc, axis=0, keepdims=True))
    denom = jnp.max(nrm) * 2.0 + _EPS
    ncn = nc / denom + 0.5
    scaled = jnp.clip(ncn * _R, 0.0, _R - 1.0)
    vox = jnp.round(scaled).astype(jnp.int32)
    norm_ref[0] = scaled
    idx_ref[0] = ((vox[0] * _R + vox[1]) * _R + vox[2])[None, :]


def _norm_idx(coords):
    B, _, N = coords.shape
    norm, idx3 = pl.pallas_call(
        _norm_idx_body,
        grid=(B,),
        in_specs=[pl.BlockSpec((1, 3, N), lambda b: (b, 0, 0))],
        out_specs=[
            pl.BlockSpec((1, 3, N), lambda b: (b, 0, 0)),
            pl.BlockSpec((1, 1, N), lambda b: (b, 0, 0)),
        ],
        out_shape=[
            jax.ShapeDtypeStruct((B, 3, N), jnp.float32),
            jax.ShapeDtypeStruct((B, 1, N), jnp.int32),
        ],
    )(coords)
    return norm, idx3[:, 0, :]




def _loop(n, body):
    def outer(i, carry):
        for u in range(_UNROLL):
            body(i * _UNROLL + u)
        return carry
    lax.fori_loop(0, n // _UNROLL, outer, 0)


def _sc_body(f_hbm, idx_hbm, out_hbm, idxb, acc, cnt, fchunk):
    cid = lax.axis_index("c")
    sid = lax.axis_index("s")
    wid = sid * _NC + cid
    zero16 = jnp.zeros((_L,), jnp.float32)
    one16 = jnp.ones((_L,), jnp.float32)

    def batch_body(b, carry):
        pltpu.sync_copy(idx_hbm.at[b], idxb)

        def zc(j):
            cnt[pl.ds(j * _L, _L)] = zero16
        _loop(_V // _L, zc)

        def count(j):
            iv = idxb[pl.ds(j * _L, _L)]
            plsc.addupdate_scatter(cnt, [iv], one16)
        _loop(_NVEC, count)

        def recip(j):
            s = pl.ds(j * _L, _L)
            cnt[s] = 1.0 / jnp.maximum(cnt[s], 1.0)
        _loop(_V // _L, recip)

        for half in range(2):
            ch = wid * 2 + half

            def za(j):
                acc[pl.ds(j * _L, _L)] = zero16
            _loop(_V // _L, za)

            for k in range(_N // _FCH):
                pltpu.sync_copy(f_hbm.at[b, ch, pl.ds(k * _FCH, _FCH)],
                                fchunk)

                def accum(j):
                    iv = idxb[pl.ds(k * _FCH + j * _L, _L)]
                    fv = fchunk[pl.ds(j * _L, _L)]
                    plsc.addupdate_scatter(acc, [iv], fv)
                _loop(_FCH // _L, accum)

            def div(j):
                s = pl.ds(j * _L, _L)
                acc[s] = acc[s] * cnt[s]
            _loop(_V // _L, div)

            pltpu.sync_copy(acc, out_hbm.at[b, ch])
        return carry

    lax.fori_loop(0, _B, batch_body, 0)


_sc_scatter = functools.partial(
    pl.kernel,
    out_type=jax.ShapeDtypeStruct((_B, _C, _V), jnp.float32),
    mesh=plsc.VectorSubcoreMesh(core_axis_name="c", subcore_axis_name="s"),
    compiler_params=pltpu.CompilerParams(use_tc_tiling_on_sc=False,
                                         needs_layout_passes=False),
    scratch_types=[
        pltpu.VMEM((_N,), jnp.int32),
        pltpu.VMEM((_V,), jnp.float32),
        pltpu.VMEM((_V,), jnp.float32),
        pltpu.VMEM((_FCH,), jnp.float32),
    ],
)(_sc_body)


def kernel(features, coords):
    norm, idx = _norm_idx(coords)
    out = _sc_scatter(features, idx)
    return out.reshape(_B, _C, _R, _R, _R), norm

# --- scband reference (transcript-rebuilt; emitter-appended) ---
"""Pipeline reference for scband-voxelization-63960652972185 (READ-ONLY COPY).

The authoritative reference and input builder live on the scoring server;
editing this copy changes nothing except your own understanding.
"""

import jax, jax.numpy as jnp
import numpy as np

RES = 32
EPS = 0.0
NORMALIZE = True


def setup_inputs(seed: int = 0) -> dict:
    key = jax.random.key(seed)
    k1, k2 = jax.random.split(key)
    features = jax.random.normal(k1, (8, 64, 32768), dtype=jnp.float32)
    coords = jax.random.normal(k2, (8, 3, 32768), dtype=jnp.float32)
    return {"features": features, "coords": coords}


def _avg_voxelize(features, idx, R):
    # features: [B, C, N], idx: [B, N] flattened voxel indices in [0, R^3)
    def one(f, i):
        # f: [C, N], i: [N]
        sums = jax.ops.segment_sum(f.T, i, num_segments=R ** 3)  # [R^3, C]
        cnt = jax.ops.segment_sum(jnp.ones(i.shape, dtype=f.dtype), i, num_segments=R ** 3)  # [R^3]
        avg = sums / jnp.maximum(cnt, 1.0)[:, None]
        return jnp.transpose(avg).reshape(f.shape[0], R, R, R)
    return jax.vmap(one)(features, idx)


def reference(features, coords):
    R = RES
    coords = jax.lax.stop_gradient(coords)  # coords.detach()
    norm_coords = coords - jnp.mean(coords, axis=2, keepdims=True)
    if NORMALIZE:
        nrm = jnp.linalg.norm(norm_coords, ord=2, axis=1, keepdims=True)  # [B,1,N]
        denom = jnp.max(nrm, axis=2, keepdims=True) * 2.0 + EPS  # [B,1,1]
        norm_coords = norm_coords / denom + 0.5
    else:
        norm_coords = (norm_coords + 1.0) / 2.0
    norm_coords = jnp.clip(norm_coords * R, 0, R - 1)
    vox_coords = jnp.round(norm_coords).astype(jnp.int32)  # [B,3,N]
    idx = (vox_coords[:, 0] * R + vox_coords[:, 1]) * R + vox_coords[:, 2]  # [B,N]
    out = _avg_voxelize(features, idx, R)  # [B,C,R,R,R]
    return out, norm_coords

if __name__ == "__main__":
    import jax
    _d = setup_inputs()
    print(jax.jit(kernel)(*tuple(_d.values())))

</pallas_src>

<mosaic_0001>
#map = affine_map<(d0, d1) -> (0, 0, 0)>
#map1 = affine_map<(d0, d1) -> (0, 0)>
module attributes {stable_mosaic.version = 14 : i64} {
  func.func @_sc_body(%arg0: i32, %arg1: i32, %arg2: memref<8x64x32768xf32, #tpu.memory_space<hbm>>, %arg3: memref<8x32768xi32, #tpu.memory_space<hbm>>, %arg4: memref<8x64x32768xf32, #tpu.memory_space<hbm>>, %arg5: memref<32768xi32, #tpu.memory_space<vmem>>, %arg6: memref<32768xf32, #tpu.memory_space<vmem>>, %arg7: memref<32768xf32, #tpu.memory_space<vmem>>, %arg8: memref<8192xf32, #tpu.memory_space<vmem>>) attributes {dimension_semantics = [#tpu.dimension_semantics<core_parallel>, #tpu.dimension_semantics<subcore_parallel>], iteration_bounds = array<i64: 2, 16>, scalar_prefetch = 0 : i64, scratch_operands = 4 : i64, tpu.core_type = #tpu.core_type<sc_vector_subcore>, window_params = [{transform_indices = #map}, {transform_indices = #map1}, {transform_indices = #map}]} {
    %mul3A = arith.constant 2 : i32
    %mul3A_0 = arith.muli %arg1, %mul3A : i32
    %add3A = arith.addi %mul3A_0, %arg0 : i32
    %broadcast_in_dim3A = arith.constant 0.000000e+00 : f32
    %broadcast_in_dim3A_1 = vector.broadcast %broadcast_in_dim3A : f32 to vector<16xf32>
    %broadcast_in_dim3A_2 = arith.constant 1.000000e+00 : f32
    %broadcast_in_dim3A_3 = vector.broadcast %broadcast_in_dim3A_2 : f32 to vector<16xf32>
    %scan3A = arith.constant 0 : i32
    %scan3A_4 = arith.constant 0 : i32
    %scan3A_5 = arith.constant 8 : i32
    %scan3A_6 = arith.addi %scan3A_4, %scan3A_5 : i32
    %scan3A_7 = arith.constant 1 : i32
    scf.for %scan3A_9 = %scan3A_4 to %scan3A_6 step %scan3A_7  : i32 {
      "tpu.region"() ({
        %run_scoped3A = tpu.sem_alloc : memref<!tpu.dma_semaphore, #tpu.memory_space<semaphore_mem>>
        %dma_start3A = arith.constant 0 : i32
        %dma_start3A_108 = tpu.memref_slice %arg3[%scan3A_9, %dma_start3A] : memref<8x32768xi32, #tpu.memory_space<hbm>> -> memref<1x32768xi32, #tpu.memory_space<hbm>>
        %dma_start3A_109 = tpu.memref_squeeze %dma_start3A_108 : memref<1x32768xi32, #tpu.memory_space<hbm>> -> memref<32768xi32, #tpu.memory_space<hbm>>
        %dma_start3A_110 = arith.constant 0 : i32
        %dma_start3A_111 = tpu.memref_slice %arg3[%scan3A_9, %dma_start3A_110] : memref<8x32768xi32, #tpu.memory_space<hbm>> -> memref<1x32768xi32, #tpu.memory_space<hbm>>
        %dma_start3A_112 = tpu.memref_squeeze %dma_start3A_111 : memref<1x32768xi32, #tpu.memory_space<hbm>> -> memref<32768xi32, #tpu.memory_space<hbm>>
        tpu.enqueue_dma source(%dma_start3A_112 : memref<32768xi32, #tpu.memory_space<hbm>>) target(%arg5 : memref<32768xi32, #tpu.memory_space<vmem>>) target_semaphore(%run_scoped3A : memref<!tpu.dma_semaphore, #tpu.memory_space<semaphore_mem>>)
        %dma_wait3A = arith.constant 0 : i32
        %dma_wait3A_113 = tpu.memref_slice %arg3[%scan3A_9, %dma_wait3A] : memref<8x32768xi32, #tpu.memory_space<hbm>> -> memref<1x32768xi32, #tpu.memory_space<hbm>>
        %dma_wait3A_114 = tpu.memref_squeeze %dma_wait3A_113 : memref<1x32768xi32, #tpu.memory_space<hbm>> -> memref<32768xi32, #tpu.memory_space<hbm>>
        %dma_wait3A_115 = arith.constant 0 : i32
        %dma_wait3A_116 = tpu.memref_slice %arg3[%scan3A_9, %dma_wait3A_115] : memref<8x32768xi32, #tpu.memory_space<hbm>> -> memref<1x32768xi32, #tpu.memory_space<hbm>>
        %dma_wait3A_117 = tpu.memref_squeeze %dma_wait3A_116 : memref<1x32768xi32, #tpu.memory_space<hbm>> -> memref<32768xi32, #tpu.memory_space<hbm>>
        tpu.wait_dma2 semaphore(%run_scoped3A : memref<!tpu.dma_semaphore, #tpu.memory_space<semaphore_mem>>) src(%dma_wait3A_117 : memref<32768xi32, #tpu.memory_space<hbm>>) dst(%arg5 : memref<32768xi32, #tpu.memory_space<vmem>>)
        tpu.yield
      }) : () -> ()
      %scan3A_10 = arith.constant 0 : i32
      %scan3A_11 = arith.constant 0 : i32
      %scan3A_12 = arith.constant 256 : i32
      %scan3A_13 = arith.addi %scan3A_11, %scan3A_12 : i32
      %scan3A_14 = arith.constant 1 : i32
      scf.for %scan3A_108 = %scan3A_11 to %scan3A_13 step %scan3A_14  : i32 {
        %mul3A_109 = arith.constant 8 : i32
        %mul3A_110 = arith.muli %scan3A_108, %mul3A_109 : i32
        %add3A_111 = arith.constant 0 : i32
        %add3A_112 = arith.addi %mul3A_110, %add3A_111 : i32
        %mul3A_113 = arith.constant 16 : i32
        %mul3A_114 = arith.muli %add3A_112, %mul3A_113 : i32
        %swap3A = arith.index_cast %mul3A_114 : i32 to index
        %swap3A_115 = tpu.vector_load %arg7[%swap3A] {strides = array<i32>} : memref<32768xf32, #tpu.memory_space<vmem>>, vector<16xf32>,
        tpu.vector_store %arg7[%swap3A], %broadcast_in_dim3A_1 {strides = array<i32>} : memref<32768xf32, #tpu.memory_space<vmem>>, vector<16xf32>,
        %mul3A_116 = arith.constant 8 : i32
        %mul3A_117 = arith.muli %scan3A_108, %mul3A_116 : i32
        %add3A_118 = arith.constant 1 : i32
        %add3A_119 = arith.addi %mul3A_117, %add3A_118 : i32
        %mul3A_120 = arith.constant 16 : i32
        %mul3A_121 = arith.muli %add3A_119, %mul3A_120 : i32
        %swap3A_122 = arith.index_cast %mul3A_121 : i32 to index
        %swap3A_123 = tpu.vector_load %arg7[%swap3A_122] {strides = array<i32>} : memref<32768xf32, #tpu.memory_space<vmem>>, vector<16xf32>,
        tpu.vector_store %arg7[%swap3A_122], %broadcast_in_dim3A_1 {strides = array<i32>} : memref<32768xf32, #tpu.memory_space<vmem>>, vector<16xf32>,
        %mul3A_124 = arith.constant 8 : i32
        %mul3A_125 = arith.muli %scan3A_108, %mul3A_124 : i32
        %add3A_126 = arith.constant 2 : i32
        %add3A_127 = arith.addi %mul3A_125, %add3A_126 : i32
        %mul3A_128 = arith.constant 16 : i32
        %mul3A_129 = arith.muli %add3A_127, %mul3A_128 : i32
        %swap3A_130 = arith.index_cast %mul3A_129 : i32 to index
        %swap3A_131 = tpu.vector_load %arg7[%swap3A_130] {strides = array<i32>} : memref<32768xf32, #tpu.memory_space<vmem>>, vector<16xf32>,
        tpu.vector_store %arg7[%swap3A_130], %broadcast_in_dim3A_1 {strides = array<i32>} : memref<32768xf32, #tpu.memory_space<vmem>>, vector<16xf32>,
        %mul3A_132 = arith.constant 8 : i32
        %mul3A_133 = arith.muli %scan3A_108, %mul3A_132 : i32
        %add3A_134 = arith.constant 3 : i32
        %add3A_135 = arith.addi %mul3A_133, %add3A_134 : i32
        %mul3A_136 = arith.constant 16 : i32
        %mul3A_137 = arith.muli %add3A_135, %mul3A_136 : i32
        %swap3A_138 = arith.index_cast %mul3A_137 : i32 to index
        %swap3A_139 = tpu.vector_load %arg7[%swap3A_138] {strides = array<i32>} : memref<32768xf32, #tpu.memory_space<vmem>>, vector<16xf32>,
        tpu.vector_store %arg7[%swap3A_138], %broadcast_in_dim3A_1 {strides = array<i32>} : memref<32768xf32, #tpu.memory_space<vmem>>, vector<16xf32>,
        %mul3A_140 = arith.constant 8 : i32
        %mul3A_141 = arith.muli %scan3A_108, %mul3A_140 : i32
        %add3A_142 = arith.constant 4 : i32
        %add3A_143 = arith.addi %mul3A_141, %add3A_142 : i32
        %mul3A_144 = arith.constant 16 : i32
        %mul3A_145 = arith.muli %add3A_143, %mul3A_144 : i32
        %swap3A_146 = arith.index_cast %mul3A_145 : i32 to index
        %swap3A_147 = tpu.vector_load %arg7[%swap3A_146] {strides = array<i32>} : memref<32768xf32, #tpu.memory_space<vmem>>, vector<16xf32>,
        tpu.vector_store %arg7[%swap3A_146], %broadcast_in_dim3A_1 {strides = array<i32>} : memref<32768xf32, #tpu.memory_space<vmem>>, vector<16xf32>,
        %mul3A_148 = arith.constant 8 : i32
        %mul3A_149 = arith.muli %scan3A_108, %mul3A_148 : i32
        %add3A_150 = arith.constant 5 : i32
        %add3A_151 = arith.addi %mul3A_149, %add3A_150 : i32
        %mul3A_152 = arith.constant 16 : i32
        %mul3A_153 = arith.muli %add3A_151, %mul3A_152 : i32
        %swap3A_154 = arith.index_cast %mul3A_153 : i32 to index
        %swap3A_155 = tpu.vector_load %arg7[%swap3A_154] {strides = array<i32>} : memref<32768xf32, #tpu.memory_space<vmem>>, vector<16xf32>,
        tpu.vector_store %arg7[%swap3A_154], %broadcast_in_dim3A_1 {strides = array<i32>} : memref<32768xf32, #tpu.memory_space<vmem>>, vector<16xf32>,
        %mul3A_156 = arith.constant 8 : i32
        %mul3A_157 = arith.muli %scan3A_108, %mul3A_156 : i32
        %add3A_158 = arith.constant 6 : i32
        %add3A_159 = arith.addi %mul3A_157, %add3A_158 : i32
        %mul3A_160 = arith.constant 16 : i32
        %mul3A_161 = arith.muli %add3A_159, %mul3A_160 : i32
        %swap3A_162 = arith.index_cast %mul3A_161 : i32 to index
        %swap3A_163 = tpu.vector_load %arg7[%swap3A_162] {strides = array<i32>} : memref<32768xf32, #tpu.memory_space<vmem>>, vector<16xf32>,
        tpu.vector_store %arg7[%swap3A_162], %broadcast_in_dim3A_1 {strides = array<i32>} : memref<32768xf32, #tpu.memory_space<vmem>>, vector<16xf32>,
        %mul3A_164 = arith.constant 8 : i32
        %mul3A_165 = arith.muli %scan3A_108, %mul3A_164 : i32
        %add3A_166 = arith.constant 7 : i32
        %add3A_167 = arith.addi %mul3A_165, %add3A_166 : i32
        %mul3A_168 = arith.constant 16 : i32
        %mul3A_169 = arith.muli %add3A_167, %mul3A_168 : i32
        %swap3A_170 = arith.index_cast %mul3A_169 : i32 to index
        %swap3A_171 = tpu.vector_load %arg7[%swap3A_170] {strides = array<i32>} : memref<32768xf32, #tpu.memory_space<vmem>>, vector<16xf32>,
        tpu.vector_store %arg7[%swap3A_170], %broadcast_in_dim3A_1 {strides = array<i32>} : memref<32768xf32, #tpu.memory_space<vmem>>, vector<16xf32>,
      }
      %scan3A_15 = arith.constant 256 : i32
      %scan3A_16 = arith.constant 0 : i32
      %scan3A_17 = arith.constant 0 : i32
      %scan3A_18 = arith.constant 256 : i32
      %scan3A_19 = arith.addi %scan3A_17, %scan3A_18 : i32
      %scan3A_20 = arith.constant 1 : i32
      scf.for %scan3A_108 = %scan3A_17 to %scan3A_19 step %scan3A_20  : i32 {
        %mul3A_109 = arith.constant 8 : i32
        %mul3A_110 = arith.muli %scan3A_108, %mul3A_109 : i32
        %add3A_111 = arith.constant 0 : i32
        %add3A_112 = arith.addi %mul3A_110, %add3A_111 : i32
        %mul3A_113 = arith.constant 16 : i32
        %mul3A_114 = arith.muli %add3A_112, %mul3A_113 : i32
        %get3A = arith.index_cast %mul3A_114 : i32 to index
        %get3A_115 = tpu.vector_load %arg5[%get3A] {strides = array<i32>} : memref<32768xi32, #tpu.memory_space<vmem>>, vector<16xi32>,
        tpu.vector_store_idx %arg7[%get3A_115], %broadcast_in_dim3A_3 {add = true} : memref<32768xf32, #tpu.memory_space<vmem>>[vector<16xi32>], vector<16xf32>,
        %mul3A_116 = arith.constant 8 : i32
        %mul3A_117 = arith.muli %scan3A_108, %mul3A_116 : i32
        %add3A_118 = arith.constant 1 : i32
        %add3A_119 = arith.addi %mul3A_117, %add3A_118 : i32
        %mul3A_120 = arith.constant 16 : i32
        %mul3A_121 = arith.muli %add3A_119, %mul3A_120 : i32
        %get3A_122 = arith.index_cast %mul3A_121 : i32 to index
        %get3A_123 = tpu.vector_load %arg5[%get3A_122] {strides = array<i32>} : memref<32768xi32, #tpu.memory_space<vmem>>, vector<16xi32>,
        tpu.vector_store_idx %arg7[%get3A_123], %broadcast_in_dim3A_3 {add = true} : memref<32768xf32, #tpu.memory_space<vmem>>[vector<16xi32>], vector<16xf32>,
        %mul3A_124 = arith.constant 8 : i32
        %mul3A_125 = arith.muli %scan3A_108, %mul3A_124 : i32
        %add3A_126 = arith.constant 2 : i32
        %add3A_127 = arith.addi %mul3A_125, %add3A_126 : i32
        %mul3A_128 = arith.constant 16 : i32
        %mul3A_129 = arith.muli %add3A_127, %mul3A_128 : i32
        %get3A_130 = arith.index_cast %mul3A_129 : i32 to index
        %get3A_131 = tpu.vector_load %arg5[%get3A_130] {strides = array<i32>} : memref<32768xi32, #tpu.memory_space<vmem>>, vector<16xi32>,
        tpu.vector_store_idx %arg7[%get3A_131], %broadcast_in_dim3A_3 {add = true} : memref<32768xf32, #tpu.memory_space<vmem>>[vector<16xi32>], vector<16xf32>,
        %mul3A_132 = arith.constant 8 : i32
        %mul3A_133 = arith.muli %scan3A_108, %mul3A_132 : i32
        %add3A_134 = arith.constant 3 : i32
        %add3A_135 = arith.addi %mul3A_133, %add3A_134 : i32
        %mul3A_136 = arith.constant 16 : i32
        %mul3A_137 = arith.muli %add3A_135, %mul3A_136 : i32
        %get3A_138 = arith.index_cast %mul3A_137 : i32 to index
        %get3A_139 = tpu.vector_load %arg5[%get3A_138] {strides = array<i32>} : memref<32768xi32, #tpu.memory_space<vmem>>, vector<16xi32>,
        tpu.vector_store_idx %arg7[%get3A_139], %broadcast_in_dim3A_3 {add = true} : memref<32768xf32, #tpu.memory_space<vmem>>[vector<16xi32>], vector<16xf32>,
        %mul3A_140 = arith.constant 8 : i32
        %mul3A_141 = arith.muli %scan3A_108, %mul3A_140 : i32
        %add3A_142 = arith.constant 4 : i32
        %add3A_143 = arith.addi %mul3A_141, %add3A_142 : i32
        %mul3A_144 = arith.constant 16 : i32
        %mul3A_145 = arith.muli %add3A_143, %mul3A_144 : i32
        %get3A_146 = arith.index_cast %mul3A_145 : i32 to index
        %get3A_147 = tpu.vector_load %arg5[%get3A_146] {strides = array<i32>} : memref<32768xi32, #tpu.memory_space<vmem>>, vector<16xi32>,
        tpu.vector_store_idx %arg7[%get3A_147], %broadcast_in_dim3A_3 {add = true} : memref<32768xf32, #tpu.memory_space<vmem>>[vector<16xi32>], vector<16xf32>,
        %mul3A_148 = arith.constant 8 : i32
        %mul3A_149 = arith.muli %scan3A_108, %mul3A_148 : i32
        %add3A_150 = arith.constant 5 : i32
        %add3A_151 = arith.addi %mul3A_149, %add3A_150 : i32
        %mul3A_152 = arith.constant 16 : i32
        %mul3A_153 = arith.muli %add3A_151, %mul3A_152 : i32
        %get3A_154 = arith.index_cast %mul3A_153 : i32 to index
        %get3A_155 = tpu.vector_load %arg5[%get3A_154] {strides = array<i32>} : memref<32768xi32, #tpu.memory_space<vmem>>, vector<16xi32>,
        tpu.vector_store_idx %arg7[%get3A_155], %broadcast_in_dim3A_3 {add = true} : memref<32768xf32, #tpu.memory_space<vmem>>[vector<16xi32>], vector<16xf32>,
        %mul3A_156 = arith.constant 8 : i32
        %mul3A_157 = arith.muli %scan3A_108, %mul3A_156 : i32
        %add3A_158 = arith.constant 6 : i32
        %add3A_159 = arith.addi %mul3A_157, %add3A_158 : i32
        %mul3A_160 = arith.constant 16 : i32
        %mul3A_161 = arith.muli %add3A_159, %mul3A_160 : i32
        %get3A_162 = arith.index_cast %mul3A_161 : i32 to index
        %get3A_163 = tpu.vector_load %arg5[%get3A_162] {strides = array<i32>} : memref<32768xi32, #tpu.memory_space<vmem>>, vector<16xi32>,
        tpu.vector_store_idx %arg7[%get3A_163], %broadcast_in_dim3A_3 {add = true} : memref<32768xf32, #tpu.memory_space<vmem>>[vector<16xi32>], vector<16xf32>,
        %mul3A_164 = arith.constant 8 : i32
        %mul3A_165 = arith.muli %scan3A_108, %mul3A_164 : i32
        %add3A_166 = arith.constant 7 : i32
        %add3A_167 = arith.addi %mul3A_165, %add3A_166 : i32
        %mul3A_168 = arith.constant 16 : i32
        %mul3A_169 = arith.muli %add3A_167, %mul3A_168 : i32
        %get3A_170 = arith.index_cast %mul3A_169 : i32 to index
        %get3A_171 = tpu.vector_load %arg5[%get3A_170] {strides = array<i32>} : memref<32768xi32, #tpu.memory_space<vmem>>, vector<16xi32>,
        tpu.vector_store_idx %arg7[%get3A_171], %broadcast_in_dim3A_3 {add = true} : memref<32768xf32, #tpu.memory_space<vmem>>[vector<16xi32>], vector<16xf32>,
      }
      %scan3A_21 = arith.constant 256 : i32
      %scan3A_22 = arith.constant 0 : i32
      %scan3A_23 = arith.constant 0 : i32
      %scan3A_24 = arith.constant 256 : i32
      %scan3A_25 = arith.addi %scan3A_23, %scan3A_24 : i32
      %scan3A_26 = arith.constant 1 : i32
      scf.for %scan3A_108 = %scan3A_23 to %scan3A_25 step %scan3A_26  : i32 {
        %mul3A_109 = arith.constant 8 : i32
        %mul3A_110 = arith.muli %scan3A_108, %mul3A_109 : i32
        %add3A_111 = arith.constant 0 : i32
        %add3A_112 = arith.addi %mul3A_110, %add3A_111 : i32
        %mul3A_113 = arith.constant 16 : i32
        %mul3A_114 = arith.muli %add3A_112, %mul3A_113 : i32
        %get3A = arith.index_cast %mul3A_114 : i32 to index
        %get3A_115 = tpu.vector_load %arg7[%get3A] {strides = array<i32>} : memref<32768xf32, #tpu.memory_space<vmem>>, vector<16xf32>,
        %max3A = arith.constant 1.000000e+00 : f32
        %max3A_116 = vector.broadcast %max3A : f32 to vector<16xf32>
        %max3A_117 = arith.maximumf %get3A_115, %max3A_116 : vector<16xf32>
        %div3A = arith.constant 1.000000e+00 : f32
        %div3A_118 = vector.broadcast %div3A : f32 to vector<16xf32>
        %div3A_119 = arith.divf %div3A_118, %max3A_117 : vector<16xf32>
        %swap3A = arith.index_cast %mul3A_114 : i32 to index
        %swap3A_120 = tpu.vector_load %arg7[%swap3A] {strides = array<i32>} : memref<32768xf32, #tpu.memory_space<vmem>>, vector<16xf32>,
        tpu.vector_store %arg7[%swap3A], %div3A_119 {strides = array<i32>} : memref<32768xf32, #tpu.memory_space<vmem>>, vector<16xf32>,
        %mul3A_121 = arith.constant 8 : i32
        %mul3A_122 = arith.muli %scan3A_108, %mul3A_121 : i32
        %add3A_123 = arith.constant 1 : i32
        %add3A_124 = arith.addi %mul3A_122, %add3A_123 : i32
        %mul3A_125 = arith.constant 16 : i32
        %mul3A_126 = arith.muli %add3A_124, %mul3A_125 : i32
        %get3A_127 = arith.index_cast %mul3A_126 : i32 to index
        %get3A_128 = tpu.vector_load %arg7[%get3A_127] {strides = array<i32>} : memref<32768xf32, #tpu.memory_space<vmem>>, vector<16xf32>,
        %max3A_129 = arith.constant 1.000000e+00 : f32
        %max3A_130 = vector.broadcast %max3A_129 : f32 to vector<16xf32>
        %max3A_131 = arith.maximumf %get3A_128, %max3A_130 : vector<16xf32>
        %div3A_132 = arith.constant 1.000000e+00 : f32
        %div3A_133 = vector.broadcast %div3A_132 : f32 to vector<16xf32>
        %div3A_134 = arith.divf %div3A_133, %max3A_131 : vector<16xf32>
        %swap3A_135 = arith.index_cast %mul3A_126 : i32 to index
        %swap3A_136 = tpu.vector_load %arg7[%swap3A_135] {strides = array<i32>} : memref<32768xf32, #tpu.memory_space<vmem>>, vector<16xf32>,
        tpu.vector_store %arg7[%swap3A_135], %div3A_134 {strides = array<i32>} : memref<32768xf32, #tpu.memory_space<vmem>>, vector<16xf32>,
        %mul3A_137 = arith.constant 8 : i32
        %mul3A_138 = arith.muli %scan3A_108, %mul3A_137 : i32
        %add3A_139 = arith.constant 2 : i32
        %add3A_140 = arith.addi %mul3A_138, %add3A_139 : i32
        %mul3A_141 = arith.constant 16 : i32
        %mul3A_142 = arith.muli %add3A_140, %mul3A_141 : i32
        %get3A_143 = arith.index_cast %mul3A_142 : i32 to index
        %get3A_144 = tpu.vector_load %arg7[%get3A_143] {strides = array<i32>} : memref<32768xf32, #tpu.memory_space<vmem>>, vector<16xf32>,
        %max3A_145 = arith.constant 1.000000e+00 : f32
        %max3A_146 = vector.broadcast %max3A_145 : f32 to vector<16xf32>
        %max3A_147 = arith.maximumf %get3A_144, %max3A_146 : vector<16xf32>
        %div3A_148 = arith.constant 1.000000e+00 : f32
        %div3A_149 = vector.broadcast %div3A_148 : f32 to vector<16xf32>
        %div3A_150 = arith.divf %div3A_149, %max3A_147 : vector<16xf32>
        %swap3A_151 = arith.index_cast %mul3A_142 : i32 to index
        %swap3A_152 = tpu.vector_load %arg7[%swap3A_151] {strides = array<i32>} : memref<32768xf32, #tpu.memory_space<vmem>>, vector<16xf32>,
        tpu.vector_store %arg7[%swap3A_151], %div3A_150 {strides = array<i32>} : memref<32768xf32, #tpu.memory_space<vmem>>, vector<16xf32>,
        %mul3A_153 = arith.constant 8 : i32
        %mul3A_154 = arith.muli %scan3A_108, %mul3A_153 : i32
        %add3A_155 = arith.constant 3 : i32
        %add3A_156 = arith.addi %mul3A_154, %add3A_155 : i32
        %mul3A_157 = arith.constant 16 : i32
        %mul3A_158 = arith.muli %add3A_156, %mul3A_157 : i32
        %get3A_159 = arith.index_cast %mul3A_158 : i32 to index
        %get3A_160 = tpu.vector_load %arg7[%get3A_159] {strides = array<i32>} : memref<32768xf32, #tpu.memory_space<vmem>>, vector<16xf32>,
        %max3A_161 = arith.constant 1.000000e+00 : f32
        %max3A_162 = vector.broadcast %max3A_161 : f32 to vector<16xf32>
        %max3A_163 = arith.maximumf %get3A_160, %max3A_162 : vector<16xf32>
        %div3A_164 = arith.constant 1.000000e+00 : f32
        %div3A_165 = vector.broadcast %div3A_164 : f32 to vector<16xf32>
        %div3A_166 = arith.divf %div3A_165, %max3A_163 : vector<16xf32>
        %swap3A_167 = arith.index_cast %mul3A_158 : i32 to index
        %swap3A_168 = tpu.vector_load %arg7[%swap3A_167] {strides = array<i32>} : memref<32768xf32, #tpu.memory_space<vmem>>, vector<16xf32>,
        tpu.vector_store %arg7[%swap3A_167], %div3A_166 {strides = array<i32>} : memref<32768xf32, #tpu.memory_space<vmem>>, vector<16xf32>,
        %mul3A_169 = arith.constant 8 : i32
        %mul3A_170 = arith.muli %scan3A_108, %mul3A_169 : i32
        %add3A_171 = arith.constant 4 : i32
        %add3A_172 = arith.addi %mul3A_170, %add3A_171 : i32
        %mul3A_173 = arith.constant 16 : i32
        %mul3A_174 = arith.muli %add3A_172, %mul3A_173 : i32
        %get3A_175 = arith.index_cast %mul3A_174 : i32 to index
        %get3A_176 = tpu.vector_load %arg7[%get3A_175] {strides = array<i32>} : memref<32768xf32, #tpu.memory_space<vmem>>, vector<16xf32>,
        %max3A_177 = arith.constant 1.000000e+00 : f32
        %max3A_178 = vector.broadcast %max3A_177 : f32 to vector<16xf32>
        %max3A_179 = arith.maximumf %get3A_176, %max3A_178 : vector<16xf32>
        %div3A_180 = arith.constant 1.000000e+00 : f32
        %div3A_181 = vector.broadcast %div3A_180 : f32 to vector<16xf32>
        %div3A_182 = arith.divf %div3A_181, %max3A_179 : vector<16xf32>
        %swap3A_183 = arith.index_cast %mul3A_174 : i32 to index
        %swap3A_184 = tpu.vector_load %arg7[%swap3A_183] {strides = array<i32>} : memref<32768xf32, #tpu.memory_space<vmem>>, vector<16xf32>,
        tpu.vector_store %arg7[%swap3A_183], %div3A_182 {strides = array<i32>} : memref<32768xf32, #tpu.memory_space<vmem>>, vector<16xf32>,
        %mul3A_185 = arith.constant 8 : i32
        %mul3A_186 = arith.muli %scan3A_108, %mul3A_185 : i32
        %add3A_187 = arith.constant 5 : i32
        %add3A_188 = arith.addi %mul3A_186, %add3A_187 : i32
        %mul3A_189 = arith.constant 16 : i32
        %mul3A_190 = arith.muli %add3A_188, %mul3A_189 : i32
        %get3A_191 = arith.index_cast %mul3A_190 : i32 to index
        %get3A_192 = tpu.vector_load %arg7[%get3A_191] {strides = array<i32>} : memref<32768xf32, #tpu.memory_space<vmem>>, vector<16xf32>,
        %max3A_193 = arith.constant 1.000000e+00 : f32
        %max3A_194 = vector.broadcast %max3A_193 : f32 to vector<16xf32>
        %max3A_195 = arith.maximumf %get3A_192, %max3A_194 : vector<16xf32>
        %div3A_196 = arith.constant 1.000000e+00 : f32
        %div3A_197 = vector.broadcast %div3A_196 : f32 to vector<16xf32>
        %div3A_198 = arith.divf %div3A_197, %max3A_195 : vector<16xf32>
        %swap3A_199 = arith.index_cast %mul3A_190 : i32 to index
        %swap3A_200 = tpu.vector_load %arg7[%swap3A_199] {strides = array<i32>} : memref<32768xf32, #tpu.memory_space<vmem>>, vector<16xf32>,
        tpu.vector_store %arg7[%swap3A_199], %div3A_198 {strides = array<i32>} : memref<32768xf32, #tpu.memory_space<vmem>>, vector<16xf32>,
        %mul3A_201 = arith.constant 8 : i32
        %mul3A_202 = arith.muli %scan3A_108, %mul3A_201 : i32
        %add3A_203 = arith.constant 6 : i32
        %add3A_204 = arith.addi %mul3A_202, %add3A_203 : i32
        %mul3A_205 = arith.constant 16 : i32
        %mul3A_206 = arith.muli %add3A_204, %mul3A_205 : i32
        %get3A_207 = arith.index_cast %mul3A_206 : i32 to index
        %get3A_208 = tpu.vector_load %arg7[%get3A_207] {strides = array<i32>} : memref<32768xf32, #tpu.memory_space<vmem>>, vector<16xf32>,
        %max3A_209 = arith.constant 1.000000e+00 : f32
        %max3A_210 = vector.broadcast %max3A_209 : f32 to vector<16xf32>
        %max3A_211 = arith.maximumf %get3A_208, %max3A_210 : vector<16xf32>
        %div3A_212 = arith.constant 1.000000e+00 : f32
        %div3A_213 = vector.broadcast %div3A_212 : f32 to vector<16xf32>
        %div3A_214 = arith.divf %div3A_213, %max3A_211 : vector<16xf32>
        %swap3A_215 = arith.index_cast %mul3A_206 : i32 to index
        %swap3A_216 = tpu.vector_load %arg7[%swap3A_215] {strides = array<i32>} : memref<32768xf32, #tpu.memory_space<vmem>>, vector<16xf32>,
        tpu.vector_store %arg7[%swap3A_215], %div3A_214 {strides = array<i32>} : memref<32768xf32, #tpu.memory_space<vmem>>, vector<16xf32>,
        %mul3A_217 = arith.constant 8 : i32
        %mul3A_218 = arith.muli %scan3A_108, %mul3A_217 : i32
        %add3A_219 = arith.constant 7 : i32
        %add3A_220 = arith.addi %mul3A_218, %add3A_219 : i32
        %mul3A_221 = arith.constant 16 : i32
        %mul3A_222 = arith.muli %add3A_220, %mul3A_221 : i32
        %get3A_223 = arith.index_cast %mul3A_222 : i32 to index
        %get3A_224 = tpu.vector_load %arg7[%get3A_223] {strides = array<i32>} : memref<32768xf32, #tpu.memory_space<vmem>>, vector<16xf32>,
        %max3A_225 = arith.constant 1.000000e+00 : f32
        %max3A_226 = vector.broadcast %max3A_225 : f32 to vector<16xf32>
        %max3A_227 = arith.maximumf %get3A_224, %max3A_226 : vector<16xf32>
        %div3A_228 = arith.constant 1.000000e+00 : f32
        %div3A_229 = vector.broadcast %div3A_228 : f32 to vector<16xf32>
        %div3A_230 = arith.divf %div3A_229, %max3A_227 : vector<16xf32>
        %swap3A_231 = arith.index_cast %mul3A_222 : i32 to index
        %swap3A_232 = tpu.vector_load %arg7[%swap3A_231] {strides = array<i32>} : memref<32768xf32, #tpu.memory_space<vmem>>, vector<16xf32>,
        tpu.vector_store %arg7[%swap3A_231], %div3A_230 {strides = array<i32>} : memref<32768xf32, #tpu.memory_space<vmem>>, vector<16xf32>,
      }
      %scan3A_27 = arith.constant 256 : i32
      %mul3A_28 = arith.constant 2 : i32
      %mul3A_29 = arith.muli %add3A, %mul3A_28 : i32
      %add3A_30 = arith.constant 0 : i32
      %add3A_31 = arith.addi %mul3A_29, %add3A_30 : i32
      %scan3A_32 = arith.constant 0 : i32
      %scan3A_33 = arith.constant 0 : i32
      %scan3A_34 = arith.constant 256 : i32
      %scan3A_35 = arith.addi %scan3A_33, %scan3A_34 : i32
      %scan3A_36 = arith.constant 1 : i32
      scf.for %scan3A_108 = %scan3A_33 to %scan3A_35 step %scan3A_36  : i32 {
        %mul3A_109 = arith.constant 8 : i32
        %mul3A_110 = arith.muli %scan3A_108, %mul3A_109 : i32
        %add3A_111 = arith.constant 0 : i32
        %add3A_112 = arith.addi %mul3A_110, %add3A_111 : i32
        %mul3A_113 = arith.constant 16 : i32
        %mul3A_114 = arith.muli %add3A_112, %mul3A_113 : i32
        %swap3A = arith.index_cast %mul3A_114 : i32 to index
        %swap3A_115 = tpu.vector_load %arg6[%swap3A] {strides = array<i32>} : memref<32768xf32, #tpu.memory_space<vmem>>, vector<16xf32>,
        tpu.vector_store %arg6[%swap3A], %broadcast_in_dim3A_1 {strides = array<i32>} : memref<32768xf32, #tpu.memory_space<vmem>>, vector<16xf32>,
        %mul3A_116 = arith.constant 8 : i32
        %mul3A_117 = arith.muli %scan3A_108, %mul3A_116 : i32
        %add3A_118 = arith.constant 1 : i32
        %add3A_119 = arith.addi %mul3A_117, %add3A_118 : i32
        %mul3A_120 = arith.constant 16 : i32
        %mul3A_121 = arith.muli %add3A_119, %mul3A_120 : i32
        %swap3A_122 = arith.index_cast %mul3A_121 : i32 to index
        %swap3A_123 = tpu.vector_load %arg6[%swap3A_122] {strides = array<i32>} : memref<32768xf32, #tpu.memory_space<vmem>>, vector<16xf32>,
        tpu.vector_store %arg6[%swap3A_122], %broadcast_in_dim3A_1 {strides = array<i32>} : memref<32768xf32, #tpu.memory_space<vmem>>, vector<16xf32>,
        %mul3A_124 = arith.constant 8 : i32
        %mul3A_125 = arith.muli %scan3A_108, %mul3A_124 : i32
        %add3A_126 = arith.constant 2 : i32
        %add3A_127 = arith.addi %mul3A_125, %add3A_126 : i32
        %mul3A_128 = arith.constant 16 : i32
        %mul3A_129 = arith.muli %add3A_127, %mul3A_128 : i32
        %swap3A_130 = arith.index_cast %mul3A_129 : i32 to index
        %swap3A_131 = tpu.vector_load %arg6[%swap3A_130] {strides = array<i32>} : memref<32768xf32, #tpu.memory_space<vmem>>, vector<16xf32>,
        tpu.vector_store %arg6[%swap3A_130], %broadcast_in_dim3A_1 {strides = array<i32>} : memref<32768xf32, #tpu.memory_space<vmem>>, vector<16xf32>,
        %mul3A_132 = arith.constant 8 : i32
        %mul3A_133 = arith.muli %scan3A_108, %mul3A_132 : i32
        %add3A_134 = arith.constant 3 : i32
        %add3A_135 = arith.addi %mul3A_133, %add3A_134 : i32
        %mul3A_136 = arith.constant 16 : i32
        %mul3A_137 = arith.muli %add3A_135, %mul3A_136 : i32
        %swap3A_138 = arith.index_cast %mul3A_137 : i32 to index
        %swap3A_139 = tpu.vector_load %arg6[%swap3A_138] {strides = array<i32>} : memref<32768xf32, #tpu.memory_space<vmem>>, vector<16xf32>,
        tpu.vector_store %arg6[%swap3A_138], %broadcast_in_dim3A_1 {strides = array<i32>} : memref<32768xf32, #tpu.memory_space<vmem>>, vector<16xf32>,
        %mul3A_140 = arith.constant 8 : i32
        %mul3A_141 = arith.muli %scan3A_108, %mul3A_140 : i32
        %add3A_142 = arith.constant 4 : i32
        %add3A_143 = arith.addi %mul3A_141, %add3A_142 : i32
        %mul3A_144 = arith.constant 16 : i32
        %mul3A_145 = arith.muli %add3A_143, %mul3A_144 : i32
        %swap3A_146 = arith.index_cast %mul3A_145 : i32 to index
        %swap3A_147 = tpu.vector_load %arg6[%swap3A_146] {strides = array<i32>} : memref<32768xf32, #tpu.memory_space<vmem>>, vector<16xf32>,
        tpu.vector_store %arg6[%swap3A_146], %broadcast_in_dim3A_1 {strides = array<i32>} : memref<32768xf32, #tpu.memory_space<vmem>>, vector<16xf32>,
        %mul3A_148 = arith.constant 8 : i32
        %mul3A_149 = arith.muli %scan3A_108, %mul3A_148 : i32
        %add3A_150 = arith.constant 5 : i32
        %add3A_151 = arith.addi %mul3A_149, %add3A_150 : i32
        %mul3A_152 = arith.constant 16 : i32
        %mul3A_153 = arith.muli %add3A_151, %mul3A_152 : i32
        %swap3A_154 = arith.index_cast %mul3A_153 : i32 to index
        %swap3A_155 = tpu.vector_load %arg6[%swap3A_154] {strides = array<i32>} : memref<32768xf32, #tpu.memory_space<vmem>>, vector<16xf32>,
        tpu.vector_store %arg6[%swap3A_154], %broadcast_in_dim3A_1 {strides = array<i32>} : memref<32768xf32, #tpu.memory_space<vmem>>, vector<16xf32>,
        %mul3A_156 = arith.constant 8 : i32
        %mul3A_157 = arith.muli %scan3A_108, %mul3A_156 : i32
        %add3A_158 = arith.constant 6 : i32
        %add3A_159 = arith.addi %mul3A_157, %add3A_158 : i32
        %mul3A_160 = arith.constant 16 : i32
        %mul3A_161 = arith.muli %add3A_159, %mul3A_160 : i32
        %swap3A_162 = arith.index_cast %mul3A_161 : i32 to index
        %swap3A_163 = tpu.vector_load %arg6[%swap3A_162] {strides = array<i32>} : memref<32768xf32, #tpu.memory_space<vmem>>, vector<16xf32>,
        tpu.vector_store %arg6[%swap3A_162], %broadcast_in_dim3A_1 {strides = array<i32>} : memref<32768xf32, #tpu.memory_space<vmem>>, vector<16xf32>,
        %mul3A_164 = arith.constant 8 : i32
        %mul3A_165 = arith.muli %scan3A_108, %mul3A_164 : i32
        %add3A_166 = arith.constant 7 : i32
        %add3A_167 = arith.addi %mul3A_165, %add3A_166 : i32
        %mul3A_168 = arith.constant 16 : i32
        %mul3A_169 = arith.muli %add3A_167, %mul3A_168 : i32
        %swap3A_170 = arith.index_cast %mul3A_169 : i32 to index
        %swap3A_171 = tpu.vector_load %arg6[%swap3A_170] {strides = array<i32>} : memref<32768xf32, #tpu.memory_space<vmem>>, vector<16xf32>,
        tpu.vector_store %arg6[%swap3A_170], %broadcast_in_dim3A_1 {strides = array<i32>} : memref<32768xf32, #tpu.memory_space<vmem>>, vector<16xf32>,
      }
      %scan3A_37 = arith.constant 256 : i32
      "tpu.region"() ({
        %run_scoped3A = tpu.sem_alloc : memref<!tpu.dma_semaphore, #tpu.memory_space<semaphore_mem>>
        %dma_start3A = arith.constant 0 : i32
        %dma_start3A_108 = tpu.memref_slice %arg2[%scan3A_9, %add3A_31, %dma_start3A] : memref<8x64x32768xf32, #tpu.memory_space<hbm>> -> memref<1x1x8192xf32, #tpu.memory_space<hbm>>
        %dma_start3A_109 = tpu.memref_squeeze %dma_start3A_108 : memref<1x1x8192xf32, #tpu.memory_space<hbm>> -> memref<8192xf32, #tpu.memory_space<hbm>>
        %dma_start3A_110 = arith.constant 0 : i32
        %dma_start3A_111 = tpu.memref_slice %arg2[%scan3A_9, %add3A_31, %dma_start3A_110] : memref<8x64x32768xf32, #tpu.memory_space<hbm>> -> memref<1x1x8192xf32, #tpu.memory_space<hbm>>
        %dma_start3A_112 = tpu.memref_squeeze %dma_start3A_111 : memref<1x1x8192xf32, #tpu.memory_space<hbm>> -> memref<8192xf32, #tpu.memory_space<hbm>>
        tpu.enqueue_dma source(%dma_start3A_112 : memref<8192xf32, #tpu.memory_space<hbm>>) target(%arg8 : memref<8192xf32, #tpu.memory_space<vmem>>) target_semaphore(%run_scoped3A : memref<!tpu.dma_semaphore, #tpu.memory_space<semaphore_mem>>)
        %dma_wait3A = arith.constant 0 : i32
        %dma_wait3A_113 = tpu.memref_slice %arg2[%scan3A_9, %add3A_31, %dma_wait3A] : memref<8x64x32768xf32, #tpu.memory_space<hbm>> -> memref<1x1x8192xf32, #tpu.memory_space<hbm>>
        %dma_wait3A_114 = tpu.memref_squeeze %dma_wait3A_113 : memref<1x1x8192xf32, #tpu.memory_space<hbm>> -> memref<8192xf32, #tpu.memory_space<hbm>>
        %dma_wait3A_115 = arith.constant 0 : i32
        %dma_wait3A_116 = tpu.memref_slice %arg2[%scan3A_9, %add3A_31, %dma_wait3A_115] : memref<8x64x32768xf32, #tpu.memory_space<hbm>> -> memref<1x1x8192xf32, #tpu.memory_space<hbm>>
        %dma_wait3A_117 = tpu.memref_squeeze %dma_wait3A_116 : memref<1x1x8192xf32, #tpu.memory_space<hbm>> -> memref<8192xf32, #tpu.memory_space<hbm>>
        tpu.wait_dma2 semaphore(%run_scoped3A : memref<!tpu.dma_semaphore, #tpu.memory_space<semaphore_mem>>) src(%dma_wait3A_117 : memref<8192xf32, #tpu.memory_space<hbm>>) dst(%arg8 : memref<8192xf32, #tpu.memory_space<vmem>>)
        tpu.yield
      }) : () -> ()
      %scan3A_38 = arith.constant 0 : i32
      %scan3A_39 = arith.constant 0 : i32
      %scan3A_40 = arith.constant 64 : i32
      %scan3A_41 = arith.addi %scan3A_39, %scan3A_40 : i32
      %scan3A_42 = arith.constant 1 : i32
      scf.for %scan3A_108 = %scan3A_39 to %scan3A_41 step %scan3A_42  : i32 {
        %mul3A_109 = arith.constant 8 : i32
        %mul3A_110 = arith.muli %scan3A_108, %mul3A_109 : i32
        %add3A_111 = arith.constant 0 : i32
        %add3A_112 = arith.addi %mul3A_110, %add3A_111 : i32
        %mul3A_113 = arith.constant 16 : i32
        %mul3A_114 = arith.muli %add3A_112, %mul3A_113 : i32
        %add3A_115 = arith.constant 0 : i32
        %add3A_116 = arith.addi %add3A_115, %mul3A_114 : i32
        %get3A = arith.index_cast %add3A_116 : i32 to index
        %get3A_117 = tpu.vector_load %arg5[%get3A] {strides = array<i32>} : memref<32768xi32, #tpu.memory_space<vmem>>, vector<16xi32>,
        %mul3A_118 = arith.constant 16 : i32
        %mul3A_119 = arith.muli %add3A_112, %mul3A_118 : i32
        %get3A_120 = arith.index_cast %mul3A_119 : i32 to index
        %get3A_121 = tpu.vector_load %arg8[%get3A_120] {strides = array<i32>} : memref<8192xf32, #tpu.memory_space<vmem>>, vector<16xf32>,
        tpu.vector_store_idx %arg6[%get3A_117], %get3A_121 {add = true} : memref<32768xf32, #tpu.memory_space<vmem>>[vector<16xi32>], vector<16xf32>,
        %mul3A_122 = arith.constant 8 : i32
        %mul3A_123 = arith.muli %scan3A_108, %mul3A_122 : i32
        %add3A_124 = arith.constant 1 : i32
        %add3A_125 = arith.addi %mul3A_123, %add3A_124 : i32
        %mul3A_126 = arith.constant 16 : i32
        %mul3A_127 = arith.muli %add3A_125, %mul3A_126 : i32
        %add3A_128 = arith.constant 0 : i32
        %add3A_129 = arith.addi %add3A_128, %mul3A_127 : i32
        %get3A_130 = arith.index_cast %add3A_129 : i32 to index
        %get3A_131 = tpu.vector_load %arg5[%get3A_130] {strides = array<i32>} : memref<32768xi32, #tpu.memory_space<vmem>>, vector<16xi32>,
        %mul3A_132 = arith.constant 16 : i32
        %mul3A_133 = arith.muli %add3A_125, %mul3A_132 : i32
        %get3A_134 = arith.index_cast %mul3A_133 : i32 to index
        %get3A_135 = tpu.vector_load %arg8[%get3A_134] {strides = array<i32>} : memref<8192xf32, #tpu.memory_space<vmem>>, vector<16xf32>,
        tpu.vector_store_idx %arg6[%get3A_131], %get3A_135 {add = true} : memref<32768xf32, #tpu.memory_space<vmem>>[vector<16xi32>], vector<16xf32>,
        %mul3A_136 = arith.constant 8 : i32
        %mul3A_137 = arith.muli %scan3A_108, %mul3A_136 : i32
        %add3A_138 = arith.constant 2 : i32
        %add3A_139 = arith.addi %mul3A_137, %add3A_138 : i32
        %mul3A_140 = arith.constant 16 : i32
        %mul3A_141 = arith.muli %add3A_139, %mul3A_140 : i32
        %add3A_142 = arith.constant 0 : i32
        %add3A_143 = arith.addi %add3A_142, %mul3A_141 : i32
        %get3A_144 = arith.index_cast %add3A_143 : i32 to index
        %get3A_145 = tpu.vector_load %arg5[%get3A_144] {strides = array<i32>} : memref<32768xi32, #tpu.memory_space<vmem>>, vector<16xi32>,
        %mul3A_146 = arith.constant 16 : i32
        %mul3A_147 = arith.muli %add3A_139, %mul3A_146 : i32
        %get3A_148 = arith.index_cast %mul3A_147 : i32 to index
        %get3A_149 = tpu.vector_load %arg8[%get3A_148] {strides = array<i32>} : memref<8192xf32, #tpu.memory_space<vmem>>, vector<16xf32>,
        tpu.vector_store_idx %arg6[%get3A_145], %get3A_149 {add = true} : memref<32768xf32, #tpu.memory_space<vmem>>[vector<16xi32>], vector<16xf32>,
        %mul3A_150 = arith.constant 8 : i32
        %mul3A_151 = arith.muli %scan3A_108, %mul3A_150 : i32
        %add3A_152 = arith.constant 3 : i32
        %add3A_153 = arith.addi %mul3A_151, %add3A_152 : i32
        %mul3A_154 = arith.constant 16 : i32
        %mul3A_155 = arith.muli %add3A_153, %mul3A_154 : i32
        %add3A_156 = arith.constant 0 : i32
        %add3A_157 = arith.addi %add3A_156, %mul3A_155 : i32
        %get3A_158 = arith.index_cast %add3A_157 : i32 to index
        %get3A_159 = tpu.vector_load %arg5[%get3A_158] {strides = array<i32>} : memref<32768xi32, #tpu.memory_space<vmem>>, vector<16xi32>,
        %mul3A_160 = arith.constant 16 : i32
        %mul3A_161 = arith.muli %add3A_153, %mul3A_160 : i32
        %get3A_162 = arith.index_cast %mul3A_161 : i32 to index
        %get3A_163 = tpu.vector_load %arg8[%get3A_162] {strides = array<i32>} : memref<8192xf32, #tpu.memory_space<vmem>>, vector<16xf32>,
        tpu.vector_store_idx %arg6[%get3A_159], %get3A_163 {add = true} : memref<32768xf32, #tpu.memory_space<vmem>>[vector<16xi32>], vector<16xf32>,
        %mul3A_164 = arith.constant 8 : i32
        %mul3A_165 = arith.muli %scan3A_108, %mul3A_164 : i32
        %add3A_166 = arith.constant 4 : i32
        %add3A_167 = arith.addi %mul3A_165, %add3A_166 : i32
        %mul3A_168 = arith.constant 16 : i32
        %mul3A_169 = arith.muli %add3A_167, %mul3A_168 : i32
        %add3A_170 = arith.constant 0 : i32
        %add3A_171 = arith.addi %add3A_170, %mul3A_169 : i32
        %get3A_172 = arith.index_cast %add3A_171 : i32 to index
        %get3A_173 = tpu.vector_load %arg5[%get3A_172] {strides = array<i32>} : memref<32768xi32, #tpu.memory_space<vmem>>, vector<16xi32>,
        %mul3A_174 = arith.constant 16 : i32
        %mul3A_175 = arith.muli %add3A_167, %mul3A_174 : i32
        %get3A_176 = arith.index_cast %mul3A_175 : i32 to index
        %get3A_177 = tpu.vector_load %arg8[%get3A_176] {strides = array<i32>} : memref<8192xf32, #tpu.memory_space<vmem>>, vector<16xf32>,
        tpu.vector_store_idx %arg6[%get3A_173], %get3A_177 {add = true} : memref<32768xf32, #tpu.memory_space<vmem>>[vector<16xi32>], vector<16xf32>,
        %mul3A_178 = arith.constant 8 : i32
        %mul3A_179 = arith.muli %scan3A_108, %mul3A_178 : i32
        %add3A_180 = arith.constant 5 : i32
        %add3A_181 = arith.addi %mul3A_179, %add3A_180 : i32
        %mul3A_182 = arith.constant 16 : i32
        %mul3A_183 = arith.muli %add3A_181, %mul3A_182 : i32
        %add3A_184 = arith.constant 0 : i32
        %add3A_185 = arith.addi %add3A_184, %mul3A_183 : i32
        %get3A_186 = arith.index_cast %add3A_185 : i32 to index
        %get3A_187 = tpu.vector_load %arg5[%get3A_186] {strides = array<i32>} : memref<32768xi32, #tpu.memory_space<vmem>>, vector<16xi32>,
        %mul3A_188 = arith.constant 16 : i32
        %mul3A_189 = arith.muli %add3A_181, %mul3A_188 : i32
        %get3A_190 = arith.index_cast %mul3A_189 : i32 to index
        %get3A_191 = tpu.vector_load %arg8[%get3A_190] {strides = array<i32>} : memref<8192xf32, #tpu.memory_space<vmem>>, vector<16xf32>,
        tpu.vector_store_idx %arg6[%get3A_187], %get3A_191 {add = true} : memref<32768xf32, #tpu.memory_space<vmem>>[vector<16xi32>], vector<16xf32>,
        %mul3A_192 = arith.constant 8 : i32
        %mul3A_193 = arith.muli %scan3A_108, %mul3A_192 : i32
        %add3A_194 = arith.constant 6 : i32
        %add3A_195 = arith.addi %mul3A_193, %add3A_194 : i32
        %mul3A_196 = arith.constant 16 : i32
        %mul3A_197 = arith.muli %add3A_195, %mul3A_196 : i32
        %add3A_198 = arith.constant 0 : i32
        %add3A_199 = arith.addi %add3A_198, %mul3A_197 : i32
        %get3A_200 = arith.index_cast %add3A_199 : i32 to index
        %get3A_201 = tpu.vector_load %arg5[%get3A_200] {strides = array<i32>} : memref<32768xi32, #tpu.memory_space<vmem>>, vector<16xi32>,
        %mul3A_202 = arith.constant 16 : i32
        %mul3A_203 = arith.muli %add3A_195, %mul3A_202 : i32
        %get3A_204 = arith.index_cast %mul3A_203 : i32 to index
        %get3A_205 = tpu.vector_load %arg8[%get3A_204] {strides = array<i32>} : memref<8192xf32, #tpu.memory_space<vmem>>, vector<16xf32>,
        tpu.vector_store_idx %arg6[%get3A_201], %get3A_205 {add = true} : memref<32768xf32, #tpu.memory_space<vmem>>[vector<16xi32>], vector<16xf32>,
        %mul3A_206 = arith.constant 8 : i32
        %mul3A_207 = arith.muli %scan3A_108, %mul3A_206 : i32
        %add3A_208 = arith.constant 7 : i32
        %add3A_209 = arith.addi %mul3A_207, %add3A_208 : i32
        %mul3A_210 = arith.constant 16 : i32
        %mul3A_211 = arith.muli %add3A_209, %mul3A_210 : i32
        %add3A_212 = arith.constant 0 : i32
        %add3A_213 = arith.addi %add3A_212, %mul3A_211 : i32
        %get3A_214 = arith.index_cast %add3A_213 : i32 to index
        %get3A_215 = tpu.vector_load %arg5[%get3A_214] {strides = array<i32>} : memref<32768xi32, #tpu.memory_space<vmem>>, vector<16xi32>,
        %mul3A_216 = arith.constant 16 : i32
        %mul3A_217 = arith.muli %add3A_209, %mul3A_216 : i32
        %get3A_218 = arith.index_cast %mul3A_217 : i32 to index
        %get3A_219 = tpu.vector_load %arg8[%get3A_218] {strides = array<i32>} : memref<8192xf32, #tpu.memory_space<vmem>>, vector<16xf32>,
        tpu.vector_store_idx %arg6[%get3A_215], %get3A_219 {add = true} : memref<32768xf32, #tpu.memory_space<vmem>>[vector<16xi32>], vector<16xf32>,
      }
      %scan3A_43 = arith.constant 64 : i32
      "tpu.region"() ({
        %run_scoped3A = tpu.sem_alloc : memref<!tpu.dma_semaphore, #tpu.memory_space<semaphore_mem>>
        %dma_start3A = arith.constant 8192 : i32
        %dma_start3A_108 = tpu.memref_slice %arg2[%scan3A_9, %add3A_31, %dma_start3A] : memref<8x64x32768xf32, #tpu.memory_space<hbm>> -> memref<1x1x8192xf32, #tpu.memory_space<hbm>>
        %dma_start3A_109 = tpu.memref_squeeze %dma_start3A_108 : memref<1x1x8192xf32, #tpu.memory_space<hbm>> -> memref<8192xf32, #tpu.memory_space<hbm>>
        %dma_start3A_110 = arith.constant 8192 : i32
        %dma_start3A_111 = tpu.memref_slice %arg2[%scan3A_9, %add3A_31, %dma_start3A_110] : memref<8x64x32768xf32, #tpu.memory_space<hbm>> -> memref<1x1x8192xf32, #tpu.memory_space<hbm>>
        %dma_start3A_112 = tpu.memref_squeeze %dma_start3A_111 : memref<1x1x8192xf32, #tpu.memory_space<hbm>> -> memref<8192xf32, #tpu.memory_space<hbm>>
        tpu.enqueue_dma source(%dma_start3A_112 : memref<8192xf32, #tpu.memory_space<hbm>>) target(%arg8 : memref<8192xf32, #tpu.memory_space<vmem>>) target_semaphore(%run_scoped3A : memref<!tpu.dma_semaphore, #tpu.memory_space<semaphore_mem>>)
        %dma_wait3A = arith.constant 8192 : i32
        %dma_wait3A_113 = tpu.memref_slice %arg2[%scan3A_9, %add3A_31, %dma_wait3A] : memref<8x64x32768xf32, #tpu.memory_space<hbm>> -> memref<1x1x8192xf32, #tpu.memory_space<hbm>>
        %dma_wait3A_114 = tpu.memref_squeeze %dma_wait3A_113 : memref<1x1x8192xf32, #tpu.memory_space<hbm>> -> memref<8192xf32, #tpu.memory_space<hbm>>
        %dma_wait3A_115 = arith.constant 8192 : i32
        %dma_wait3A_116 = tpu.memref_slice %arg2[%scan3A_9, %add3A_31, %dma_wait3A_115] : memref<8x64x32768xf32, #tpu.memory_space<hbm>> -> memref<1x1x8192xf32, #tpu.memory_space<hbm>>
        %dma_wait3A_117 = tpu.memref_squeeze %dma_wait3A_116 : memref<1x1x8192xf32, #tpu.memory_space<hbm>> -> memref<8192xf32, #tpu.memory_space<hbm>>
        tpu.wait_dma2 semaphore(%run_scoped3A : memref<!tpu.dma_semaphore, #tpu.memory_space<semaphore_mem>>) src(%dma_wait3A_117 : memref<8192xf32, #tpu.memory_space<hbm>>) dst(%arg8 : memref<8192xf32, #tpu.memory_space<vmem>>)
        tpu.yield
      }) : () -> ()
      %scan3A_44 = arith.constant 0 : i32
      %scan3A_45 = arith.constant 0 : i32
      %scan3A_46 = arith.constant 64 : i32
      %scan3A_47 = arith.addi %scan3A_45, %scan3A_46 : i32
      %scan3A_48 = arith.constant 1 : i32
      scf.for %scan3A_108 = %scan3A_45 to %scan3A_47 step %scan3A_48  : i32 {
        %mul3A_109 = arith.constant 8 : i32
        %mul3A_110 = arith.muli %scan3A_108, %mul3A_109 : i32
        %add3A_111 = arith.constant 0 : i32
        %add3A_112 = arith.addi %mul3A_110, %add3A_111 : i32
        %mul3A_113 = arith.constant 16 : i32
        %mul3A_114 = arith.muli %add3A_112, %mul3A_113 : i32
        %add3A_115 = arith.constant 8192 : i32
        %add3A_116 = arith.addi %add3A_115, %mul3A_114 : i32
        %get3A = arith.index_cast %add3A_116 : i32 to index
        %get3A_117 = tpu.vector_load %arg5[%get3A] {strides = array<i32>} : memref<32768xi32, #tpu.memory_space<vmem>>, vector<16xi32>,
        %mul3A_118 = arith.constant 16 : i32
        %mul3A_119 = arith.muli %add3A_112, %mul3A_118 : i32
        %get3A_120 = arith.index_cast %mul3A_119 : i32 to index
        %get3A_121 = tpu.vector_load %arg8[%get3A_120] {strides = array<i32>} : memref<8192xf32, #tpu.memory_space<vmem>>, vector<16xf32>,
        tpu.vector_store_idx %arg6[%get3A_117], %get3A_121 {add = true} : memref<32768xf32, #tpu.memory_space<vmem>>[vector<16xi32>], vector<16xf32>,
        %mul3A_122 = arith.constant 8 : i32
        %mul3A_123 = arith.muli %scan3A_108, %mul3A_122 : i32
        %add3A_124 = arith.constant 1 : i32
        %add3A_125 = arith.addi %mul3A_123, %add3A_124 : i32
        %mul3A_126 = arith.constant 16 : i32
        %mul3A_127 = arith.muli %add3A_125, %mul3A_126 : i32
        %add3A_128 = arith.constant 8192 : i32
        %add3A_129 = arith.addi %add3A_128, %mul3A_127 : i32
        %get3A_130 = arith.index_cast %add3A_129 : i32 to index
        %get3A_131 = tpu.vector_load %arg5[%get3A_130] {strides = array<i32>} : memref<32768xi32, #tpu.memory_space<vmem>>, vector<16xi32>,
        %mul3A_132 = arith.constant 16 : i32
        %mul3A_133 = arith.muli %add3A_125, %mul3A_132 : i32
        %get3A_134 = arith.index_cast %mul3A_133 : i32 to index
        %get3A_135 = tpu.vector_load %arg8[%get3A_134] {strides = array<i32>} : memref<8192xf32, #tpu.memory_space<vmem>>, vector<16xf32>,
        tpu.vector_store_idx %arg6[%get3A_131], %get3A_135 {add = true} : memref<32768xf32, #tpu.memory_space<vmem>>[vector<16xi32>], vector<16xf32>,
        %mul3A_136 = arith.constant 8 : i32
        %mul3A_137 = arith.muli %scan3A_108, %mul3A_136 : i32
        %add3A_138 = arith.constant 2 : i32
        %add3A_139 = arith.addi %mul3A_137, %add3A_138 : i32
        %mul3A_140 = arith.constant 16 : i32
        %mul3A_141 = arith.muli %add3A_139, %mul3A_140 : i32
        %add3A_142 = arith.constant 8192 : i32
        %add3A_143 = arith.addi %add3A_142, %mul3A_141 : i32
        %get3A_144 = arith.index_cast %add3A_143 : i32 to index
        %get3A_145 = tpu.vector_load %arg5[%get3A_144] {strides = array<i32>} : memref<32768xi32, #tpu.memory_space<vmem>>, vector<16xi32>,
        %mul3A_146 = arith.constant 16 : i32
        %mul3A_147 = arith.muli %add3A_139, %mul3A_146 : i32
        %get3A_148 = arith.index_cast %mul3A_147 : i32 to index
        %get3A_149 = tpu.vector_load %arg8[%get3A_148] {strides = array<i32>} : memref<8192xf32, #tpu.memory_space<vmem>>, vector<16xf32>,
        tpu.vector_store_idx %arg6[%get3A_145], %get3A_149 {add = true} : memref<32768xf32, #tpu.memory_space<vmem>>[vector<16xi32>], vector<16xf32>,
        %mul3A_150 = arith.constant 8 : i32
        %mul3A_151 = arith.muli %scan3A_108, %mul3A_150 : i32
        %add3A_152 = arith.constant 3 : i32
        %add3A_153 = arith.addi %mul3A_151, %add3A_152 : i32
        %mul3A_154 = arith.constant 16 : i32
        %mul3A_155 = arith.muli %add3A_153, %mul3A_154 : i32
        %add3A_156 = arith.constant 8192 : i32
        %add3A_157 = arith.addi %add3A_156, %mul3A_155 : i32
        %get3A_158 = arith.index_cast %add3A_157 : i32 to index
        %get3A_159 = tpu.vector_load %arg5[%get3A_158] {strides = array<i32>} : memref<32768xi32, #tpu.memory_space<vmem>>, vector<16xi32>,
        %mul3A_160 = arith.constant 16 : i32
        %mul3A_161 = arith.muli %add3A_153, %mul3A_160 : i32
        %get3A_162 = arith.index_cast %mul3A_161 : i32 to index
        %get3A_163 = tpu.vector_load %arg8[%get3A_162] {strides = array<i32>} : memref<8192xf32, #tpu.memory_space<vmem>>, vector<16xf32>,
        tpu.vector_store_idx %arg6[%get3A_159], %get3A_163 {add = true} : memref<32768xf32, #tpu.memory_space<vmem>>[vector<16xi32>], vector<16xf32>,
        %mul3A_164 = arith.constant 8 : i32
        %mul3A_165 = arith.muli %scan3A_108, %mul3A_164 : i32
        %add3A_166 = arith.constant 4 : i32
        %add3A_167 = arith.addi %mul3A_165, %add3A_166 : i32
        %mul3A_168 = arith.constant 16 : i32
        %mul3A_169 = arith.muli %add3A_167, %mul3A_168 : i32
        %add3A_170 = arith.constant 8192 : i32
        %add3A_171 = arith.addi %add3A_170, %mul3A_169 : i32
        %get3A_172 = arith.index_cast %add3A_171 : i32 to index
        %get3A_173 = tpu.vector_load %arg5[%get3A_172] {strides = array<i32>} : memref<32768xi32, #tpu.memory_space<vmem>>, vector<16xi32>,
        %mul3A_174 = arith.constant 16 : i32
        %mul3A_175 = arith.muli %add3A_167, %mul3A_174 : i32
        %get3A_176 = arith.index_cast %mul3A_175 : i32 to index
        %get3A_177 = tpu.vector_load %arg8[%get3A_176] {strides = array<i32>} : memref<8192xf32, #tpu.memory_space<vmem>>, vector<16xf32>,
        tpu.vector_store_idx %arg6[%get3A_173], %get3A_177 {add = true} : memref<32768xf32, #tpu.memory_space<vmem>>[vector<16xi32>], vector<16xf32>,
        %mul3A_178 = arith.constant 8 : i32
        %mul3A_179 = arith.muli %scan3A_108, %mul3A_178 : i32
        %add3A_180 = arith.constant 5 : i32
        %add3A_181 = arith.addi %mul3A_179, %add3A_180 : i32
        %mul3A_182 = arith.constant 16 : i32
        %mul3A_183 = arith.muli %add3A_181, %mul3A_182 : i32
        %add3A_184 = arith.constant 8192 : i32
        %add3A_185 = arith.addi %add3A_184, %mul3A_183 : i32
        %get3A_186 = arith.index_cast %add3A_185 : i32 to index
        %get3A_187 = tpu.vector_load %arg5[%get3A_186] {strides = array<i32>} : memref<32768xi32, #tpu.memory_space<vmem>>, vector<16xi32>,
        %mul3A_188 = arith.constant 16 : i32
        %mul3A_189 = arith.muli %add3A_181, %mul3A_188 : i32
        %get3A_190 = arith.index_cast %mul3A_189 : i32 to index
        %get3A_191 = tpu.vector_load %arg8[%get3A_190] {strides = array<i32>} : memref<8192xf32, #tpu.memory_space<vmem>>, vector<16xf32>,
        tpu.vector_store_idx %arg6[%get3A_187], %get3A_191 {add = true} : memref<32768xf32, #tpu.memory_space<vmem>>[vector<16xi32>], vector<16xf32>,
        %mul3A_192 = arith.constant 8 : i32
        %mul3A_193 = arith.muli %scan3A_108, %mul3A_192 : i32
        %add3A_194 = arith.constant 6 : i32
        %add3A_195 = arith.addi %mul3A_193, %add3A_194 : i32
        %mul3A_196 = arith.constant 16 : i32
        %mul3A_197 = arith.muli %add3A_195, %mul3A_196 : i32
        %add3A_198 = arith.constant 8192 : i32
        %add3A_199 = arith.addi %add3A_198, %mul3A_197 : i32
        %get3A_200 = arith.index_cast %add3A_199 : i32 to index
        %get3A_201 = tpu.vector_load %arg5[%get3A_200] {strides = array<i32>} : memref<32768xi32, #tpu.memory_space<vmem>>, vector<16xi32>,
        %mul3A_202 = arith.constant 16 : i32
        %mul3A_203 = arith.muli %add3A_195, %mul3A_202 : i32
        %get3A_204 = arith.index_cast %mul3A_203 : i32 to index
        %get3A_205 = tpu.vector_load %arg8[%get3A_204] {strides = array<i32>} : memref<8192xf32, #tpu.memory_space<vmem>>, vector<16xf32>,
        tpu.vector_store_idx %arg6[%get3A_201], %get3A_205 {add = true} : memref<32768xf32, #tpu.memory_space<vmem>>[vector<16xi32>], vector<16xf32>,
        %mul3A_206 = arith.constant 8 : i32
        %mul3A_207 = arith.muli %scan3A_108, %mul3A_206 : i32
        %add3A_208 = arith.constant 7 : i32
        %add3A_209 = arith.addi %mul3A_207, %add3A_208 : i32
        %mul3A_210 = arith.constant 16 : i32
        %mul3A_211 = arith.muli %add3A_209, %mul3A_210 : i32
        %add3A_212 = arith.constant 8192 : i32
        %add3A_213 = arith.addi %add3A_212, %mul3A_211 : i32
        %get3A_214 = arith.index_cast %add3A_213 : i32 to index
        %get3A_215 = tpu.vector_load %arg5[%get3A_214] {strides = array<i32>} : memref<32768xi32, #tpu.memory_space<vmem>>, vector<16xi32>,
        %mul3A_216 = arith.constant 16 : i32
        %mul3A_217 = arith.muli %add3A_209, %mul3A_216 : i32
        %get3A_218 = arith.index_cast %mul3A_217 : i32 to index
        %get3A_219 = tpu.vector_load %arg8[%get3A_218] {strides = array<i32>} : memref<8192xf32, #tpu.memory_space<vmem>>, vector<16xf32>,
        tpu.vector_store_idx %arg6[%get3A_215], %get3A_219 {add = true} : memref<32768xf32, #tpu.memory_space<vmem>>[vector<16xi32>], vector<16xf32>,
      }
      %scan3A_49 = arith.constant 64 : i32
      "tpu.region"() ({
        %run_scoped3A = tpu.sem_alloc : memref<!tpu.dma_semaphore, #tpu.memory_space<semaphore_mem>>
        %dma_start3A = arith.constant 16384 : i32
        %dma_start3A_108 = tpu.memref_slice %arg2[%scan3A_9, %add3A_31, %dma_start3A] : memref<8x64x32768xf32, #tpu.memory_space<hbm>> -> memref<1x1x8192xf32, #tpu.memory_space<hbm>>
        %dma_start3A_109 = tpu.memref_squeeze %dma_start3A_108 : memref<1x1x8192xf32, #tpu.memory_space<hbm>> -> memref<8192xf32, #tpu.memory_space<hbm>>
        %dma_start3A_110 = arith.constant 16384 : i32
        %dma_start3A_111 = tpu.memref_slice %arg2[%scan3A_9, %add3A_31, %dma_start3A_110] : memref<8x64x32768xf32, #tpu.memory_space<hbm>> -> memref<1x1x8192xf32, #tpu.memory_space<hbm>>
        %dma_start3A_112 = tpu.memref_squeeze %dma_start3A_111 : memref<1x1x8192xf32, #tpu.memory_space<hbm>> -> memref<8192xf32, #tpu.memory_space<hbm>>
        tpu.enqueue_dma source(%dma_start3A_112 : memref<8192xf32, #tpu.memory_space<hbm>>) target(%arg8 : memref<8192xf32, #tpu.memory_space<vmem>>) target_semaphore(%run_scoped3A : memref<!tpu.dma_semaphore, #tpu.memory_space<semaphore_mem>>)
        %dma_wait3A = arith.constant 16384 : i32
        %dma_wait3A_113 = tpu.memref_slice %arg2[%scan3A_9, %add3A_31, %dma_wait3A] : memref<8x64x32768xf32, #tpu.memory_space<hbm>> -> memref<1x1x8192xf32, #tpu.memory_space<hbm>>
        %dma_wait3A_114 = tpu.memref_squeeze %dma_wait3A_113 : memref<1x1x8192xf32, #tpu.memory_space<hbm>> -> memref<8192xf32, #tpu.memory_space<hbm>>
        %dma_wait3A_115 = arith.constant 16384 : i32
        %dma_wait3A_116 = tpu.memref_slice %arg2[%scan3A_9, %add3A_31, %dma_wait3A_115] : memref<8x64x32768xf32, #tpu.memory_space<hbm>> -> memref<1x1x8192xf32, #tpu.memory_space<hbm>>
        %dma_wait3A_117 = tpu.memref_squeeze %dma_wait3A_116 : memref<1x1x8192xf32, #tpu.memory_space<hbm>> -> memref<8192xf32, #tpu.memory_space<hbm>>
        tpu.wait_dma2 semaphore(%run_scoped3A : memref<!tpu.dma_semaphore, #tpu.memory_space<semaphore_mem>>) src(%dma_wait3A_117 : memref<8192xf32, #tpu.memory_space<hbm>>) dst(%arg8 : memref<8192xf32, #tpu.memory_space<vmem>>)
        tpu.yield
      }) : () -> ()
      %scan3A_50 = arith.constant 0 : i32
      %scan3A_51 = arith.constant 0 : i32
      %scan3A_52 = arith.constant 64 : i32
      %scan3A_53 = arith.addi %scan3A_51, %scan3A_52 : i32
      %scan3A_54 = arith.constant 1 : i32
      scf.for %scan3A_108 = %scan3A_51 to %scan3A_53 step %scan3A_54  : i32 {
        %mul3A_109 = arith.constant 8 : i32
        %mul3A_110 = arith.muli %scan3A_108, %mul3A_109 : i32
        %add3A_111 = arith.constant 0 : i32
        %add3A_112 = arith.addi %mul3A_110, %add3A_111 : i32
        %mul3A_113 = arith.constant 16 : i32
        %mul3A_114 = arith.muli %add3A_112, %mul3A_113 : i32
        %add3A_115 = arith.constant 16384 : i32
        %add3A_116 = arith.addi %add3A_115, %mul3A_114 : i32
        %get3A = arith.index_cast %add3A_116 : i32 to index
        %get3A_117 = tpu.vector_load %arg5[%get3A] {strides = array<i32>} : memref<32768xi32, #tpu.memory_space<vmem>>, vector<16xi32>,
        %mul3A_118 = arith.constant 16 : i32
        %mul3A_119 = arith.muli %add3A_112, %mul3A_118 : i32
        %get3A_120 = arith.index_cast %mul3A_119 : i32 to index
        %get3A_121 = tpu.vector_load %arg8[%get3A_120] {strides = array<i32>} : memref<8192xf32, #tpu.memory_space<vmem>>, vector<16xf32>,
        tpu.vector_store_idx %arg6[%get3A_117], %get3A_121 {add = true} : memref<32768xf32, #tpu.memory_space<vmem>>[vector<16xi32>], vector<16xf32>,
        %mul3A_122 = arith.constant 8 : i32
        %mul3A_123 = arith.muli %scan3A_108, %mul3A_122 : i32
        %add3A_124 = arith.constant 1 : i32
        %add3A_125 = arith.addi %mul3A_123, %add3A_124 : i32
        %mul3A_126 = arith.constant 16 : i32
        %mul3A_127 = arith.muli %add3A_125, %mul3A_126 : i32
        %add3A_128 = arith.constant 16384 : i32
        %add3A_129 = arith.addi %add3A_128, %mul3A_127 : i32
        %get3A_130 = arith.index_cast %add3A_129 : i32 to index
        %get3A_131 = tpu.vector_load %arg5[%get3A_130] {strides = array<i32>} : memref<32768xi32, #tpu.memory_space<vmem>>, vector<16xi32>,
        %mul3A_132 = arith.constant 16 : i32
        %mul3A_133 = arith.muli %add3A_125, %mul3A_132 : i32
        %get3A_134 = arith.index_cast %mul3A_133 : i32 to index
        %get3A_135 = tpu.vector_load %arg8[%get3A_134] {strides = array<i32>} : memref<8192xf32, #tpu.memory_space<vmem>>, vector<16xf32>,
        tpu.vector_store_idx %arg6[%get3A_131], %get3A_135 {add = true} : memref<32768xf32, #tpu.memory_space<vmem>>[vector<16xi32>], vector<16xf32>,
        %mul3A_136 = arith.constant 8 : i32
        %mul3A_137 = arith.muli %scan3A_108, %mul3A_136 : i32
        %add3A_138 = arith.constant 2 : i32
        %add3A_139 = arith.addi %mul3A_137, %add3A_138 : i32
        %mul3A_140 = arith.constant 16 : i32
        %mul3A_141 = arith.muli %add3A_139, %mul3A_140 : i32
        %add3A_142 = arith.constant 16384 : i32
        %add3A_143 = arith.addi %add3A_142, %mul3A_141 : i32
        %get3A_144 = arith.index_cast %add3A_143 : i32 to index
        %get3A_145 = tpu.vector_load %arg5[%get3A_144] {strides = array<i32>} : memref<32768xi32, #tpu.memory_space<vmem>>, vector<16xi32>,
        %mul3A_146 = arith.constant 16 : i32
        %mul3A_147 = arith.muli %add3A_139, %mul3A_146 : i32
        %get3A_148 = arith.index_cast %mul3A_147 : i32 to index
        %get3A_149 = tpu.vector_load %arg8[%get3A_148] {strides = array<i32>} : memref<8192xf32, #tpu.memory_space<vmem>>, vector<16xf32>,
        tpu.vector_store_idx %arg6[%get3A_145], %get3A_149 {add = true} : memref<32768xf32, #tpu.memory_space<vmem>>[vector<16xi32>], vector<16xf32>,
        %mul3A_150 = arith.constant 8 : i32
        %mul3A_151 = arith.muli %scan3A_108, %mul3A_150 : i32
        %add3A_152 = arith.constant 3 : i32
        %add3A_153 = arith.addi %mul3A_151, %add3A_152 : i32
        %mul3A_154 = arith.constant 16 : i32
        %mul3A_155 = arith.muli %add3A_153, %mul3A_154 : i32
        %add3A_156 = arith.constant 16384 : i32
        %add3A_157 = arith.addi %add3A_156, %mul3A_155 : i32
        %get3A_158 = arith.index_cast %add3A_157 : i32 to index
        %get3A_159 = tpu.vector_load %arg5[%get3A_158] {strides = array<i32>} : memref<32768xi32, #tpu.memory_space<vmem>>, vector<16xi32>,
        %mul3A_160 = arith.constant 16 : i32
        %mul3A_161 = arith.muli %add3A_153, %mul3A_160 : i32
        %get3A_162 = arith.index_cast %mul3A_161 : i32 to index
        %get3A_163 = tpu.vector_load %arg8[%get3A_162] {strides = array<i32>} : memref<8192xf32, #tpu.memory_space<vmem>>, vector<16xf32>,
        tpu.vector_store_idx %arg6[%get3A_159], %get3A_163 {add = true} : memref<32768xf32, #tpu.memory_space<vmem>>[vector<16xi32>], vector<16xf32>,
        %mul3A_164 = arith.constant 8 : i32
        %mul3A_165 = arith.muli %scan3A_108, %mul3A_164 : i32
        %add3A_166 = arith.constant 4 : i32
        %add3A_167 = arith.addi %mul3A_165, %add3A_166 : i32
        %mul3A_168 = arith.constant 16 : i32
        %mul3A_169 = arith.muli %add3A_167, %mul3A_168 : i32
        %add3A_170 = arith.constant 16384 : i32
        %add3A_171 = arith.addi %add3A_170, %mul3A_169 : i32
        %get3A_172 = arith.index_cast %add3A_171 : i32 to index
        %get3A_173 = tpu.vector_load %arg5[%get3A_172] {strides = array<i32>} : memref<32768xi32, #tpu.memory_space<vmem>>, vector<16xi32>,
        %mul3A_174 = arith.constant 16 : i32
        %mul3A_175 = arith.muli %add3A_167, %mul3A_174 : i32
        %get3A_176 = arith.index_cast %mul3A_175 : i32 to index
        %get3A_177 = tpu.vector_load %arg8[%get3A_176] {strides = array<i32>} : memref<8192xf32, #tpu.memory_space<vmem>>, vector<16xf32>,
        tpu.vector_store_idx %arg6[%get3A_173], %get3A_177 {add = true} : memref<32768xf32, #tpu.memory_space<vmem>>[vector<16xi32>], vector<16xf32>,
        %mul3A_178 = arith.constant 8 : i32
        %mul3A_179 = arith.muli %scan3A_108, %mul3A_178 : i32
        %add3A_180 = arith.constant 5 : i32
        %add3A_181 = arith.addi %mul3A_179, %add3A_180 : i32
        %mul3A_182 = arith.constant 16 : i32
        %mul3A_183 = arith.muli %add3A_181, %mul3A_182 : i32
        %add3A_184 = arith.constant 16384 : i32
        %add3A_185 = arith.addi %add3A_184, %mul3A_183 : i32
        %get3A_186 = arith.index_cast %add3A_185 : i32 to index
        %get3A_187 = tpu.vector_load %arg5[%get3A_186] {strides = array<i32>} : memref<32768xi32, #tpu.memory_space<vmem>>, vector<16xi32>,
        %mul3A_188 = arith.constant 16 : i32
        %mul3A_189 = arith.muli %add3A_181, %mul3A_188 : i32
        %get3A_190 = arith.index_cast %mul3A_189 : i32 to index
        %get3A_191 = tpu.vector_load %arg8[%get3A_190] {strides = array<i32>} : memref<8192xf32, #tpu.memory_space<vmem>>, vector<16xf32>,
        tpu.vector_store_idx %arg6[%get3A_187], %get3A_191 {add = true} : memref<32768xf32, #tpu.memory_space<vmem>>[vector<16xi32>], vector<16xf32>,
        %mul3A_192 = arith.constant 8 : i32
        %mul3A_193 = arith.muli %scan3A_108, %mul3A_192 : i32
        %add3A_194 = arith.constant 6 : i32
        %add3A_195 = arith.addi %mul3A_193, %add3A_194 : i32
        %mul3A_196 = arith.constant 16 : i32
        %mul3A_197 = arith.muli %add3A_195, %mul3A_196 : i32
        %add3A_198 = arith.constant 16384 : i32
        %add3A_199 = arith.addi %add3A_198, %mul3A_197 : i32
        %get3A_200 = arith.index_cast %add3A_199 : i32 to index
        %get3A_201 = tpu.vector_load %arg5[%get3A_200] {strides = array<i32>} : memref<32768xi32, #tpu.memory_space<vmem>>, vector<16xi32>,
        %mul3A_202 = arith.constant 16 : i32
        %mul3A_203 = arith.muli %add3A_195, %mul3A_202 : i32
        %get3A_204 = arith.index_cast %mul3A_203 : i32 to index
        %get3A_205 = tpu.vector_load %arg8[%get3A_204] {strides = array<i32>} : memref<8192xf32, #tpu.memory_space<vmem>>, vector<16xf32>,
        tpu.vector_store_idx %arg6[%get3A_201], %get3A_205 {add = true} : memref<32768xf32, #tpu.memory_space<vmem>>[vector<16xi32>], vector<16xf32>,
        %mul3A_206 = arith.constant 8 : i32
        %mul3A_207 = arith.muli %scan3A_108, %mul3A_206 : i32
        %add3A_208 = arith.constant 7 : i32
        %add3A_209 = arith.addi %mul3A_207, %add3A_208 : i32
        %mul3A_210 = arith.constant 16 : i32
        %mul3A_211 = arith.muli %add3A_209, %mul3A_210 : i32
        %add3A_212 = arith.constant 16384 : i32
        %add3A_213 = arith.addi %add3A_212, %mul3A_211 : i32
        %get3A_214 = arith.index_cast %add3A_213 : i32 to index
        %get3A_215 = tpu.vector_load %arg5[%get3A_214] {strides = array<i32>} : memref<32768xi32, #tpu.memory_space<vmem>>, vector<16xi32>,
        %mul3A_216 = arith.constant 16 : i32
        %mul3A_217 = arith.muli %add3A_209, %mul3A_216 : i32
        %get3A_218 = arith.index_cast %mul3A_217 : i32 to index
        %get3A_219 = tpu.vector_load %arg8[%get3A_218] {strides = array<i32>} : memref<8192xf32, #tpu.memory_space<vmem>>, vector<16xf32>,
        tpu.vector_store_idx %arg6[%get3A_215], %get3A_219 {add = true} : memref<32768xf32, #tpu.memory_space<vmem>>[vector<16xi32>], vector<16xf32>,
      }
      %scan3A_55 = arith.constant 64 : i32
      "tpu.region"() ({
        %run_scoped3A = tpu.sem_alloc : memref<!tpu.dma_semaphore, #tpu.memory_space<semaphore_mem>>
        %dma_start3A = arith.constant 24576 : i32
        %dma_start3A_108 = tpu.memref_slice %arg2[%scan3A_9, %add3A_31, %dma_start3A] : memref<8x64x32768xf32, #tpu.memory_space<hbm>> -> memref<1x1x8192xf32, #tpu.memory_space<hbm>>
        %dma_start3A_109 = tpu.memref_squeeze %dma_start3A_108 : memref<1x1x8192xf32, #tpu.memory_space<hbm>> -> memref<8192xf32, #tpu.memory_space<hbm>>
        %dma_start3A_110 = arith.constant 24576 : i32
        %dma_start3A_111 = tpu.memref_slice %arg2[%scan3A_9, %add3A_31, %dma_start3A_110] : memref<8x64x32768xf32, #tpu.memory_space<hbm>> -> memref<1x1x8192xf32, #tpu.memory_space<hbm>>
        %dma_start3A_112 = tpu.memref_squeeze %dma_start3A_111 : memref<1x1x8192xf32, #tpu.memory_space<hbm>> -> memref<8192xf32, #tpu.memory_space<hbm>>
        tpu.enqueue_dma source(%dma_start3A_112 : memref<8192xf32, #tpu.memory_space<hbm>>) target(%arg8 : memref<8192xf32, #tpu.memory_space<vmem>>) target_semaphore(%run_scoped3A : memref<!tpu.dma_semaphore, #tpu.memory_space<semaphore_mem>>)
        %dma_wait3A = arith.constant 24576 : i32
        %dma_wait3A_113 = tpu.memref_slice %arg2[%scan3A_9, %add3A_31, %dma_wait3A] : memref<8x64x32768xf32, #tpu.memory_space<hbm>> -> memref<1x1x8192xf32, #tpu.memory_space<hbm>>
        %dma_wait3A_114 = tpu.memref_squeeze %dma_wait3A_113 : memref<1x1x8192xf32, #tpu.memory_space<hbm>> -> memref<8192xf32, #tpu.memory_space<hbm>>
        %dma_wait3A_115 = arith.constant 24576 : i32
        %dma_wait3A_116 = tpu.memref_slice %arg2[%scan3A_9, %add3A_31, %dma_wait3A_115] : memref<8x64x32768xf32, #tpu.memory_space<hbm>> -> memref<1x1x8192xf32, #tpu.memory_space<hbm>>
        %dma_wait3A_117 = tpu.memref_squeeze %dma_wait3A_116 : memref<1x1x8192xf32, #tpu.memory_space<hbm>> -> memref<8192xf32, #tpu.memory_space<hbm>>
        tpu.wait_dma2 semaphore(%run_scoped3A : memref<!tpu.dma_semaphore, #tpu.memory_space<semaphore_mem>>) src(%dma_wait3A_117 : memref<8192xf32, #tpu.memory_space<hbm>>) dst(%arg8 : memref<8192xf32, #tpu.memory_space<vmem>>)
        tpu.yield
      }) : () -> ()
      %scan3A_56 = arith.constant 0 : i32
      %scan3A_57 = arith.constant 0 : i32
      %scan3A_58 = arith.constant 64 : i32
      %scan3A_59 = arith.addi %scan3A_57, %scan3A_58 : i32
      %scan3A_60 = arith.constant 1 : i32
      scf.for %scan3A_108 = %scan3A_57 to %scan3A_59 step %scan3A_60  : i32 {
        %mul3A_109 = arith.constant 8 : i32
        %mul3A_110 = arith.muli %scan3A_108, %mul3A_109 : i32
        %add3A_111 = arith.constant 0 : i32
        %add3A_112 = arith.addi %mul3A_110, %add3A_111 : i32
        %mul3A_113 = arith.constant 16 : i32
        %mul3A_114 = arith.muli %add3A_112, %mul3A_113 : i32
        %add3A_115 = arith.constant 24576 : i32
        %add3A_116 = arith.addi %add3A_115, %mul3A_114 : i32
        %get3A = arith.index_cast %add3A_116 : i32 to index
        %get3A_117 = tpu.vector_load %arg5[%get3A] {strides = array<i32>} : memref<32768xi32, #tpu.memory_space<vmem>>, vector<16xi32>,
        %mul3A_118 = arith.constant 16 : i32
        %mul3A_119 = arith.muli %add3A_112, %mul3A_118 : i32
        %get3A_120 = arith.index_cast %mul3A_119 : i32 to index
        %get3A_121 = tpu.vector_load %arg8[%get3A_120] {strides = array<i32>} : memref<8192xf32, #tpu.memory_space<vmem>>, vector<16xf32>,
        tpu.vector_store_idx %arg6[%get3A_117], %get3A_121 {add = true} : memref<32768xf32, #tpu.memory_space<vmem>>[vector<16xi32>], vector<16xf32>,
        %mul3A_122 = arith.constant 8 : i32
        %mul3A_123 = arith.muli %scan3A_108, %mul3A_122 : i32
        %add3A_124 = arith.constant 1 : i32
        %add3A_125 = arith.addi %mul3A_123, %add3A_124 : i32
        %mul3A_126 = arith.constant 16 : i32
        %mul3A_127 = arith.muli %add3A_125, %mul3A_126 : i32
        %add3A_128 = arith.constant 24576 : i32
        %add3A_129 = arith.addi %add3A_128, %mul3A_127 : i32
        %get3A_130 = arith.index_cast %add3A_129 : i32 to index
        %get3A_131 = tpu.vector_load %arg5[%get3A_130] {strides = array<i32>} : memref<32768xi32, #tpu.memory_space<vmem>>, vector<16xi32>,
        %mul3A_132 = arith.constant 16 : i32
        %mul3A_133 = arith.muli %add3A_125, %mul3A_132 : i32
        %get3A_134 = arith.index_cast %mul3A_133 : i32 to index
        %get3A_135 = tpu.vector_load %arg8[%get3A_134] {strides = array<i32>} : memref<8192xf32, #tpu.memory_space<vmem>>, vector<16xf32>,
        tpu.vector_store_idx %arg6[%get3A_131], %get3A_135 {add = true} : memref<32768xf32, #tpu.memory_space<vmem>>[vector<16xi32>], vector<16xf32>,
        %mul3A_136 = arith.constant 8 : i32
        %mul3A_137 = arith.muli %scan3A_108, %mul3A_136 : i32
        %add3A_138 = arith.constant 2 : i32
        %add3A_139 = arith.addi %mul3A_137, %add3A_138 : i32
        %mul3A_140 = arith.constant 16 : i32
        %mul3A_141 = arith.muli %add3A_139, %mul3A_140 : i32
        %add3A_142 = arith.constant 24576 : i32
        %add3A_143 = arith.addi %add3A_142, %mul3A_141 : i32
        %get3A_144 = arith.index_cast %add3A_143 : i32 to index
        %get3A_145 = tpu.vector_load %arg5[%get3A_144] {strides = array<i32>} : memref<32768xi32, #tpu.memory_space<vmem>>, vector<16xi32>,
        %mul3A_146 = arith.constant 16 : i32
        %mul3A_147 = arith.muli %add3A_139, %mul3A_146 : i32
        %get3A_148 = arith.index_cast %mul3A_147 : i32 to index
        %get3A_149 = tpu.vector_load %arg8[%get3A_148] {strides = array<i32>} : memref<8192xf32, #tpu.memory_space<vmem>>, vector<16xf32>,
        tpu.vector_store_idx %arg6[%get3A_145], %get3A_149 {add = true} : memref<32768xf32, #tpu.memory_space<vmem>>[vector<16xi32>], vector<16xf32>,
        %mul3A_150 = arith.constant 8 : i32
        %mul3A_151 = arith.muli %scan3A_108, %mul3A_150 : i32
        %add3A_152 = arith.constant 3 : i32
        %add3A_153 = arith.addi %mul3A_151, %add3A_152 : i32
        %mul3A_154 = arith.constant 16 : i32
        %mul3A_155 = arith.muli %add3A_153, %mul3A_154 : i32
        %add3A_156 = arith.constant 24576 : i32
        %add3A_157 = arith.addi %add3A_156, %mul3A_155 : i32
        %get3A_158 = arith.index_cast %add3A_157 : i32 to index
        %get3A_159 = tpu.vector_load %arg5[%get3A_158] {strides = array<i32>} : memref<32768xi32, #tpu.memory_space<vmem>>, vector<16xi32>,
        %mul3A_160 = arith.constant 16 : i32
        %mul3A_161 = arith.muli %add3A_153, %mul3A_160 : i32
        %get3A_162 = arith.index_cast %mul3A_161 : i32 to index
        %get3A_163 = tpu.vector_load %arg8[%get3A_162] {strides = array<i32>} : memref<8192xf32, #tpu.memory_space<vmem>>, vector<16xf32>,
        tpu.vector_store_idx %arg6[%get3A_159], %get3A_163 {add = true} : memref<32768xf32, #tpu.memory_space<vmem>>[vector<16xi32>], vector<16xf32>,
        %mul3A_164 = arith.constant 8 : i32
        %mul3A_165 = arith.muli %scan3A_108, %mul3A_164 : i32
        %add3A_166 = arith.constant 4 : i32
        %add3A_167 = arith.addi %mul3A_165, %add3A_166 : i32
        %mul3A_168 = arith.constant 16 : i32
        %mul3A_169 = arith.muli %add3A_167, %mul3A_168 : i32
        %add3A_170 = arith.constant 24576 : i32
        %add3A_171 = arith.addi %add3A_170, %mul3A_169 : i32
        %get3A_172 = arith.index_cast %add3A_171 : i32 to index
        %get3A_173 = tpu.vector_load %arg5[%get3A_172] {strides = array<i32>} : memref<32768xi32, #tpu.memory_space<vmem>>, vector<16xi32>,
        %mul3A_174 = arith.constant 16 : i32
        %mul3A_175 = arith.muli %add3A_167, %mul3A_174 : i32
        %get3A_176 = arith.index_cast %mul3A_175 : i32 to index
        %get3A_177 = tpu.vector_load %arg8[%get3A_176] {strides = array<i32>} : memref<8192xf32, #tpu.memory_space<vmem>>, vector<16xf32>,
        tpu.vector_store_idx %arg6[%get3A_173], %get3A_177 {add = true} : memref<32768xf32, #tpu.memory_space<vmem>>[vector<16xi32>], vector<16xf32>,
        %mul3A_178 = arith.constant 8 : i32
        %mul3A_179 = arith.muli %scan3A_108, %mul3A_178 : i32
        %add3A_180 = arith.constant 5 : i32
        %add3A_181 = arith.addi %mul3A_179, %add3A_180 : i32
        %mul3A_182 = arith.constant 16 : i32
        %mul3A_183 = arith.muli %add3A_181, %mul3A_182 : i32
        %add3A_184 = arith.constant 24576 : i32
        %add3A_185 = arith.addi %add3A_184, %mul3A_183 : i32
        %get3A_186 = arith.index_cast %add3A_185 : i32 to index
        %get3A_187 = tpu.vector_load %arg5[%get3A_186] {strides = array<i32>} : memref<32768xi32, #tpu.memory_space<vmem>>, vector<16xi32>,
        %mul3A_188 = arith.constant 16 : i32
        %mul3A_189 = arith.muli %add3A_181, %mul3A_188 : i32
        %get3A_190 = arith.index_cast %mul3A_189 : i32 to index
        %get3A_191 = tpu.vector_load %arg8[%get3A_190] {strides = array<i32>} : memref<8192xf32, #tpu.memory_space<vmem>>, vector<16xf32>,
        tpu.vector_store_idx %arg6[%get3A_187], %get3A_191 {add = true} : memref<32768xf32, #tpu.memory_space<vmem>>[vector<16xi32>], vector<16xf32>,
        %mul3A_192 = arith.constant 8 : i32
        %mul3A_193 = arith.muli %scan3A_108, %mul3A_192 : i32
        %add3A_194 = arith.constant 6 : i32
        %add3A_195 = arith.addi %mul3A_193, %add3A_194 : i32
        %mul3A_196 = arith.constant 16 : i32
        %mul3A_197 = arith.muli %add3A_195, %mul3A_196 : i32
        %add3A_198 = arith.constant 24576 : i32
        %add3A_199 = arith.addi %add3A_198, %mul3A_197 : i32
        %get3A_200 = arith.index_cast %add3A_199 : i32 to index
        %get3A_201 = tpu.vector_load %arg5[%get3A_200] {strides = array<i32>} : memref<32768xi32, #tpu.memory_space<vmem>>, vector<16xi32>,
        %mul3A_202 = arith.constant 16 : i32
        %mul3A_203 = arith.muli %add3A_195, %mul3A_202 : i32
        %get3A_204 = arith.index_cast %mul3A_203 : i32 to index
        %get3A_205 = tpu.vector_load %arg8[%get3A_204] {strides = array<i32>} : memref<8192xf32, #tpu.memory_space<vmem>>, vector<16xf32>,
        tpu.vector_store_idx %arg6[%get3A_201], %get3A_205 {add = true} : memref<32768xf32, #tpu.memory_space<vmem>>[vector<16xi32>], vector<16xf32>,
        %mul3A_206 = arith.constant 8 : i32
        %mul3A_207 = arith.muli %scan3A_108, %mul3A_206 : i32
        %add3A_208 = arith.constant 7 : i32
        %add3A_209 = arith.addi %mul3A_207, %add3A_208 : i32
        %mul3A_210 = arith.constant 16 : i32
        %mul3A_211 = arith.muli %add3A_209, %mul3A_210 : i32
        %add3A_212 = arith.constant 24576 : i32
        %add3A_213 = arith.addi %add3A_212, %mul3A_211 : i32
        %get3A_214 = arith.index_cast %add3A_213 : i32 to index
        %get3A_215 = tpu.vector_load %arg5[%get3A_214] {strides = array<i32>} : memref<32768xi32, #tpu.memory_space<vmem>>, vector<16xi32>,
        %mul3A_216 = arith.constant 16 : i32
        %mul3A_217 = arith.muli %add3A_209, %mul3A_216 : i32
        %get3A_218 = arith.index_cast %mul3A_217 : i32 to index
        %get3A_219 = tpu.vector_load %arg8[%get3A_218] {strides = array<i32>} : memref<8192xf32, #tpu.memory_space<vmem>>, vector<16xf32>,
        tpu.vector_store_idx %arg6[%get3A_215], %get3A_219 {add = true} : memref<32768xf32, #tpu.memory_space<vmem>>[vector<16xi32>], vector<16xf32>,
      }
      %scan3A_61 = arith.constant 64 : i32
      %scan3A_62 = arith.constant 0 : i32
      %scan3A_63 = arith.constant 0 : i32
      %scan3A_64 = arith.constant 256 : i32
      %scan3A_65 = arith.addi %scan3A_63, %scan3A_64 : i32
      %scan3A_66 = arith.constant 1 : i32
      scf.for %scan3A_108 = %scan3A_63 to %scan3A_65 step %scan3A_66  : i32 {
        %mul3A_109 = arith.constant 8 : i32
        %mul3A_110 = arith.muli %scan3A_108, %mul3A_109 : i32
        %add3A_111 = arith.constant 0 : i32
        %add3A_112 = arith.addi %mul3A_110, %add3A_111 : i32
        %mul3A_113 = arith.constant 16 : i32
        %mul3A_114 = arith.muli %add3A_112, %mul3A_113 : i32
        %get3A = arith.index_cast %mul3A_114 : i32 to index
        %get3A_115 = tpu.vector_load %arg6[%get3A] {strides = array<i32>} : memref<32768xf32, #tpu.memory_space<vmem>>, vector<16xf32>,
        %get3A_116 = arith.index_cast %mul3A_114 : i32 to index
        %get3A_117 = tpu.vector_load %arg7[%get3A_116] {strides = array<i32>} : memref<32768xf32, #tpu.memory_space<vmem>>, vector<16xf32>,
        %mul3A_118 = arith.mulf %get3A_115, %get3A_117 : vector<16xf32>
        %swap3A = arith.index_cast %mul3A_114 : i32 to index
        %swap3A_119 = tpu.vector_load %arg6[%swap3A] {strides = array<i32>} : memref<32768xf32, #tpu.memory_space<vmem>>, vector<16xf32>,
        tpu.vector_store %arg6[%swap3A], %mul3A_118 {strides = array<i32>} : memref<32768xf32, #tpu.memory_space<vmem>>, vector<16xf32>,
        %mul3A_120 = arith.constant 8 : i32
        %mul3A_121 = arith.muli %scan3A_108, %mul3A_120 : i32
        %add3A_122 = arith.constant 1 : i32
        %add3A_123 = arith.addi %mul3A_121, %add3A_122 : i32
        %mul3A_124 = arith.constant 16 : i32
        %mul3A_125 = arith.muli %add3A_123, %mul3A_124 : i32
        %get3A_126 = arith.index_cast %mul3A_125 : i32 to index
        %get3A_127 = tpu.vector_load %arg6[%get3A_126] {strides = array<i32>} : memref<32768xf32, #tpu.memory_space<vmem>>, vector<16xf32>,
        %get3A_128 = arith.index_cast %mul3A_125 : i32 to index
        %get3A_129 = tpu.vector_load %arg7[%get3A_128] {strides = array<i32>} : memref<32768xf32, #tpu.memory_space<vmem>>, vector<16xf32>,
        %mul3A_130 = arith.mulf %get3A_127, %get3A_129 : vector<16xf32>
        %swap3A_131 = arith.index_cast %mul3A_125 : i32 to index
        %swap3A_132 = tpu.vector_load %arg6[%swap3A_131] {strides = array<i32>} : memref<32768xf32, #tpu.memory_space<vmem>>, vector<16xf32>,
        tpu.vector_store %arg6[%swap3A_131], %mul3A_130 {strides = array<i32>} : memref<32768xf32, #tpu.memory_space<vmem>>, vector<16xf32>,
        %mul3A_133 = arith.constant 8 : i32
        %mul3A_134 = arith.muli %scan3A_108, %mul3A_133 : i32
        %add3A_135 = arith.constant 2 : i32
        %add3A_136 = arith.addi %mul3A_134, %add3A_135 : i32
        %mul3A_137 = arith.constant 16 : i32
        %mul3A_138 = arith.muli %add3A_136, %mul3A_137 : i32
        %get3A_139 = arith.index_cast %mul3A_138 : i32 to index
        %get3A_140 = tpu.vector_load %arg6[%get3A_139] {strides = array<i32>} : memref<32768xf32, #tpu.memory_space<vmem>>, vector<16xf32>,
        %get3A_141 = arith.index_cast %mul3A_138 : i32 to index
        %get3A_142 = tpu.vector_load %arg7[%get3A_141] {strides = array<i32>} : memref<32768xf32, #tpu.memory_space<vmem>>, vector<16xf32>,
        %mul3A_143 = arith.mulf %get3A_140, %get3A_142 : vector<16xf32>
        %swap3A_144 = arith.index_cast %mul3A_138 : i32 to index
        %swap3A_145 = tpu.vector_load %arg6[%swap3A_144] {strides = array<i32>} : memref<32768xf32, #tpu.memory_space<vmem>>, vector<16xf32>,
        tpu.vector_store %arg6[%swap3A_144], %mul3A_143 {strides = array<i32>} : memref<32768xf32, #tpu.memory_space<vmem>>, vector<16xf32>,
        %mul3A_146 = arith.constant 8 : i32
        %mul3A_147 = arith.muli %scan3A_108, %mul3A_146 : i32
        %add3A_148 = arith.constant 3 : i32
        %add3A_149 = arith.addi %mul3A_147, %add3A_148 : i32
        %mul3A_150 = arith.constant 16 : i32
        %mul3A_151 = arith.muli %add3A_149, %mul3A_150 : i32
        %get3A_152 = arith.index_cast %mul3A_151 : i32 to index
        %get3A_153 = tpu.vector_load %arg6[%get3A_152] {strides = array<i32>} : memref<32768xf32, #tpu.memory_space<vmem>>, vector<16xf32>,
        %get3A_154 = arith.index_cast %mul3A_151 : i32 to index
        %get3A_155 = tpu.vector_load %arg7[%get3A_154] {strides = array<i32>} : memref<32768xf32, #tpu.memory_space<vmem>>, vector<16xf32>,
        %mul3A_156 = arith.mulf %get3A_153, %get3A_155 : vector<16xf32>
        %swap3A_157 = arith.index_cast %mul3A_151 : i32 to index
        %swap3A_158 = tpu.vector_load %arg6[%swap3A_157] {strides = array<i32>} : memref<32768xf32, #tpu.memory_space<vmem>>, vector<16xf32>,
        tpu.vector_store %arg6[%swap3A_157], %mul3A_156 {strides = array<i32>} : memref<32768xf32, #tpu.memory_space<vmem>>, vector<16xf32>,
        %mul3A_159 = arith.constant 8 : i32
        %mul3A_160 = arith.muli %scan3A_108, %mul3A_159 : i32
        %add3A_161 = arith.constant 4 : i32
        %add3A_162 = arith.addi %mul3A_160, %add3A_161 : i32
        %mul3A_163 = arith.constant 16 : i32
        %mul3A_164 = arith.muli %add3A_162, %mul3A_163 : i32
        %get3A_165 = arith.index_cast %mul3A_164 : i32 to index
        %get3A_166 = tpu.vector_load %arg6[%get3A_165] {strides = array<i32>} : memref<32768xf32, #tpu.memory_space<vmem>>, vector<16xf32>,
        %get3A_167 = arith.index_cast %mul3A_164 : i32 to index
        %get3A_168 = tpu.vector_load %arg7[%get3A_167] {strides = array<i32>} : memref<32768xf32, #tpu.memory_space<vmem>>, vector<16xf32>,
        %mul3A_169 = arith.mulf %get3A_166, %get3A_168 : vector<16xf32>
        %swap3A_170 = arith.index_cast %mul3A_164 : i32 to index
        %swap3A_171 = tpu.vector_load %arg6[%swap3A_170] {strides = array<i32>} : memref<32768xf32, #tpu.memory_space<vmem>>, vector<16xf32>,
        tpu.vector_store %arg6[%swap3A_170], %mul3A_169 {strides = array<i32>} : memref<32768xf32, #tpu.memory_space<vmem>>, vector<16xf32>,
        %mul3A_172 = arith.constant 8 : i32
        %mul3A_173 = arith.muli %scan3A_108, %mul3A_172 : i32
        %add3A_174 = arith.constant 5 : i32
        %add3A_175 = arith.addi %mul3A_173, %add3A_174 : i32
        %mul3A_176 = arith.constant 16 : i32
        %mul3A_177 = arith.muli %add3A_175, %mul3A_176 : i32
        %get3A_178 = arith.index_cast %mul3A_177 : i32 to index
        %get3A_179 = tpu.vector_load %arg6[%get3A_178] {strides = array<i32>} : memref<32768xf32, #tpu.memory_space<vmem>>, vector<16xf32>,
        %get3A_180 = arith.index_cast %mul3A_177 : i32 to index
        %get3A_181 = tpu.vector_load %arg7[%get3A_180] {strides = array<i32>} : memref<32768xf32, #tpu.memory_space<vmem>>, vector<16xf32>,
        %mul3A_182 = arith.mulf %get3A_179, %get3A_181 : vector<16xf32>
        %swap3A_183 = arith.index_cast %mul3A_177 : i32 to index
        %swap3A_184 = tpu.vector_load %arg6[%swap3A_183] {strides = array<i32>} : memref<32768xf32, #tpu.memory_space<vmem>>, vector<16xf32>,
        tpu.vector_store %arg6[%swap3A_183], %mul3A_182 {strides = array<i32>} : memref<32768xf32, #tpu.memory_space<vmem>>, vector<16xf32>,
        %mul3A_185 = arith.constant 8 : i32
        %mul3A_186 = arith.muli %scan3A_108, %mul3A_185 : i32
        %add3A_187 = arith.constant 6 : i32
        %add3A_188 = arith.addi %mul3A_186, %add3A_187 : i32
        %mul3A_189 = arith.constant 16 : i32
        %mul3A_190 = arith.muli %add3A_188, %mul3A_189 : i32
        %get3A_191 = arith.index_cast %mul3A_190 : i32 to index
        %get3A_192 = tpu.vector_load %arg6[%get3A_191] {strides = array<i32>} : memref<32768xf32, #tpu.memory_space<vmem>>, vector<16xf32>,
        %get3A_193 = arith.index_cast %mul3A_190 : i32 to index
        %get3A_194 = tpu.vector_load %arg7[%get3A_193] {strides = array<i32>} : memref<32768xf32, #tpu.memory_space<vmem>>, vector<16xf32>,
        %mul3A_195 = arith.mulf %get3A_192, %get3A_194 : vector<16xf32>
        %swap3A_196 = arith.index_cast %mul3A_190 : i32 to index
        %swap3A_197 = tpu.vector_load %arg6[%swap3A_196] {strides = array<i32>} : memref<32768xf32, #tpu.memory_space<vmem>>, vector<16xf32>,
        tpu.vector_store %arg6[%swap3A_196], %mul3A_195 {strides = array<i32>} : memref<32768xf32, #tpu.memory_space<vmem>>, vector<16xf32>,
        %mul3A_198 = arith.constant 8 : i32
        %mul3A_199 = arith.muli %scan3A_108, %mul3A_198 : i32
        %add3A_200 = arith.constant 7 : i32
        %add3A_201 = arith.addi %mul3A_199, %add3A_200 : i32
        %mul3A_202 = arith.constant 16 : i32
        %mul3A_203 = arith.muli %add3A_201, %mul3A_202 : i32
        %get3A_204 = arith.index_cast %mul3A_203 : i32 to index
        %get3A_205 = tpu.vector_load %arg6[%get3A_204] {strides = array<i32>} : memref<32768xf32, #tpu.memory_space<vmem>>, vector<16xf32>,
        %get3A_206 = arith.index_cast %mul3A_203 : i32 to index
        %get3A_207 = tpu.vector_load %arg7[%get3A_206] {strides = array<i32>} : memref<32768xf32, #tpu.memory_space<vmem>>, vector<16xf32>,
        %mul3A_208 = arith.mulf %get3A_205, %get3A_207 : vector<16xf32>
        %swap3A_209 = arith.index_cast %mul3A_203 : i32 to index
        %swap3A_210 = tpu.vector_load %arg6[%swap3A_209] {strides = array<i32>} : memref<32768xf32, #tpu.memory_space<vmem>>, vector<16xf32>,
        tpu.vector_store %arg6[%swap3A_209], %mul3A_208 {strides = array<i32>} : memref<32768xf32, #tpu.memory_space<vmem>>, vector<16xf32>,
      }
      %scan3A_67 = arith.constant 256 : i32
      "tpu.region"() ({
        %run_scoped3A = tpu.sem_alloc : memref<!tpu.dma_semaphore, #tpu.memory_space<semaphore_mem>>
        %dma_start3A = arith.constant 0 : i32
        %dma_start3A_108 = tpu.memref_slice %arg4[%scan3A_9, %add3A_31, %dma_start3A] : memref<8x64x32768xf32, #tpu.memory_space<hbm>> -> memref<1x1x32768xf32, #tpu.memory_space<hbm>>
        %dma_start3A_109 = tpu.memref_squeeze %dma_start3A_108 : memref<1x1x32768xf32, #tpu.memory_space<hbm>> -> memref<32768xf32, #tpu.memory_space<hbm>>
        %dma_start3A_110 = arith.constant 0 : i32
        %dma_start3A_111 = tpu.memref_slice %arg4[%scan3A_9, %add3A_31, %dma_start3A_110] : memref<8x64x32768xf32, #tpu.memory_space<hbm>> -> memref<1x1x32768xf32, #tpu.memory_space<hbm>>
        %dma_start3A_112 = tpu.memref_squeeze %dma_start3A_111 : memref<1x1x32768xf32, #tpu.memory_space<hbm>> -> memref<32768xf32, #tpu.memory_space<hbm>>
        tpu.enqueue_dma source(%arg6 : memref<32768xf32, #tpu.memory_space<vmem>>) target(%dma_start3A_112 : memref<32768xf32, #tpu.memory_space<hbm>>) target_semaphore(%run_scoped3A : memref<!tpu.dma_semaphore, #tpu.memory_space<semaphore_mem>>)
        %dma_wait3A = arith.constant 0 : i32
        %dma_wait3A_113 = tpu.memref_slice %arg4[%scan3A_9, %add3A_31, %dma_wait3A] : memref<8x64x32768xf32, #tpu.memory_space<hbm>> -> memref<1x1x32768xf32, #tpu.memory_space<hbm>>
        %dma_wait3A_114 = tpu.memref_squeeze %dma_wait3A_113 : memref<1x1x32768xf32, #tpu.memory_space<hbm>> -> memref<32768xf32, #tpu.memory_space<hbm>>
        %dma_wait3A_115 = arith.constant 0 : i32
        %dma_wait3A_116 = tpu.memref_slice %arg4[%scan3A_9, %add3A_31, %dma_wait3A_115] : memref<8x64x32768xf32, #tpu.memory_space<hbm>> -> memref<1x1x32768xf32, #tpu.memory_space<hbm>>
        %dma_wait3A_117 = tpu.memref_squeeze %dma_wait3A_116 : memref<1x1x32768xf32, #tpu.memory_space<hbm>> -> memref<32768xf32, #tpu.memory_space<hbm>>
        tpu.wait_dma2 semaphore(%run_scoped3A : memref<!tpu.dma_semaphore, #tpu.memory_space<semaphore_mem>>) src(%arg6 : memref<32768xf32, #tpu.memory_space<vmem>>) dst(%dma_wait3A_117 : memref<32768xf32, #tpu.memory_space<hbm>>)
        tpu.yield
      }) : () -> ()
      %mul3A_68 = arith.constant 2 : i32
      %mul3A_69 = arith.muli %add3A, %mul3A_68 : i32
      %add3A_70 = arith.constant 1 : i32
      %add3A_71 = arith.addi %mul3A_69, %add3A_70 : i32
      %scan3A_72 = arith.constant 0 : i32
      %scan3A_73 = arith.constant 0 : i32
      %scan3A_74 = arith.constant 256 : i32
      %scan3A_75 = arith.addi %scan3A_73, %scan3A_74 : i32
      %scan3A_76 = arith.constant 1 : i32
      scf.for %scan3A_108 = %scan3A_73 to %scan3A_75 step %scan3A_76  : i32 {
        %mul3A_109 = arith.constant 8 : i32
        %mul3A_110 = arith.muli %scan3A_108, %mul3A_109 : i32
        %add3A_111 = arith.constant 0 : i32
        %add3A_112 = arith.addi %mul3A_110, %add3A_111 : i32
        %mul3A_113 = arith.constant 16 : i32
        %mul3A_114 = arith.muli %add3A_112, %mul3A_113 : i32
        %swap3A = arith.index_cast %mul3A_114 : i32 to index
        %swap3A_115 = tpu.vector_load %arg6[%swap3A] {strides = array<i32>} : memref<32768xf32, #tpu.memory_space<vmem>>, vector<16xf32>,
        tpu.vector_store %arg6[%swap3A], %broadcast_in_dim3A_1 {strides = array<i32>} : memref<32768xf32, #tpu.memory_space<vmem>>, vector<16xf32>,
        %mul3A_116 = arith.constant 8 : i32
        %mul3A_117 = arith.muli %scan3A_108, %mul3A_116 : i32
        %add3A_118 = arith.constant 1 : i32
        %add3A_119 = arith.addi %mul3A_117, %add3A_118 : i32
        %mul3A_120 = arith.constant 16 : i32
        %mul3A_121 = arith.muli %add3A_119, %mul3A_120 : i32
        %swap3A_122 = arith.index_cast %mul3A_121 : i32 to index
        %swap3A_123 = tpu.vector_load %arg6[%swap3A_122] {strides = array<i32>} : memref<32768xf32, #tpu.memory_space<vmem>>, vector<16xf32>,
        tpu.vector_store %arg6[%swap3A_122], %broadcast_in_dim3A_1 {strides = array<i32>} : memref<32768xf32, #tpu.memory_space<vmem>>, vector<16xf32>,
        %mul3A_124 = arith.constant 8 : i32
        %mul3A_125 = arith.muli %scan3A_108, %mul3A_124 : i32
        %add3A_126 = arith.constant 2 : i32
        %add3A_127 = arith.addi %mul3A_125, %add3A_126 : i32
        %mul3A_128 = arith.constant 16 : i32
        %mul3A_129 = arith.muli %add3A_127, %mul3A_128 : i32
        %swap3A_130 = arith.index_cast %mul3A_129 : i32 to index
        %swap3A_131 = tpu.vector_load %arg6[%swap3A_130] {strides = array<i32>} : memref<32768xf32, #tpu.memory_space<vmem>>, vector<16xf32>,
        tpu.vector_store %arg6[%swap3A_130], %broadcast_in_dim3A_1 {strides = array<i32>} : memref<32768xf32, #tpu.memory_space<vmem>>, vector<16xf32>,
        %mul3A_132 = arith.constant 8 : i32
        %mul3A_133 = arith.muli %scan3A_108, %mul3A_132 : i32
        %add3A_134 = arith.constant 3 : i32
        %add3A_135 = arith.addi %mul3A_133, %add3A_134 : i32
        %mul3A_136 = arith.constant 16 : i32
        %mul3A_137 = arith.muli %add3A_135, %mul3A_136 : i32
        %swap3A_138 = arith.index_cast %mul3A_137 : i32 to index
        %swap3A_139 = tpu.vector_load %arg6[%swap3A_138] {strides = array<i32>} : memref<32768xf32, #tpu.memory_space<vmem>>, vector<16xf32>,
        tpu.vector_store %arg6[%swap3A_138], %broadcast_in_dim3A_1 {strides = array<i32>} : memref<32768xf32, #tpu.memory_space<vmem>>, vector<16xf32>,
        %mul3A_140 = arith.constant 8 : i32
        %mul3A_141 = arith.muli %scan3A_108, %mul3A_140 : i32
        %add3A_142 = arith.constant 4 : i32
        %add3A_143 = arith.addi %mul3A_141, %add3A_142 : i32
        %mul3A_144 = arith.constant 16 : i32
        %mul3A_145 = arith.muli %add3A_143, %mul3A_144 : i32
        %swap3A_146 = arith.index_cast %mul3A_145 : i32 to index
        %swap3A_147 = tpu.vector_load %arg6[%swap3A_146] {strides = array<i32>} : memref<32768xf32, #tpu.memory_space<vmem>>, vector<16xf32>,
        tpu.vector_store %arg6[%swap3A_146], %broadcast_in_dim3A_1 {strides = array<i32>} : memref<32768xf32, #tpu.memory_space<vmem>>, vector<16xf32>,
        %mul3A_148 = arith.constant 8 : i32
        %mul3A_149 = arith.muli %scan3A_108, %mul3A_148 : i32
        %add3A_150 = arith.constant 5 : i32
        %add3A_151 = arith.addi %mul3A_149, %add3A_150 : i32
        %mul3A_152 = arith.constant 16 : i32
        %mul3A_153 = arith.muli %add3A_151, %mul3A_152 : i32
        %swap3A_154 = arith.index_cast %mul3A_153 : i32 to index
        %swap3A_155 = tpu.vector_load %arg6[%swap3A_154] {strides = array<i32>} : memref<32768xf32, #tpu.memory_space<vmem>>, vector<16xf32>,
        tpu.vector_store %arg6[%swap3A_154], %broadcast_in_dim3A_1 {strides = array<i32>} : memref<32768xf32, #tpu.memory_space<vmem>>, vector<16xf32>,
        %mul3A_156 = arith.constant 8 : i32
        %mul3A_157 = arith.muli %scan3A_108, %mul3A_156 : i32
        %add3A_158 = arith.constant 6 : i32
        %add3A_159 = arith.addi %mul3A_157, %add3A_158 : i32
        %mul3A_160 = arith.constant 16 : i32
        %mul3A_161 = arith.muli %add3A_159, %mul3A_160 : i32
        %swap3A_162 = arith.index_cast %mul3A_161 : i32 to index
        %swap3A_163 = tpu.vector_load %arg6[%swap3A_162] {strides = array<i32>} : memref<32768xf32, #tpu.memory_space<vmem>>, vector<16xf32>,
        tpu.vector_store %arg6[%swap3A_162], %broadcast_in_dim3A_1 {strides = array<i32>} : memref<32768xf32, #tpu.memory_space<vmem>>, vector<16xf32>,
        %mul3A_164 = arith.constant 8 : i32
        %mul3A_165 = arith.muli %scan3A_108, %mul3A_164 : i32
        %add3A_166 = arith.constant 7 : i32
        %add3A_167 = arith.addi %mul3A_165, %add3A_166 : i32
        %mul3A_168 = arith.constant 16 : i32
        %mul3A_169 = arith.muli %add3A_167, %mul3A_168 : i32
        %swap3A_170 = arith.index_cast %mul3A_169 : i32 to index
        %swap3A_171 = tpu.vector_load %arg6[%swap3A_170] {strides = array<i32>} : memref<32768xf32, #tpu.memory_space<vmem>>, vector<16xf32>,
        tpu.vector_store %arg6[%swap3A_170], %broadcast_in_dim3A_1 {strides = array<i32>} : memref<32768xf32, #tpu.memory_space<vmem>>, vector<16xf32>,
      }
      %scan3A_77 = arith.constant 256 : i32
      "tpu.region"() ({
        %run_scoped3A = tpu.sem_alloc : memref<!tpu.dma_semaphore, #tpu.memory_space<semaphore_mem>>
        %dma_start3A = arith.constant 0 : i32
        %dma_start3A_108 = tpu.memref_slice %arg2[%scan3A_9, %add3A_71, %dma_start3A] : memref<8x64x32768xf32, #tpu.memory_space<hbm>> -> memref<1x1x8192xf32, #tpu.memory_space<hbm>>
        %dma_start3A_109 = tpu.memref_squeeze %dma_start3A_108 : memref<1x1x8192xf32, #tpu.memory_space<hbm>> -> memref<8192xf32, #tpu.memory_space<hbm>>
        %dma_start3A_110 = arith.constant 0 : i32
        %dma_start3A_111 = tpu.memref_slice %arg2[%scan3A_9, %add3A_71, %dma_start3A_110] : memref<8x64x32768xf32, #tpu.memory_space<hbm>> -> memref<1x1x8192xf32, #tpu.memory_space<hbm>>
        %dma_start3A_112 = tpu.memref_squeeze %dma_start3A_111 : memref<1x1x8192xf32, #tpu.memory_space<hbm>> -> memref<8192xf32, #tpu.memory_space<hbm>>
        tpu.enqueue_dma source(%dma_start3A_112 : memref<8192xf32, #tpu.memory_space<hbm>>) target(%arg8 : memref<8192xf32, #tpu.memory_space<vmem>>) target_semaphore(%run_scoped3A : memref<!tpu.dma_semaphore, #tpu.memory_space<semaphore_mem>>)
        %dma_wait3A = arith.constant 0 : i32
        %dma_wait3A_113 = tpu.memref_slice %arg2[%scan3A_9, %add3A_71, %dma_wait3A] : memref<8x64x32768xf32, #tpu.memory_space<hbm>> -> memref<1x1x8192xf32, #tpu.memory_space<hbm>>
        %dma_wait3A_114 = tpu.memref_squeeze %dma_wait3A_113 : memref<1x1x8192xf32, #tpu.memory_space<hbm>> -> memref<8192xf32, #tpu.memory_space<hbm>>
        %dma_wait3A_115 = arith.constant 0 : i32
        %dma_wait3A_116 = tpu.memref_slice %arg2[%scan3A_9, %add3A_71, %dma_wait3A_115] : memref<8x64x32768xf32, #tpu.memory_space<hbm>> -> memref<1x1x8192xf32, #tpu.memory_space<hbm>>
        %dma_wait3A_117 = tpu.memref_squeeze %dma_wait3A_116 : memref<1x1x8192xf32, #tpu.memory_space<hbm>> -> memref<8192xf32, #tpu.memory_space<hbm>>
        tpu.wait_dma2 semaphore(%run_scoped3A : memref<!tpu.dma_semaphore, #tpu.memory_space<semaphore_mem>>) src(%dma_wait3A_117 : memref<8192xf32, #tpu.memory_space<hbm>>) dst(%arg8 : memref<8192xf32, #tpu.memory_space<vmem>>)
        tpu.yield
      }) : () -> ()
      %scan3A_78 = arith.constant 0 : i32
      %scan3A_79 = arith.constant 0 : i32
      %scan3A_80 = arith.constant 64 : i32
      %scan3A_81 = arith.addi %scan3A_79, %scan3A_80 : i32
      %scan3A_82 = arith.constant 1 : i32
      scf.for %scan3A_108 = %scan3A_79 to %scan3A_81 step %scan3A_82  : i32 {
        %mul3A_109 = arith.constant 8 : i32
        %mul3A_110 = arith.muli %scan3A_108, %mul3A_109 : i32
        %add3A_111 = arith.constant 0 : i32
        %add3A_112 = arith.addi %mul3A_110, %add3A_111 : i32
        %mul3A_113 = arith.constant 16 : i32
        %mul3A_114 = arith.muli %add3A_112, %mul3A_113 : i32
        %add3A_115 = arith.constant 0 : i32
        %add3A_116 = arith.addi %add3A_115, %mul3A_114 : i32
        %get3A = arith.index_cast %add3A_116 : i32 to index
        %get3A_117 = tpu.vector_load %arg5[%get3A] {strides = array<i32>} : memref<32768xi32, #tpu.memory_space<vmem>>, vector<16xi32>,
        %mul3A_118 = arith.constant 16 : i32
        %mul3A_119 = arith.muli %add3A_112, %mul3A_118 : i32
        %get3A_120 = arith.index_cast %mul3A_119 : i32 to index
        %get3A_121 = tpu.vector_load %arg8[%get3A_120] {strides = array<i32>} : memref<8192xf32, #tpu.memory_space<vmem>>, vector<16xf32>,
        tpu.vector_store_idx %arg6[%get3A_117], %get3A_121 {add = true} : memref<32768xf32, #tpu.memory_space<vmem>>[vector<16xi32>], vector<16xf32>,
        %mul3A_122 = arith.constant 8 : i32
        %mul3A_123 = arith.muli %scan3A_108, %mul3A_122 : i32
        %add3A_124 = arith.constant 1 : i32
        %add3A_125 = arith.addi %mul3A_123, %add3A_124 : i32
        %mul3A_126 = arith.constant 16 : i32
        %mul3A_127 = arith.muli %add3A_125, %mul3A_126 : i32
        %add3A_128 = arith.constant 0 : i32
        %add3A_129 = arith.addi %add3A_128, %mul3A_127 : i32
        %get3A_130 = arith.index_cast %add3A_129 : i32 to index
        %get3A_131 = tpu.vector_load %arg5[%get3A_130] {strides = array<i32>} : memref<32768xi32, #tpu.memory_space<vmem>>, vector<16xi32>,
        %mul3A_132 = arith.constant 16 : i32
        %mul3A_133 = arith.muli %add3A_125, %mul3A_132 : i32
        %get3A_134 = arith.index_cast %mul3A_133 : i32 to index
        %get3A_135 = tpu.vector_load %arg8[%get3A_134] {strides = array<i32>} : memref<8192xf32, #tpu.memory_space<vmem>>, vector<16xf32>,
        tpu.vector_store_idx %arg6[%get3A_131], %get3A_135 {add = true} : memref<32768xf32, #tpu.memory_space<vmem>>[vector<16xi32>], vector<16xf32>,
        %mul3A_136 = arith.constant 8 : i32
        %mul3A_137 = arith.muli %scan3A_108, %mul3A_136 : i32
        %add3A_138 = arith.constant 2 : i32
        %add3A_139 = arith.addi %mul3A_137, %add3A_138 : i32
        %mul3A_140 = arith.constant 16 : i32
        %mul3A_141 = arith.muli %add3A_139, %mul3A_140 : i32
        %add3A_142 = arith.constant 0 : i32
        %add3A_143 = arith.addi %add3A_142, %mul3A_141 : i32
        %get3A_144 = arith.index_cast %add3A_143 : i32 to index
        %get3A_145 = tpu.vector_load %arg5[%get3A_144] {strides = array<i32>} : memref<32768xi32, #tpu.memory_space<vmem>>, vector<16xi32>,
        %mul3A_146 = arith.constant 16 : i32
        %mul3A_147 = arith.muli %add3A_139, %mul3A_146 : i32
        %get3A_148 = arith.index_cast %mul3A_147 : i32 to index
        %get3A_149 = tpu.vector_load %arg8[%get3A_148] {strides = array<i32>} : memref<8192xf32, #tpu.memory_space<vmem>>, vector<16xf32>,
        tpu.vector_store_idx %arg6[%get3A_145], %get3A_149 {add = true} : memref<32768xf32, #tpu.memory_space<vmem>>[vector<16xi32>], vector<16xf32>,
        %mul3A_150 = arith.constant 8 : i32
        %mul3A_151 = arith.muli %scan3A_108, %mul3A_150 : i32
        %add3A_152 = arith.constant 3 : i32
        %add3A_153 = arith.addi %mul3A_151, %add3A_152 : i32
        %mul3A_154 = arith.constant 16 : i32
        %mul3A_155 = arith.muli %add3A_153, %mul3A_154 : i32
        %add3A_156 = arith.constant 0 : i32
        %add3A_157 = arith.addi %add3A_156, %mul3A_155 : i32
        %get3A_158 = arith.index_cast %add3A_157 : i32 to index
        %get3A_159 = tpu.vector_load %arg5[%get3A_158] {strides = array<i32>} : memref<32768xi32, #tpu.memory_space<vmem>>, vector<16xi32>,
        %mul3A_160 = arith.constant 16 : i32
        %mul3A_161 = arith.muli %add3A_153, %mul3A_160 : i32
        %get3A_162 = arith.index_cast %mul3A_161 : i32 to index
        %get3A_163 = tpu.vector_load %arg8[%get3A_162] {strides = array<i32>} : memref<8192xf32, #tpu.memory_space<vmem>>, vector<16xf32>,
        tpu.vector_store_idx %arg6[%get3A_159], %get3A_163 {add = true} : memref<32768xf32, #tpu.memory_space<vmem>>[vector<16xi32>], vector<16xf32>,
        %mul3A_164 = arith.constant 8 : i32
        %mul3A_165 = arith.muli %scan3A_108, %mul3A_164 : i32
        %add3A_166 = arith.constant 4 : i32
        %add3A_167 = arith.addi %mul3A_165, %add3A_166 : i32
        %mul3A_168 = arith.constant 16 : i32
        %mul3A_169 = arith.muli %add3A_167, %mul3A_168 : i32
        %add3A_170 = arith.constant 0 : i32
        %add3A_171 = arith.addi %add3A_170, %mul3A_169 : i32
        %get3A_172 = arith.index_cast %add3A_171 : i32 to index
        %get3A_173 = tpu.vector_load %arg5[%get3A_172] {strides = array<i32>} : memref<32768xi32, #tpu.memory_space<vmem>>, vector<16xi32>,
        %mul3A_174 = arith.constant 16 : i32
        %mul3A_175 = arith.muli %add3A_167, %mul3A_174 : i32
        %get3A_176 = arith.index_cast %mul3A_175 : i32 to index
        %get3A_177 = tpu.vector_load %arg8[%get3A_176] {strides = array<i32>} : memref<8192xf32, #tpu.memory_space<vmem>>, vector<16xf32>,
        tpu.vector_store_idx %arg6[%get3A_173], %get3A_177 {add = true} : memref<32768xf32, #tpu.memory_space<vmem>>[vector<16xi32>], vector<16xf32>,
        %mul3A_178 = arith.constant 8 : i32
        %mul3A_179 = arith.muli %scan3A_108, %mul3A_178 : i32
        %add3A_180 = arith.constant 5 : i32
        %add3A_181 = arith.addi %mul3A_179, %add3A_180 : i32
        %mul3A_182 = arith.constant 16 : i32
        %mul3A_183 = arith.muli %add3A_181, %mul3A_182 : i32
        %add3A_184 = arith.constant 0 : i32
        %add3A_185 = arith.addi %add3A_184, %mul3A_183 : i32
        %get3A_186 = arith.index_cast %add3A_185 : i32 to index
        %get3A_187 = tpu.vector_load %arg5[%get3A_186] {strides = array<i32>} : memref<32768xi32, #tpu.memory_space<vmem>>, vector<16xi32>,
        %mul3A_188 = arith.constant 16 : i32
        %mul3A_189 = arith.muli %add3A_181, %mul3A_188 : i32
        %get3A_190 = arith.index_cast %mul3A_189 : i32 to index
        %get3A_191 = tpu.vector_load %arg8[%get3A_190] {strides = array<i32>} : memref<8192xf32, #tpu.memory_space<vmem>>, vector<16xf32>,
        tpu.vector_store_idx %arg6[%get3A_187], %get3A_191 {add = true} : memref<32768xf32, #tpu.memory_space<vmem>>[vector<16xi32>], vector<16xf32>,
        %mul3A_192 = arith.constant 8 : i32
        %mul3A_193 = arith.muli %scan3A_108, %mul3A_192 : i32
        %add3A_194 = arith.constant 6 : i32
        %add3A_195 = arith.addi %mul3A_193, %add3A_194 : i32
        %mul3A_196 = arith.constant 16 : i32
        %mul3A_197 = arith.muli %add3A_195, %mul3A_196 : i32
        %add3A_198 = arith.constant 0 : i32
        %add3A_199 = arith.addi %add3A_198, %mul3A_197 : i32
        %get3A_200 = arith.index_cast %add3A_199 : i32 to index
        %get3A_201 = tpu.vector_load %arg5[%get3A_200] {strides = array<i32>} : memref<32768xi32, #tpu.memory_space<vmem>>, vector<16xi32>,
        %mul3A_202 = arith.constant 16 : i32
        %mul3A_203 = arith.muli %add3A_195, %mul3A_202 : i32
        %get3A_204 = arith.index_cast %mul3A_203 : i32 to index
        %get3A_205 = tpu.vector_load %arg8[%get3A_204] {strides = array<i32>} : memref<8192xf32, #tpu.memory_space<vmem>>, vector<16xf32>,
        tpu.vector_store_idx %arg6[%get3A_201], %get3A_205 {add = true} : memref<32768xf32, #tpu.memory_space<vmem>>[vector<16xi32>], vector<16xf32>,
        %mul3A_206 = arith.constant 8 : i32
        %mul3A_207 = arith.muli %scan3A_108, %mul3A_206 : i32
        %add3A_208 = arith.constant 7 : i32
        %add3A_209 = arith.addi %mul3A_207, %add3A_208 : i32
        %mul3A_210 = arith.constant 16 : i32
        %mul3A_211 = arith.muli %add3A_209, %mul3A_210 : i32
        %add3A_212 = arith.constant 0 : i32
        %add3A_213 = arith.addi %add3A_212, %mul3A_211 : i32
        %get3A_214 = arith.index_cast %add3A_213 : i32 to index
        %get3A_215 = tpu.vector_load %arg5[%get3A_214] {strides = array<i32>} : memref<32768xi32, #tpu.memory_space<vmem>>, vector<16xi32>,
        %mul3A_216 = arith.constant 16 : i32
        %mul3A_217 = arith.muli %add3A_209, %mul3A_216 : i32
        %get3A_218 = arith.index_cast %mul3A_217 : i32 to index
        %get3A_219 = tpu.vector_load %arg8[%get3A_218] {strides = array<i32>} : memref<8192xf32, #tpu.memory_space<vmem>>, vector<16xf32>,
        tpu.vector_store_idx %arg6[%get3A_215], %get3A_219 {add = true} : memref<32768xf32, #tpu.memory_space<vmem>>[vector<16xi32>], vector<16xf32>,
      }
      %scan3A_83 = arith.constant 64 : i32
      "tpu.region"() ({
        %run_scoped3A = tpu.sem_alloc : memref<!tpu.dma_semaphore, #tpu.memory_space<semaphore_mem>>
        %dma_start3A = arith.constant 8192 : i32
        %dma_start3A_108 = tpu.memref_slice %arg2[%scan3A_9, %add3A_71, %dma_start3A] : memref<8x64x32768xf32, #tpu.memory_space<hbm>> -> memref<1x1x8192xf32, #tpu.memory_space<hbm>>
        %dma_start3A_109 = tpu.memref_squeeze %dma_start3A_108 : memref<1x1x8192xf32, #tpu.memory_space<hbm>> -> memref<8192xf32, #tpu.memory_space<hbm>>
        %dma_start3A_110 = arith.constant 8192 : i32
        %dma_start3A_111 = tpu.memref_slice %arg2[%scan3A_9, %add3A_71, %dma_start3A_110] : memref<8x64x32768xf32, #tpu.memory_space<hbm>> -> memref<1x1x8192xf32, #tpu.memory_space<hbm>>
        %dma_start3A_112 = tpu.memref_squeeze %dma_start3A_111 : memref<1x1x8192xf32, #tpu.memory_space<hbm>> -> memref<8192xf32, #tpu.memory_space<hbm>>
        tpu.enqueue_dma source(%dma_start3A_112 : memref<8192xf32, #tpu.memory_space<hbm>>) target(%arg8 : memref<8192xf32, #tpu.memory_space<vmem>>) target_semaphore(%run_scoped3A : memref<!tpu.dma_semaphore, #tpu.memory_space<semaphore_mem>>)
        %dma_wait3A = arith.constant 8192 : i32
        %dma_wait3A_113 = tpu.memref_slice %arg2[%scan3A_9, %add3A_71, %dma_wait3A] : memref<8x64x32768xf32, #tpu.memory_space<hbm>> -> memref<1x1x8192xf32, #tpu.memory_space<hbm>>
        %dma_wait3A_114 = tpu.memref_squeeze %dma_wait3A_113 : memref<1x1x8192xf32, #tpu.memory_space<hbm>> -> memref<8192xf32, #tpu.memory_space<hbm>>
        %dma_wait3A_115 = arith.constant 8192 : i32
        %dma_wait3A_116 = tpu.memref_slice %arg2[%scan3A_9, %add3A_71, %dma_wait3A_115] : memref<8x64x32768xf32, #tpu.memory_space<hbm>> -> memref<1x1x8192xf32, #tpu.memory_space<hbm>>
        %dma_wait3A_117 = tpu.memref_squeeze %dma_wait3A_116 : memref<1x1x8192xf32, #tpu.memory_space<hbm>> -> memref<8192xf32, #tpu.memory_space<hbm>>
        tpu.wait_dma2 semaphore(%run_scoped3A : memref<!tpu.dma_semaphore, #tpu.memory_space<semaphore_mem>>) src(%dma_wait3A_117 : memref<8192xf32, #tpu.memory_space<hbm>>) dst(%arg8 : memref<8192xf32, #tpu.memory_space<vmem>>)
        tpu.yield
      }) : () -> ()
      %scan3A_84 = arith.constant 0 : i32
      %scan3A_85 = arith.constant 0 : i32
      %scan3A_86 = arith.constant 64 : i32
      %scan3A_87 = arith.addi %scan3A_85, %scan3A_86 : i32
      %scan3A_88 = arith.constant 1 : i32
      scf.for %scan3A_108 = %scan3A_85 to %scan3A_87 step %scan3A_88  : i32 {
        %mul3A_109 = arith.constant 8 : i32
        %mul3A_110 = arith.muli %scan3A_108, %mul3A_109 : i32
        %add3A_111 = arith.constant 0 : i32
        %add3A_112 = arith.addi %mul3A_110, %add3A_111 : i32
        %mul3A_113 = arith.constant 16 : i32
        %mul3A_114 = arith.muli %add3A_112, %mul3A_113 : i32
        %add3A_115 = arith.constant 8192 : i32
        %add3A_116 = arith.addi %add3A_115, %mul3A_114 : i32
        %get3A = arith.index_cast %add3A_116 : i32 to index
        %get3A_117 = tpu.vector_load %arg5[%get3A] {strides = array<i32>} : memref<32768xi32, #tpu.memory_space<vmem>>, vector<16xi32>,
        %mul3A_118 = arith.constant 16 : i32
        %mul3A_119 = arith.muli %add3A_112, %mul3A_118 : i32
        %get3A_120 = arith.index_cast %mul3A_119 : i32 to index
        %get3A_121 = tpu.vector_load %arg8[%get3A_120] {strides = array<i32>} : memref<8192xf32, #tpu.memory_space<vmem>>, vector<16xf32>,
        tpu.vector_store_idx %arg6[%get3A_117], %get3A_121 {add = true} : memref<32768xf32, #tpu.memory_space<vmem>>[vector<16xi32>], vector<16xf32>,
        %mul3A_122 = arith.constant 8 : i32
        %mul3A_123 = arith.muli %scan3A_108, %mul3A_122 : i32
        %add3A_124 = arith.constant 1 : i32
        %add3A_125 = arith.addi %mul3A_123, %add3A_124 : i32
        %mul3A_126 = arith.constant 16 : i32
        %mul3A_127 = arith.muli %add3A_125, %mul3A_126 : i32
        %add3A_128 = arith.constant 8192 : i32
        %add3A_129 = arith.addi %add3A_128, %mul3A_127 : i32
        %get3A_130 = arith.index_cast %add3A_129 : i32 to index
        %get3A_131 = tpu.vector_load %arg5[%get3A_130] {strides = array<i32>} : memref<32768xi32, #tpu.memory_space<vmem>>, vector<16xi32>,
        %mul3A_132 = arith.constant 16 : i32
        %mul3A_133 = arith.muli %add3A_125, %mul3A_132 : i32
        %get3A_134 = arith.index_cast %mul3A_133 : i32 to index
        %get3A_135 = tpu.vector_load %arg8[%get3A_134] {strides = array<i32>} : memref<8192xf32, #tpu.memory_space<vmem>>, vector<16xf32>,
        tpu.vector_store_idx %arg6[%get3A_131], %get3A_135 {add = true} : memref<32768xf32, #tpu.memory_space<vmem>>[vector<16xi32>], vector<16xf32>,
        %mul3A_136 = arith.constant 8 : i32
        %mul3A_137 = arith.muli %scan3A_108, %mul3A_136 : i32
        %add3A_138 = arith.constant 2 : i32
        %add3A_139 = arith.addi %mul3A_137, %add3A_138 : i32
        %mul3A_140 = arith.constant 16 : i32
        %mul3A_141 = arith.muli %add3A_139, %mul3A_140 : i32
        %add3A_142 = arith.constant 8192 : i32
        %add3A_143 = arith.addi %add3A_142, %mul3A_141 : i32
        %get3A_144 = arith.index_cast %add3A_143 : i32 to index
        %get3A_145 = tpu.vector_load %arg5[%get3A_144] {strides = array<i32>} : memref<32768xi32, #tpu.memory_space<vmem>>, vector<16xi32>,
        %mul3A_146 = arith.constant 16 : i32
        %mul3A_147 = arith.muli %add3A_139, %mul3A_146 : i32
        %get3A_148 = arith.index_cast %mul3A_147 : i32 to index
        %get3A_149 = tpu.vector_load %arg8[%get3A_148] {strides = array<i32>} : memref<8192xf32, #tpu.memory_space<vmem>>, vector<16xf32>,
        tpu.vector_store_idx %arg6[%get3A_145], %get3A_149 {add = true} : memref<32768xf32, #tpu.memory_space<vmem>>[vector<16xi32>], vector<16xf32>,
        %mul3A_150 = arith.constant 8 : i32
        %mul3A_151 = arith.muli %scan3A_108, %mul3A_150 : i32
        %add3A_152 = arith.constant 3 : i32
        %add3A_153 = arith.addi %mul3A_151, %add3A_152 : i32
        %mul3A_154 = arith.constant 16 : i32
        %mul3A_155 = arith.muli %add3A_153, %mul3A_154 : i32
        %add3A_156 = arith.constant 8192 : i32
        %add3A_157 = arith.addi %add3A_156, %mul3A_155 : i32
        %get3A_158 = arith.index_cast %add3A_157 : i32 to index
        %get3A_159 = tpu.vector_load %arg5[%get3A_158] {strides = array<i32>} : memref<32768xi32, #tpu.memory_space<vmem>>, vector<16xi32>,
        %mul3A_160 = arith.constant 16 : i32
        %mul3A_161 = arith.muli %add3A_153, %mul3A_160 : i32
        %get3A_162 = arith.index_cast %mul3A_161 : i32 to index
        %get3A_163 = tpu.vector_load %arg8[%get3A_162] {strides = array<i32>} : memref<8192xf32, #tpu.memory_space<vmem>>, vector<16xf32>,
        tpu.vector_store_idx %arg6[%get3A_159], %get3A_163 {add = true} : memref<32768xf32, #tpu.memory_space<vmem>>[vector<16xi32>], vector<16xf32>,
        %mul3A_164 = arith.constant 8 : i32
        %mul3A_165 = arith.muli %scan3A_108, %mul3A_164 : i32
        %add3A_166 = arith.constant 4 : i32
        %add3A_167 = arith.addi %mul3A_165, %add3A_166 : i32
        %mul3A_168 = arith.constant 16 : i32
        %mul3A_169 = arith.muli %add3A_167, %mul3A_168 : i32
        %add3A_170 = arith.constant 8192 : i32
        %add3A_171 = arith.addi %add3A_170, %mul3A_169 : i32
        %get3A_172 = arith.index_cast %add3A_171 : i32 to index
        %get3A_173 = tpu.vector_load %arg5[%get3A_172] {strides = array<i32>} : memref<32768xi32, #tpu.memory_space<vmem>>, vector<16xi32>,
        %mul3A_174 = arith.constant 16 : i32
        %mul3A_175 = arith.muli %add3A_167, %mul3A_174 : i32
        %get3A_176 = arith.index_cast %mul3A_175 : i32 to index
        %get3A_177 = tpu.vector_load %arg8[%get3A_176] {strides = array<i32>} : memref<8192xf32, #tpu.memory_space<vmem>>, vector<16xf32>,
        tpu.vector_store_idx %arg6[%get3A_173], %get3A_177 {add = true} : memref<32768xf32, #tpu.memory_space<vmem>>[vector<16xi32>], vector<16xf32>,
        %mul3A_178 = arith.constant 8 : i32
        %mul3A_179 = arith.muli %scan3A_108, %mul3A_178 : i32
        %add3A_180 = arith.constant 5 : i32
        %add3A_181 = arith.addi %mul3A_179, %add3A_180 : i32
        %mul3A_182 = arith.constant 16 : i32
        %mul3A_183 = arith.muli %add3A_181, %mul3A_182 : i32
        %add3A_184 = arith.constant 8192 : i32
        %add3A_185 = arith.addi %add3A_184, %mul3A_183 : i32
        %get3A_186 = arith.index_cast %add3A_185 : i32 to index
        %get3A_187 = tpu.vector_load %arg5[%get3A_186] {strides = array<i32>} : memref<32768xi32, #tpu.memory_space<vmem>>, vector<16xi32>,
        %mul3A_188 = arith.constant 16 : i32
        %mul3A_189 = arith.muli %add3A_181, %mul3A_188 : i32
        %get3A_190 = arith.index_cast %mul3A_189 : i32 to index
        %get3A_191 = tpu.vector_load %arg8[%get3A_190] {strides = array<i32>} : memref<8192xf32, #tpu.memory_space<vmem>>, vector<16xf32>,
        tpu.vector_store_idx %arg6[%get3A_187], %get3A_191 {add = true} : memref<32768xf32, #tpu.memory_space<vmem>>[vector<16xi32>], vector<16xf32>,
        %mul3A_192 = arith.constant 8 : i32
        %mul3A_193 = arith.muli %scan3A_108, %mul3A_192 : i32
        %add3A_194 = arith.constant 6 : i32
        %add3A_195 = arith.addi %mul3A_193, %add3A_194 : i32
        %mul3A_196 = arith.constant 16 : i32
        %mul3A_197 = arith.muli %add3A_195, %mul3A_196 : i32
        %add3A_198 = arith.constant 8192 : i32
        %add3A_199 = arith.addi %add3A_198, %mul3A_197 : i32
        %get3A_200 = arith.index_cast %add3A_199 : i32 to index
        %get3A_201 = tpu.vector_load %arg5[%get3A_200] {strides = array<i32>} : memref<32768xi32, #tpu.memory_space<vmem>>, vector<16xi32>,
        %mul3A_202 = arith.constant 16 : i32
        %mul3A_203 = arith.muli %add3A_195, %mul3A_202 : i32
        %get3A_204 = arith.index_cast %mul3A_203 : i32 to index
        %get3A_205 = tpu.vector_load %arg8[%get3A_204] {strides = array<i32>} : memref<8192xf32, #tpu.memory_space<vmem>>, vector<16xf32>,
        tpu.vector_store_idx %arg6[%get3A_201], %get3A_205 {add = true} : memref<32768xf32, #tpu.memory_space<vmem>>[vector<16xi32>], vector<16xf32>,
        %mul3A_206 = arith.constant 8 : i32
        %mul3A_207 = arith.muli %scan3A_108, %mul3A_206 : i32
        %add3A_208 = arith.constant 7 : i32
        %add3A_209 = arith.addi %mul3A_207, %add3A_208 : i32
        %mul3A_210 = arith.constant 16 : i32
        %mul3A_211 = arith.muli %add3A_209, %mul3A_210 : i32
        %add3A_212 = arith.constant 8192 : i32
        %add3A_213 = arith.addi %add3A_212, %mul3A_211 : i32
        %get3A_214 = arith.index_cast %add3A_213 : i32 to index
        %get3A_215 = tpu.vector_load %arg5[%get3A_214] {strides = array<i32>} : memref<32768xi32, #tpu.memory_space<vmem>>, vector<16xi32>,
        %mul3A_216 = arith.constant 16 : i32
        %mul3A_217 = arith.muli %add3A_209, %mul3A_216 : i32
        %get3A_218 = arith.index_cast %mul3A_217 : i32 to index
        %get3A_219 = tpu.vector_load %arg8[%get3A_218] {strides = array<i32>} : memref<8192xf32, #tpu.memory_space<vmem>>, vector<16xf32>,
        tpu.vector_store_idx %arg6[%get3A_215], %get3A_219 {add = true} : memref<32768xf32, #tpu.memory_space<vmem>>[vector<16xi32>], vector<16xf32>,
      }
      %scan3A_89 = arith.constant 64 : i32
      "tpu.region"() ({
        %run_scoped3A = tpu.sem_alloc : memref<!tpu.dma_semaphore, #tpu.memory_space<semaphore_mem>>
        %dma_start3A = arith.constant 16384 : i32
        %dma_start3A_108 = tpu.memref_slice %arg2[%scan3A_9, %add3A_71, %dma_start3A] : memref<8x64x32768xf32, #tpu.memory_space<hbm>> -> memref<1x1x8192xf32, #tpu.memory_space<hbm>>
        %dma_start3A_109 = tpu.memref_squeeze %dma_start3A_108 : memref<1x1x8192xf32, #tpu.memory_space<hbm>> -> memref<8192xf32, #tpu.memory_space<hbm>>
        %dma_start3A_110 = arith.constant 16384 : i32
        %dma_start3A_111 = tpu.memref_slice %arg2[%scan3A_9, %add3A_71, %dma_start3A_110] : memref<8x64x32768xf32, #tpu.memory_space<hbm>> -> memref<1x1x8192xf32, #tpu.memory_space<hbm>>
        %dma_start3A_112 = tpu.memref_squeeze %dma_start3A_111 : memref<1x1x8192xf32, #tpu.memory_space<hbm>> -> memref<8192xf32, #tpu.memory_space<hbm>>
        tpu.enqueue_dma source(%dma_start3A_112 : memref<8192xf32, #tpu.memory_space<hbm>>) target(%arg8 : memref<8192xf32, #tpu.memory_space<vmem>>) target_semaphore(%run_scoped3A : memref<!tpu.dma_semaphore, #tpu.memory_space<semaphore_mem>>)
        %dma_wait3A = arith.constant 16384 : i32
        %dma_wait3A_113 = tpu.memref_slice %arg2[%scan3A_9, %add3A_71, %dma_wait3A] : memref<8x64x32768xf32, #tpu.memory_space<hbm>> -> memref<1x1x8192xf32, #tpu.memory_space<hbm>>
        %dma_wait3A_114 = tpu.memref_squeeze %dma_wait3A_113 : memref<1x1x8192xf32, #tpu.memory_space<hbm>> -> memref<8192xf32, #tpu.memory_space<hbm>>
        %dma_wait3A_115 = arith.constant 16384 : i32
        %dma_wait3A_116 = tpu.memref_slice %arg2[%scan3A_9, %add3A_71, %dma_wait3A_115] : memref<8x64x32768xf32, #tpu.memory_space<hbm>> -> memref<1x1x8192xf32, #tpu.memory_space<hbm>>
        %dma_wait3A_117 = tpu.memref_squeeze %dma_wait3A_116 : memref<1x1x8192xf32, #tpu.memory_space<hbm>> -> memref<8192xf32, #tpu.memory_space<hbm>>
        tpu.wait_dma2 semaphore(%run_scoped3A : memref<!tpu.dma_semaphore, #tpu.memory_space<semaphore_mem>>) src(%dma_wait3A_117 : memref<8192xf32, #tpu.memory_space<hbm>>) dst(%arg8 : memref<8192xf32, #tpu.memory_space<vmem>>)
        tpu.yield
      }) : () -> ()
      %scan3A_90 = arith.constant 0 : i32
      %scan3A_91 = arith.constant 0 : i32
      %scan3A_92 = arith.constant 64 : i32
      %scan3A_93 = arith.addi %scan3A_91, %scan3A_92 : i32
      %scan3A_94 = arith.constant 1 : i32
      scf.for %scan3A_108 = %scan3A_91 to %scan3A_93 step %scan3A_94  : i32 {
        %mul3A_109 = arith.constant 8 : i32
        %mul3A_110 = arith.muli %scan3A_108, %mul3A_109 : i32
        %add3A_111 = arith.constant 0 : i32
        %add3A_112 = arith.addi %mul3A_110, %add3A_111 : i32
        %mul3A_113 = arith.constant 16 : i32
        %mul3A_114 = arith.muli %add3A_112, %mul3A_113 : i32
        %add3A_115 = arith.constant 16384 : i32
        %add3A_116 = arith.addi %add3A_115, %mul3A_114 : i32
        %get3A = arith.index_cast %add3A_116 : i32 to index
        %get3A_117 = tpu.vector_load %arg5[%get3A] {strides = array<i32>} : memref<32768xi32, #tpu.memory_space<vmem>>, vector<16xi32>,
        %mul3A_118 = arith.constant 16 : i32
        %mul3A_119 = arith.muli %add3A_112, %mul3A_118 : i32
        %get3A_120 = arith.index_cast %mul3A_119 : i32 to index
        %get3A_121 = tpu.vector_load %arg8[%get3A_120] {strides = array<i32>} : memref<8192xf32, #tpu.memory_space<vmem>>, vector<16xf32>,
        tpu.vector_store_idx %arg6[%get3A_117], %get3A_121 {add = true} : memref<32768xf32, #tpu.memory_space<vmem>>[vector<16xi32>], vector<16xf32>,
        %mul3A_122 = arith.constant 8 : i32
        %mul3A_123 = arith.muli %scan3A_108, %mul3A_122 : i32
        %add3A_124 = arith.constant 1 : i32
        %add3A_125 = arith.addi %mul3A_123, %add3A_124 : i32
        %mul3A_126 = arith.constant 16 : i32
        %mul3A_127 = arith.muli %add3A_125, %mul3A_126 : i32
        %add3A_128 = arith.constant 16384 : i32
        %add3A_129 = arith.addi %add3A_128, %mul3A_127 : i32
        %get3A_130 = arith.index_cast %add3A_129 : i32 to index
        %get3A_131 = tpu.vector_load %arg5[%get3A_130] {strides = array<i32>} : memref<32768xi32, #tpu.memory_space<vmem>>, vector<16xi32>,
        %mul3A_132 = arith.constant 16 : i32
        %mul3A_133 = arith.muli %add3A_125, %mul3A_132 : i32
        %get3A_134 = arith.index_cast %mul3A_133 : i32 to index
        %get3A_135 = tpu.vector_load %arg8[%get3A_134] {strides = array<i32>} : memref<8192xf32, #tpu.memory_space<vmem>>, vector<16xf32>,
        tpu.vector_store_idx %arg6[%get3A_131], %get3A_135 {add = true} : memref<32768xf32, #tpu.memory_space<vmem>>[vector<16xi32>], vector<16xf32>,
        %mul3A_136 = arith.constant 8 : i32
        %mul3A_137 = arith.muli %scan3A_108, %mul3A_136 : i32
        %add3A_138 = arith.constant 2 : i32
        %add3A_139 = arith.addi %mul3A_137, %add3A_138 : i32
        %mul3A_140 = arith.constant 16 : i32
        %mul3A_141 = arith.muli %add3A_139, %mul3A_140 : i32
        %add3A_142 = arith.constant 16384 : i32
        %add3A_143 = arith.addi %add3A_142, %mul3A_141 : i32
        %get3A_144 = arith.index_cast %add3A_143 : i32 to index
        %get3A_145 = tpu.vector_load %arg5[%get3A_144] {strides = array<i32>} : memref<32768xi32, #tpu.memory_space<vmem>>, vector<16xi32>,
        %mul3A_146 = arith.constant 16 : i32
        %mul3A_147 = arith.muli %add3A_139, %mul3A_146 : i32
        %get3A_148 = arith.index_cast %mul3A_147 : i32 to index
        %get3A_149 = tpu.vector_load %arg8[%get3A_148] {strides = array<i32>} : memref<8192xf32, #tpu.memory_space<vmem>>, vector<16xf32>,
        tpu.vector_store_idx %arg6[%get3A_145], %get3A_149 {add = true} : memref<32768xf32, #tpu.memory_space<vmem>>[vector<16xi32>], vector<16xf32>,
        %mul3A_150 = arith.constant 8 : i32
        %mul3A_151 = arith.muli %scan3A_108, %mul3A_150 : i32
        %add3A_152 = arith.constant 3 : i32
        %add3A_153 = arith.addi %mul3A_151, %add3A_152 : i32
        %mul3A_154 = arith.constant 16 : i32
        %mul3A_155 = arith.muli %add3A_153, %mul3A_154 : i32
        %add3A_156 = arith.constant 16384 : i32
        %add3A_157 = arith.addi %add3A_156, %mul3A_155 : i32
        %get3A_158 = arith.index_cast %add3A_157 : i32 to index
        %get3A_159 = tpu.vector_load %arg5[%get3A_158] {strides = array<i32>} : memref<32768xi32, #tpu.memory_space<vmem>>, vector<16xi32>,
        %mul3A_160 = arith.constant 16 : i32
        %mul3A_161 = arith.muli %add3A_153, %mul3A_160 : i32
        %get3A_162 = arith.index_cast %mul3A_161 : i32 to index
        %get3A_163 = tpu.vector_load %arg8[%get3A_162] {strides = array<i32>} : memref<8192xf32, #tpu.memory_space<vmem>>, vector<16xf32>,
        tpu.vector_store_idx %arg6[%get3A_159], %get3A_163 {add = true} : memref<32768xf32, #tpu.memory_space<vmem>>[vector<16xi32>], vector<16xf32>,
        %mul3A_164 = arith.constant 8 : i32
        %mul3A_165 = arith.muli %scan3A_108, %mul3A_164 : i32
        %add3A_166 = arith.constant 4 : i32
        %add3A_167 = arith.addi %mul3A_165, %add3A_166 : i32
        %mul3A_168 = arith.constant 16 : i32
        %mul3A_169 = arith.muli %add3A_167, %mul3A_168 : i32
        %add3A_170 = arith.constant 16384 : i32
        %add3A_171 = arith.addi %add3A_170, %mul3A_169 : i32
        %get3A_172 = arith.index_cast %add3A_171 : i32 to index
        %get3A_173 = tpu.vector_load %arg5[%get3A_172] {strides = array<i32>} : memref<32768xi32, #tpu.memory_space<vmem>>, vector<16xi32>,
        %mul3A_174 = arith.constant 16 : i32
        %mul3A_175 = arith.muli %add3A_167, %mul3A_174 : i32
        %get3A_176 = arith.index_cast %mul3A_175 : i32 to index
        %get3A_177 = tpu.vector_load %arg8[%get3A_176] {strides = array<i32>} : memref<8192xf32, #tpu.memory_space<vmem>>, vector<16xf32>,
        tpu.vector_store_idx %arg6[%get3A_173], %get3A_177 {add = true} : memref<32768xf32, #tpu.memory_space<vmem>>[vector<16xi32>], vector<16xf32>,
        %mul3A_178 = arith.constant 8 : i32
        %mul3A_179 = arith.muli %scan3A_108, %mul3A_178 : i32
        %add3A_180 = arith.constant 5 : i32
        %add3A_181 = arith.addi %mul3A_179, %add3A_180 : i32
        %mul3A_182 = arith.constant 16 : i32
        %mul3A_183 = arith.muli %add3A_181, %mul3A_182 : i32
        %add3A_184 = arith.constant 16384 : i32
        %add3A_185 = arith.addi %add3A_184, %mul3A_183 : i32
        %get3A_186 = arith.index_cast %add3A_185 : i32 to index
        %get3A_187 = tpu.vector_load %arg5[%get3A_186] {strides = array<i32>} : memref<32768xi32, #tpu.memory_space<vmem>>, vector<16xi32>,
        %mul3A_188 = arith.constant 16 : i32
        %mul3A_189 = arith.muli %add3A_181, %mul3A_188 : i32
        %get3A_190 = arith.index_cast %mul3A_189 : i32 to index
        %get3A_191 = tpu.vector_load %arg8[%get3A_190] {strides = array<i32>} : memref<8192xf32, #tpu.memory_space<vmem>>, vector<16xf32>,
        tpu.vector_store_idx %arg6[%get3A_187], %get3A_191 {add = true} : memref<32768xf32, #tpu.memory_space<vmem>>[vector<16xi32>], vector<16xf32>,
        %mul3A_192 = arith.constant 8 : i32
        %mul3A_193 = arith.muli %scan3A_108, %mul3A_192 : i32
        %add3A_194 = arith.constant 6 : i32
        %add3A_195 = arith.addi %mul3A_193, %add3A_194 : i32
        %mul3A_196 = arith.constant 16 : i32
        %mul3A_197 = arith.muli %add3A_195, %mul3A_196 : i32
        %add3A_198 = arith.constant 16384 : i32
        %add3A_199 = arith.addi %add3A_198, %mul3A_197 : i32
        %get3A_200 = arith.index_cast %add3A_199 : i32 to index
        %get3A_201 = tpu.vector_load %arg5[%get3A_200] {strides = array<i32>} : memref<32768xi32, #tpu.memory_space<vmem>>, vector<16xi32>,
        %mul3A_202 = arith.constant 16 : i32
        %mul3A_203 = arith.muli %add3A_195, %mul3A_202 : i32
        %get3A_204 = arith.index_cast %mul3A_203 : i32 to index
        %get3A_205 = tpu.vector_load %arg8[%get3A_204] {strides = array<i32>} : memref<8192xf32, #tpu.memory_space<vmem>>, vector<16xf32>,
        tpu.vector_store_idx %arg6[%get3A_201], %get3A_205 {add = true} : memref<32768xf32, #tpu.memory_space<vmem>>[vector<16xi32>], vector<16xf32>,
        %mul3A_206 = arith.constant 8 : i32
        %mul3A_207 = arith.muli %scan3A_108, %mul3A_206 : i32
        %add3A_208 = arith.constant 7 : i32
        %add3A_209 = arith.addi %mul3A_207, %add3A_208 : i32
        %mul3A_210 = arith.constant 16 : i32
        %mul3A_211 = arith.muli %add3A_209, %mul3A_210 : i32
        %add3A_212 = arith.constant 16384 : i32
        %add3A_213 = arith.addi %add3A_212, %mul3A_211 : i32
        %get3A_214 = arith.index_cast %add3A_213 : i32 to index
        %get3A_215 = tpu.vector_load %arg5[%get3A_214] {strides = array<i32>} : memref<32768xi32, #tpu.memory_space<vmem>>, vector<16xi32>,
        %mul3A_216 = arith.constant 16 : i32
        %mul3A_217 = arith.muli %add3A_209, %mul3A_216 : i32
        %get3A_218 = arith.index_cast %mul3A_217 : i32 to index
        %get3A_219 = tpu.vector_load %arg8[%get3A_218] {strides = array<i32>} : memref<8192xf32, #tpu.memory_space<vmem>>, vector<16xf32>,
        tpu.vector_store_idx %arg6[%get3A_215], %get3A_219 {add = true} : memref<32768xf32, #tpu.memory_space<vmem>>[vector<16xi32>], vector<16xf32>,
      }
      %scan3A_95 = arith.constant 64 : i32
      "tpu.region"() ({
        %run_scoped3A = tpu.sem_alloc : memref<!tpu.dma_semaphore, #tpu.memory_space<semaphore_mem>>
        %dma_start3A = arith.constant 24576 : i32
        %dma_start3A_108 = tpu.memref_slice %arg2[%scan3A_9, %add3A_71, %dma_start3A] : memref<8x64x32768xf32, #tpu.memory_space<hbm>> -> memref<1x1x8192xf32, #tpu.memory_space<hbm>>
        %dma_start3A_109 = tpu.memref_squeeze %dma_start3A_108 : memref<1x1x8192xf32, #tpu.memory_space<hbm>> -> memref<8192xf32, #tpu.memory_space<hbm>>
        %dma_start3A_110 = arith.constant 24576 : i32
        %dma_start3A_111 = tpu.memref_slice %arg2[%scan3A_9, %add3A_71, %dma_start3A_110] : memref<8x64x32768xf32, #tpu.memory_space<hbm>> -> memref<1x1x8192xf32, #tpu.memory_space<hbm>>
        %dma_start3A_112 = tpu.memref_squeeze %dma_start3A_111 : memref<1x1x8192xf32, #tpu.memory_space<hbm>> -> memref<8192xf32, #tpu.memory_space<hbm>>
        tpu.enqueue_dma source(%dma_start3A_112 : memref<8192xf32, #tpu.memory_space<hbm>>) target(%arg8 : memref<8192xf32, #tpu.memory_space<vmem>>) target_semaphore(%run_scoped3A : memref<!tpu.dma_semaphore, #tpu.memory_space<semaphore_mem>>)
        %dma_wait3A = arith.constant 24576 : i32
        %dma_wait3A_113 = tpu.memref_slice %arg2[%scan3A_9, %add3A_71, %dma_wait3A] : memref<8x64x32768xf32, #tpu.memory_space<hbm>> -> memref<1x1x8192xf32, #tpu.memory_space<hbm>>
        %dma_wait3A_114 = tpu.memref_squeeze %dma_wait3A_113 : memref<1x1x8192xf32, #tpu.memory_space<hbm>> -> memref<8192xf32, #tpu.memory_space<hbm>>
        %dma_wait3A_115 = arith.constant 24576 : i32
        %dma_wait3A_116 = tpu.memref_slice %arg2[%scan3A_9, %add3A_71, %dma_wait3A_115] : memref<8x64x32768xf32, #tpu.memory_space<hbm>> -> memref<1x1x8192xf32, #tpu.memory_space<hbm>>
        %dma_wait3A_117 = tpu.memref_squeeze %dma_wait3A_116 : memref<1x1x8192xf32, #tpu.memory_space<hbm>> -> memref<8192xf32, #tpu.memory_space<hbm>>
        tpu.wait_dma2 semaphore(%run_scoped3A : memref<!tpu.dma_semaphore, #tpu.memory_space<semaphore_mem>>) src(%dma_wait3A_117 : memref<8192xf32, #tpu.memory_space<hbm>>) dst(%arg8 : memref<8192xf32, #tpu.memory_space<vmem>>)
        tpu.yield
      }) : () -> ()
      %scan3A_96 = arith.constant 0 : i32
      %scan3A_97 = arith.constant 0 : i32
      %scan3A_98 = arith.constant 64 : i32
      %scan3A_99 = arith.addi %scan3A_97, %scan3A_98 : i32
      %scan3A_100 = arith.constant 1 : i32
      scf.for %scan3A_108 = %scan3A_97 to %scan3A_99 step %scan3A_100  : i32 {
        %mul3A_109 = arith.constant 8 : i32
        %mul3A_110 = arith.muli %scan3A_108, %mul3A_109 : i32
        %add3A_111 = arith.constant 0 : i32
        %add3A_112 = arith.addi %mul3A_110, %add3A_111 : i32
        %mul3A_113 = arith.constant 16 : i32
        %mul3A_114 = arith.muli %add3A_112, %mul3A_113 : i32
        %add3A_115 = arith.constant 24576 : i32
        %add3A_116 = arith.addi %add3A_115, %mul3A_114 : i32
        %get3A = arith.index_cast %add3A_116 : i32 to index
        %get3A_117 = tpu.vector_load %arg5[%get3A] {strides = array<i32>} : memref<32768xi32, #tpu.memory_space<vmem>>, vector<16xi32>,
        %mul3A_118 = arith.constant 16 : i32
        %mul3A_119 = arith.muli %add3A_112, %mul3A_118 : i32
        %get3A_120 = arith.index_cast %mul3A_119 : i32 to index
        %get3A_121 = tpu.vector_load %arg8[%get3A_120] {strides = array<i32>} : memref<8192xf32, #tpu.memory_space<vmem>>, vector<16xf32>,
        tpu.vector_store_idx %arg6[%get3A_117], %get3A_121 {add = true} : memref<32768xf32, #tpu.memory_space<vmem>>[vector<16xi32>], vector<16xf32>,
        %mul3A_122 = arith.constant 8 : i32
        %mul3A_123 = arith.muli %scan3A_108, %mul3A_122 : i32
        %add3A_124 = arith.constant 1 : i32
        %add3A_125 = arith.addi %mul3A_123, %add3A_124 : i32
        %mul3A_126 = arith.constant 16 : i32
        %mul3A_127 = arith.muli %add3A_125, %mul3A_126 : i32
        %add3A_128 = arith.constant 24576 : i32
        %add3A_129 = arith.addi %add3A_128, %mul3A_127 : i32
        %get3A_130 = arith.index_cast %add3A_129 : i32 to index
        %get3A_131 = tpu.vector_load %arg5[%get3A_130] {strides = array<i32>} : memref<32768xi32, #tpu.memory_space<vmem>>, vector<16xi32>,
        %mul3A_132 = arith.constant 16 : i32
        %mul3A_133 = arith.muli %add3A_125, %mul3A_132 : i32
        %get3A_134 = arith.index_cast %mul3A_133 : i32 to index
        %get3A_135 = tpu.vector_load %arg8[%get3A_134] {strides = array<i32>} : memref<8192xf32, #tpu.memory_space<vmem>>, vector<16xf32>,
        tpu.vector_store_idx %arg6[%get3A_131], %get3A_135 {add = true} : memref<32768xf32, #tpu.memory_space<vmem>>[vector<16xi32>], vector<16xf32>,
        %mul3A_136 = arith.constant 8 : i32
        %mul3A_137 = arith.muli %scan3A_108, %mul3A_136 : i32
        %add3A_138 = arith.constant 2 : i32
        %add3A_139 = arith.addi %mul3A_137, %add3A_138 : i32
        %mul3A_140 = arith.constant 16 : i32
        %mul3A_141 = arith.muli %add3A_139, %mul3A_140 : i32
        %add3A_142 = arith.constant 24576 : i32
        %add3A_143 = arith.addi %add3A_142, %mul3A_141 : i32
        %get3A_144 = arith.index_cast %add3A_143 : i32 to index
        %get3A_145 = tpu.vector_load %arg5[%get3A_144] {strides = array<i32>} : memref<32768xi32, #tpu.memory_space<vmem>>, vector<16xi32>,
        %mul3A_146 = arith.constant 16 : i32
        %mul3A_147 = arith.muli %add3A_139, %mul3A_146 : i32
        %get3A_148 = arith.index_cast %mul3A_147 : i32 to index
        %get3A_149 = tpu.vector_load %arg8[%get3A_148] {strides = array<i32>} : memref<8192xf32, #tpu.memory_space<vmem>>, vector<16xf32>,
        tpu.vector_store_idx %arg6[%get3A_145], %get3A_149 {add = true} : memref<32768xf32, #tpu.memory_space<vmem>>[vector<16xi32>], vector<16xf32>,
        %mul3A_150 = arith.constant 8 : i32
        %mul3A_151 = arith.muli %scan3A_108, %mul3A_150 : i32
        %add3A_152 = arith.constant 3 : i32
        %add3A_153 = arith.addi %mul3A_151, %add3A_152 : i32
        %mul3A_154 = arith.constant 16 : i32
        %mul3A_155 = arith.muli %add3A_153, %mul3A_154 : i32
        %add3A_156 = arith.constant 24576 : i32
        %add3A_157 = arith.addi %add3A_156, %mul3A_155 : i32
        %get3A_158 = arith.index_cast %add3A_157 : i32 to index
        %get3A_159 = tpu.vector_load %arg5[%get3A_158] {strides = array<i32>} : memref<32768xi32, #tpu.memory_space<vmem>>, vector<16xi32>,
        %mul3A_160 = arith.constant 16 : i32
        %mul3A_161 = arith.muli %add3A_153, %mul3A_160 : i32
        %get3A_162 = arith.index_cast %mul3A_161 : i32 to index
        %get3A_163 = tpu.vector_load %arg8[%get3A_162] {strides = array<i32>} : memref<8192xf32, #tpu.memory_space<vmem>>, vector<16xf32>,
        tpu.vector_store_idx %arg6[%get3A_159], %get3A_163 {add = true} : memref<32768xf32, #tpu.memory_space<vmem>>[vector<16xi32>], vector<16xf32>,
        %mul3A_164 = arith.constant 8 : i32
        %mul3A_165 = arith.muli %scan3A_108, %mul3A_164 : i32
        %add3A_166 = arith.constant 4 : i32
        %add3A_167 = arith.addi %mul3A_165, %add3A_166 : i32
        %mul3A_168 = arith.constant 16 : i32
        %mul3A_169 = arith.muli %add3A_167, %mul3A_168 : i32
        %add3A_170 = arith.constant 24576 : i32
        %add3A_171 = arith.addi %add3A_170, %mul3A_169 : i32
        %get3A_172 = arith.index_cast %add3A_171 : i32 to index
        %get3A_173 = tpu.vector_load %arg5[%get3A_172] {strides = array<i32>} : memref<32768xi32, #tpu.memory_space<vmem>>, vector<16xi32>,
        %mul3A_174 = arith.constant 16 : i32
        %mul3A_175 = arith.muli %add3A_167, %mul3A_174 : i32
        %get3A_176 = arith.index_cast %mul3A_175 : i32 to index
        %get3A_177 = tpu.vector_load %arg8[%get3A_176] {strides = array<i32>} : memref<8192xf32, #tpu.memory_space<vmem>>, vector<16xf32>,
        tpu.vector_store_idx %arg6[%get3A_173], %get3A_177 {add = true} : memref<32768xf32, #tpu.memory_space<vmem>>[vector<16xi32>], vector<16xf32>,
        %mul3A_178 = arith.constant 8 : i32
        %mul3A_179 = arith.muli %scan3A_108, %mul3A_178 : i32
        %add3A_180 = arith.constant 5 : i32
        %add3A_181 = arith.addi %mul3A_179, %add3A_180 : i32
        %mul3A_182 = arith.constant 16 : i32
        %mul3A_183 = arith.muli %add3A_181, %mul3A_182 : i32
        %add3A_184 = arith.constant 24576 : i32
        %add3A_185 = arith.addi %add3A_184, %mul3A_183 : i32
        %get3A_186 = arith.index_cast %add3A_185 : i32 to index
        %get3A_187 = tpu.vector_load %arg5[%get3A_186] {strides = array<i32>} : memref<32768xi32, #tpu.memory_space<vmem>>, vector<16xi32>,
        %mul3A_188 = arith.constant 16 : i32
        %mul3A_189 = arith.muli %add3A_181, %mul3A_188 : i32
        %get3A_190 = arith.index_cast %mul3A_189 : i32 to index
        %get3A_191 = tpu.vector_load %arg8[%get3A_190] {strides = array<i32>} : memref<8192xf32, #tpu.memory_space<vmem>>, vector<16xf32>,
        tpu.vector_store_idx %arg6[%get3A_187], %get3A_191 {add = true} : memref<32768xf32, #tpu.memory_space<vmem>>[vector<16xi32>], vector<16xf32>,
        %mul3A_192 = arith.constant 8 : i32
        %mul3A_193 = arith.muli %scan3A_108, %mul3A_192 : i32
        %add3A_194 = arith.constant 6 : i32
        %add3A_195 = arith.addi %mul3A_193, %add3A_194 : i32
        %mul3A_196 = arith.constant 16 : i32
        %mul3A_197 = arith.muli %add3A_195, %mul3A_196 : i32
        %add3A_198 = arith.constant 24576 : i32
        %add3A_199 = arith.addi %add3A_198, %mul3A_197 : i32
        %get3A_200 = arith.index_cast %add3A_199 : i32 to index
        %get3A_201 = tpu.vector_load %arg5[%get3A_200] {strides = array<i32>} : memref<32768xi32, #tpu.memory_space<vmem>>, vector<16xi32>,
        %mul3A_202 = arith.constant 16 : i32
        %mul3A_203 = arith.muli %add3A_195, %mul3A_202 : i32
        %get3A_204 = arith.index_cast %mul3A_203 : i32 to index
        %get3A_205 = tpu.vector_load %arg8[%get3A_204] {strides = array<i32>} : memref<8192xf32, #tpu.memory_space<vmem>>, vector<16xf32>,
        tpu.vector_store_idx %arg6[%get3A_201], %get3A_205 {add = true} : memref<32768xf32, #tpu.memory_space<vmem>>[vector<16xi32>], vector<16xf32>,
        %mul3A_206 = arith.constant 8 : i32
        %mul3A_207 = arith.muli %scan3A_108, %mul3A_206 : i32
        %add3A_208 = arith.constant 7 : i32
        %add3A_209 = arith.addi %mul3A_207, %add3A_208 : i32
        %mul3A_210 = arith.constant 16 : i32
        %mul3A_211 = arith.muli %add3A_209, %mul3A_210 : i32
        %add3A_212 = arith.constant 24576 : i32
        %add3A_213 = arith.addi %add3A_212, %mul3A_211 : i32
        %get3A_214 = arith.index_cast %add3A_213 : i32 to index
        %get3A_215 = tpu.vector_load %arg5[%get3A_214] {strides = array<i32>} : memref<32768xi32, #tpu.memory_space<vmem>>, vector<16xi32>,
        %mul3A_216 = arith.constant 16 : i32
        %mul3A_217 = arith.muli %add3A_209, %mul3A_216 : i32
        %get3A_218 = arith.index_cast %mul3A_217 : i32 to index
        %get3A_219 = tpu.vector_load %arg8[%get3A_218] {strides = array<i32>} : memref<8192xf32, #tpu.memory_space<vmem>>, vector<16xf32>,
        tpu.vector_store_idx %arg6[%get3A_215], %get3A_219 {add = true} : memref<32768xf32, #tpu.memory_space<vmem>>[vector<16xi32>], vector<16xf32>,
      }
      %scan3A_101 = arith.constant 64 : i32
      %scan3A_102 = arith.constant 0 : i32
      %scan3A_103 = arith.constant 0 : i32
      %scan3A_104 = arith.constant 256 : i32
      %scan3A_105 = arith.addi %scan3A_103, %scan3A_104 : i32
      %scan3A_106 = arith.constant 1 : i32
      scf.for %scan3A_108 = %scan3A_103 to %scan3A_105 step %scan3A_106  : i32 {
        %mul3A_109 = arith.constant 8 : i32
        %mul3A_110 = arith.muli %scan3A_108, %mul3A_109 : i32
        %add3A_111 = arith.constant 0 : i32
        %add3A_112 = arith.addi %mul3A_110, %add3A_111 : i32
        %mul3A_113 = arith.constant 16 : i32
        %mul3A_114 = arith.muli %add3A_112, %mul3A_113 : i32
        %get3A = arith.index_cast %mul3A_114 : i32 to index
        %get3A_115 = tpu.vector_load %arg6[%get3A] {strides = array<i32>} : memref<32768xf32, #tpu.memory_space<vmem>>, vector<16xf32>,
        %get3A_116 = arith.index_cast %mul3A_114 : i32 to index
        %get3A_117 = tpu.vector_load %arg7[%get3A_116] {strides = array<i32>} : memref<32768xf32, #tpu.memory_space<vmem>>, vector<16xf32>,
        %mul3A_118 = arith.mulf %get3A_115, %get3A_117 : vector<16xf32>
        %swap3A = arith.index_cast %mul3A_114 : i32 to index
        %swap3A_119 = tpu.vector_load %arg6[%swap3A] {strides = array<i32>} : memref<32768xf32, #tpu.memory_space<vmem>>, vector<16xf32>,
        tpu.vector_store %arg6[%swap3A], %mul3A_118 {strides = array<i32>} : memref<32768xf32, #tpu.memory_space<vmem>>, vector<16xf32>,
        %mul3A_120 = arith.constant 8 : i32
        %mul3A_121 = arith.muli %scan3A_108, %mul3A_120 : i32
        %add3A_122 = arith.constant 1 : i32
        %add3A_123 = arith.addi %mul3A_121, %add3A_122 : i32
        %mul3A_124 = arith.constant 16 : i32
        %mul3A_125 = arith.muli %add3A_123, %mul3A_124 : i32
        %get3A_126 = arith.index_cast %mul3A_125 : i32 to index
        %get3A_127 = tpu.vector_load %arg6[%get3A_126] {strides = array<i32>} : memref<32768xf32, #tpu.memory_space<vmem>>, vector<16xf32>,
        %get3A_128 = arith.index_cast %mul3A_125 : i32 to index
        %get3A_129 = tpu.vector_load %arg7[%get3A_128] {strides = array<i32>} : memref<32768xf32, #tpu.memory_space<vmem>>, vector<16xf32>,
        %mul3A_130 = arith.mulf %get3A_127, %get3A_129 : vector<16xf32>
        %swap3A_131 = arith.index_cast %mul3A_125 : i32 to index
        %swap3A_132 = tpu.vector_load %arg6[%swap3A_131] {strides = array<i32>} : memref<32768xf32, #tpu.memory_space<vmem>>, vector<16xf32>,
        tpu.vector_store %arg6[%swap3A_131], %mul3A_130 {strides = array<i32>} : memref<32768xf32, #tpu.memory_space<vmem>>, vector<16xf32>,
        %mul3A_133 = arith.constant 8 : i32
        %mul3A_134 = arith.muli %scan3A_108, %mul3A_133 : i32
        %add3A_135 = arith.constant 2 : i32
        %add3A_136 = arith.addi %mul3A_134, %add3A_135 : i32
        %mul3A_137 = arith.constant 16 : i32
        %mul3A_138 = arith.muli %add3A_136, %mul3A_137 : i32
        %get3A_139 = arith.index_cast %mul3A_138 : i32 to index
        %get3A_140 = tpu.vector_load %arg6[%get3A_139] {strides = array<i32>} : memref<32768xf32, #tpu.memory_space<vmem>>, vector<16xf32>,
        %get3A_141 = arith.index_cast %mul3A_138 : i32 to index
        %get3A_142 = tpu.vector_load %arg7[%get3A_141] {strides = array<i32>} : memref<32768xf32, #tpu.memory_space<vmem>>, vector<16xf32>,
        %mul3A_143 = arith.mulf %get3A_140, %get3A_142 : vector<16xf32>
        %swap3A_144 = arith.index_cast %mul3A_138 : i32 to index
        %swap3A_145 = tpu.vector_load %arg6[%swap3A_144] {strides = array<i32>} : memref<32768xf32, #tpu.memory_space<vmem>>, vector<16xf32>,
        tpu.vector_store %arg6[%swap3A_144], %mul3A_143 {strides = array<i32>} : memref<32768xf32, #tpu.memory_space<vmem>>, vector<16xf32>,
        %mul3A_146 = arith.constant 8 : i32
        %mul3A_147 = arith.muli %scan3A_108, %mul3A_146 : i32
        %add3A_148 = arith.constant 3 : i32
        %add3A_149 = arith.addi %mul3A_147, %add3A_148 : i32
        %mul3A_150 = arith.constant 16 : i32
        %mul3A_151 = arith.muli %add3A_149, %mul3A_150 : i32
        %get3A_152 = arith.index_cast %mul3A_151 : i32 to index
        %get3A_153 = tpu.vector_load %arg6[%get3A_152] {strides = array<i32>} : memref<32768xf32, #tpu.memory_space<vmem>>, vector<16xf32>,
        %get3A_154 = arith.index_cast %mul3A_151 : i32 to index
        %get3A_155 = tpu.vector_load %arg7[%get3A_154] {strides = array<i32>} : memref<32768xf32, #tpu.memory_space<vmem>>, vector<16xf32>,
        %mul3A_156 = arith.mulf %get3A_153, %get3A_155 : vector<16xf32>
        %swap3A_157 = arith.index_cast %mul3A_151 : i32 to index
        %swap3A_158 = tpu.vector_load %arg6[%swap3A_157] {strides = array<i32>} : memref<32768xf32, #tpu.memory_space<vmem>>, vector<16xf32>,
        tpu.vector_store %arg6[%swap3A_157], %mul3A_156 {strides = array<i32>} : memref<32768xf32, #tpu.memory_space<vmem>>, vector<16xf32>,
        %mul3A_159 = arith.constant 8 : i32
        %mul3A_160 = arith.muli %scan3A_108, %mul3A_159 : i32
        %add3A_161 = arith.constant 4 : i32
        %add3A_162 = arith.addi %mul3A_160, %add3A_161 : i32
        %mul3A_163 = arith.constant 16 : i32
        %mul3A_164 = arith.muli %add3A_162, %mul3A_163 : i32
        %get3A_165 = arith.index_cast %mul3A_164 : i32 to index
        %get3A_166 = tpu.vector_load %arg6[%get3A_165] {strides = array<i32>} : memref<32768xf32, #tpu.memory_space<vmem>>, vector<16xf32>,
        %get3A_167 = arith.index_cast %mul3A_164 : i32 to index
        %get3A_168 = tpu.vector_load %arg7[%get3A_167] {strides = array<i32>} : memref<32768xf32, #tpu.memory_space<vmem>>, vector<16xf32>,
        %mul3A_169 = arith.mulf %get3A_166, %get3A_168 : vector<16xf32>
        %swap3A_170 = arith.index_cast %mul3A_164 : i32 to index
        %swap3A_171 = tpu.vector_load %arg6[%swap3A_170] {strides = array<i32>} : memref<32768xf32, #tpu.memory_space<vmem>>, vector<16xf32>,
        tpu.vector_store %arg6[%swap3A_170], %mul3A_169 {strides = array<i32>} : memref<32768xf32, #tpu.memory_space<vmem>>, vector<16xf32>,
        %mul3A_172 = arith.constant 8 : i32
        %mul3A_173 = arith.muli %scan3A_108, %mul3A_172 : i32
        %add3A_174 = arith.constant 5 : i32
        %add3A_175 = arith.addi %mul3A_173, %add3A_174 : i32
        %mul3A_176 = arith.constant 16 : i32
        %mul3A_177 = arith.muli %add3A_175, %mul3A_176 : i32
        %get3A_178 = arith.index_cast %mul3A_177 : i32 to index
        %get3A_179 = tpu.vector_load %arg6[%get3A_178] {strides = array<i32>} : memref<32768xf32, #tpu.memory_space<vmem>>, vector<16xf32>,
        %get3A_180 = arith.index_cast %mul3A_177 : i32 to index
        %get3A_181 = tpu.vector_load %arg7[%get3A_180] {strides = array<i32>} : memref<32768xf32, #tpu.memory_space<vmem>>, vector<16xf32>,
        %mul3A_182 = arith.mulf %get3A_179, %get3A_181 : vector<16xf32>
        %swap3A_183 = arith.index_cast %mul3A_177 : i32 to index
        %swap3A_184 = tpu.vector_load %arg6[%swap3A_183] {strides = array<i32>} : memref<32768xf32, #tpu.memory_space<vmem>>, vector<16xf32>,
        tpu.vector_store %arg6[%swap3A_183], %mul3A_182 {strides = array<i32>} : memref<32768xf32, #tpu.memory_space<vmem>>, vector<16xf32>,
        %mul3A_185 = arith.constant 8 : i32
        %mul3A_186 = arith.muli %scan3A_108, %mul3A_185 : i32
        %add3A_187 = arith.constant 6 : i32
        %add3A_188 = arith.addi %mul3A_186, %add3A_187 : i32
        %mul3A_189 = arith.constant 16 : i32
        %mul3A_190 = arith.muli %add3A_188, %mul3A_189 : i32
        %get3A_191 = arith.index_cast %mul3A_190 : i32 to index
        %get3A_192 = tpu.vector_load %arg6[%get3A_191] {strides = array<i32>} : memref<32768xf32, #tpu.memory_space<vmem>>, vector<16xf32>,
        %get3A_193 = arith.index_cast %mul3A_190 : i32 to index
        %get3A_194 = tpu.vector_load %arg7[%get3A_193] {strides = array<i32>} : memref<32768xf32, #tpu.memory_space<vmem>>, vector<16xf32>,
        %mul3A_195 = arith.mulf %get3A_192, %get3A_194 : vector<16xf32>
        %swap3A_196 = arith.index_cast %mul3A_190 : i32 to index
        %swap3A_197 = tpu.vector_load %arg6[%swap3A_196] {strides = array<i32>} : memref<32768xf32, #tpu.memory_space<vmem>>, vector<16xf32>,
        tpu.vector_store %arg6[%swap3A_196], %mul3A_195 {strides = array<i32>} : memref<32768xf32, #tpu.memory_space<vmem>>, vector<16xf32>,
        %mul3A_198 = arith.constant 8 : i32
        %mul3A_199 = arith.muli %scan3A_108, %mul3A_198 : i32
        %add3A_200 = arith.constant 7 : i32
        %add3A_201 = arith.addi %mul3A_199, %add3A_200 : i32
        %mul3A_202 = arith.constant 16 : i32
        %mul3A_203 = arith.muli %add3A_201, %mul3A_202 : i32
        %get3A_204 = arith.index_cast %mul3A_203 : i32 to index
        %get3A_205 = tpu.vector_load %arg6[%get3A_204] {strides = array<i32>} : memref<32768xf32, #tpu.memory_space<vmem>>, vector<16xf32>,
        %get3A_206 = arith.index_cast %mul3A_203 : i32 to index
        %get3A_207 = tpu.vector_load %arg7[%get3A_206] {strides = array<i32>} : memref<32768xf32, #tpu.memory_space<vmem>>, vector<16xf32>,
        %mul3A_208 = arith.mulf %get3A_205, %get3A_207 : vector<16xf32>
        %swap3A_209 = arith.index_cast %mul3A_203 : i32 to index
        %swap3A_210 = tpu.vector_load %arg6[%swap3A_209] {strides = array<i32>} : memref<32768xf32, #tpu.memory_space<vmem>>, vector<16xf32>,
        tpu.vector_store %arg6[%swap3A_209], %mul3A_208 {strides = array<i32>} : memref<32768xf32, #tpu.memory_space<vmem>>, vector<16xf32>,
      }
      %scan3A_107 = arith.constant 256 : i32
      "tpu.region"() ({
        %run_scoped3A = tpu.sem_alloc : memref<!tpu.dma_semaphore, #tpu.memory_space<semaphore_mem>>
        %dma_start3A = arith.constant 0 : i32
        %dma_start3A_108 = tpu.memref_slice %arg4[%scan3A_9, %add3A_71, %dma_start3A] : memref<8x64x32768xf32, #tpu.memory_space<hbm>> -> memref<1x1x32768xf32, #tpu.memory_space<hbm>>
        %dma_start3A_109 = tpu.memref_squeeze %dma_start3A_108 : memref<1x1x32768xf32, #tpu.memory_space<hbm>> -> memref<32768xf32, #tpu.memory_space<hbm>>
        %dma_start3A_110 = arith.constant 0 : i32
        %dma_start3A_111 = tpu.memref_slice %arg4[%scan3A_9, %add3A_71, %dma_start3A_110] : memref<8x64x32768xf32, #tpu.memory_space<hbm>> -> memref<1x1x32768xf32, #tpu.memory_space<hbm>>
        %dma_start3A_112 = tpu.memref_squeeze %dma_start3A_111 : memref<1x1x32768xf32, #tpu.memory_space<hbm>> -> memref<32768xf32, #tpu.memory_space<hbm>>
        tpu.enqueue_dma source(%arg6 : memref<32768xf32, #tpu.memory_space<vmem>>) target(%dma_start3A_112 : memref<32768xf32, #tpu.memory_space<hbm>>) target_semaphore(%run_scoped3A : memref<!tpu.dma_semaphore, #tpu.memory_space<semaphore_mem>>)
        %dma_wait3A = arith.constant 0 : i32
        %dma_wait3A_113 = tpu.memref_slice %arg4[%scan3A_9, %add3A_71, %dma_wait3A] : memref<8x64x32768xf32, #tpu.memory_space<hbm>> -> memref<1x1x32768xf32, #tpu.memory_space<hbm>>
        %dma_wait3A_114 = tpu.memref_squeeze %dma_wait3A_113 : memref<1x1x32768xf32, #tpu.memory_space<hbm>> -> memref<32768xf32, #tpu.memory_space<hbm>>
        %dma_wait3A_115 = arith.constant 0 : i32
        %dma_wait3A_116 = tpu.memref_slice %arg4[%scan3A_9, %add3A_71, %dma_wait3A_115] : memref<8x64x32768xf32, #tpu.memory_space<hbm>> -> memref<1x1x32768xf32, #tpu.memory_space<hbm>>
        %dma_wait3A_117 = tpu.memref_squeeze %dma_wait3A_116 : memref<1x1x32768xf32, #tpu.memory_space<hbm>> -> memref<32768xf32, #tpu.memory_space<hbm>>
        tpu.wait_dma2 semaphore(%run_scoped3A : memref<!tpu.dma_semaphore, #tpu.memory_space<semaphore_mem>>) src(%arg6 : memref<32768xf32, #tpu.memory_space<vmem>>) dst(%dma_wait3A_117 : memref<32768xf32, #tpu.memory_space<hbm>>)
        tpu.yield
      }) : () -> ()
    }
    %scan3A_8 = arith.constant 8 : i32
    return
  }
}

module attributes {stable_mosaic.version = 14 : i64} {
  func.func @_norm_idx_body(%arg0: i32, %arg1: memref<1x3x32768xf32, #tpu.memory_space<vmem>>, %arg2: memref<1x3x32768xf32, #tpu.memory_space<vmem>>, %arg3: memref<1x1x32768xi32, #tpu.memory_space<vmem>>) attributes {dimension_semantics = [#tpu.dimension_semantics<arbitrary>], iteration_bounds = array<i64: 8>, scalar_prefetch = 0 : i64, scratch_operands = 0 : i64, tpu.core_type = #tpu.core_type<tc>, window_params = [{transform_indices = @transform_0, window_bounds = array<i64: 1, 3, 32768>}, {transform_indices = @transform_1, window_bounds = array<i64: 1, 3, 32768>}, {transform_indices = @transform_2, window_bounds = array<i64: 1, 1, 32768>}]} {
    %get3A = arith.constant 0 : index
    %get3A_0 = arith.constant 0 : index
    %get3A_1 = arith.constant 0 : index
    %get3A_2 = vector.load %arg1[%get3A, %get3A_0, %get3A_1] : memref<1x3x32768xf32, #tpu.memory_space<vmem>>, vector<1x3x32768xf32>
    %get3A_3 = vector.shape_cast %get3A_2 : vector<1x3x32768xf32> to vector<3x32768xf32>
    %reduce_sum3A = arith.constant dense<0.000000e+00> : vector<3xf32>
    %reduce_sum3A_4 = vector.multi_reduction <add>, %get3A_3, %reduce_sum3A [1] : vector<3x32768xf32> to vector<3xf32>
    %broadcast_in_dim3A = vector.shape_cast %reduce_sum3A_4 : vector<3xf32> to vector<3x1xf32>
    %div3A = arith.constant 3.276800e+04 : f32
    %div3A_5 = vector.broadcast %div3A : f32 to vector<3x1xf32>
    %div3A_6 = arith.divf %broadcast_in_dim3A, %div3A_5 : vector<3x1xf32>
    %sub3A = vector.broadcast %div3A_6 : vector<3x1xf32> to vector<3x32768xf32>
    %sub3A_7 = arith.subf %get3A_3, %sub3A : vector<3x32768xf32>
    %mul3A = arith.mulf %sub3A_7, %sub3A_7 : vector<3x32768xf32>
    %reduce_sum3A_8 = arith.constant dense<0.000000e+00> : vector<32768xf32>
    %reduce_sum3A_9 = vector.multi_reduction <add>, %mul3A, %reduce_sum3A_8 [0] : vector<3x32768xf32> to vector<32768xf32>
    %broadcast_in_dim3A_10 = vector.shape_cast %reduce_sum3A_9 : vector<32768xf32> to vector<1x32768xf32>
    %sqrt3A = math.sqrt %broadcast_in_dim3A_10 : vector<1x32768xf32>
    %reduce_max3A = vector.shape_cast %sqrt3A : vector<1x32768xf32> to vector<1x1x32768xf32>
    %reduce_max3A_11 = arith.constant dense<0xFF800000> : vector<1xf32>
    %reduce_max3A_12 = vector.multi_reduction <maximumf>, %reduce_max3A, %reduce_max3A_11 [1, 2] : vector<1x1x32768xf32> to vector<1xf32>
    %reduce_max3A_13 = vector.shape_cast %reduce_max3A_12 : vector<1xf32> to vector<1x1x1xf32>
    %reduce_max3A_14 = vector.extract %reduce_max3A_13[0, 0, 0] : f32 from vector<1x1x1xf32>
    %mul3A_15 = arith.constant 2.000000e+00 : f32
    %mul3A_16 = arith.mulf %reduce_max3A_14, %mul3A_15 : f32
    %add3A = arith.constant 0.000000e+00 : f32
    %add3A_17 = arith.addf %mul3A_16, %add3A : f32
    %div3A_18 = vector.broadcast %add3A_17 : f32 to vector<3x32768xf32>
    %div3A_19 = arith.divf %sub3A_7, %div3A_18 : vector<3x32768xf32>
    %add3A_20 = arith.constant 5.000000e-01 : f32
    %add3A_21 = vector.broadcast %add3A_20 : f32 to vector<3x32768xf32>
    %add3A_22 = arith.addf %div3A_19, %add3A_21 : vector<3x32768xf32>
    %mul3A_23 = arith.constant 3.200000e+01 : f32
    %mul3A_24 = vector.broadcast %mul3A_23 : f32 to vector<3x32768xf32>
    %mul3A_25 = arith.mulf %add3A_22, %mul3A_24 : vector<3x32768xf32>
    %jit3A = arith.constant 0.000000e+00 : f32
    %jit3A_26 = arith.constant 3.100000e+01 : f32
    %max3A = vector.broadcast %jit3A : f32 to vector<3x32768xf32>
    %max3A_27 = arith.maximumf %max3A, %mul3A_25 : vector<3x32768xf32>
    %min3A = vector.broadcast %jit3A_26 : f32 to vector<3x32768xf32>
    %min3A_28 = arith.minimumf %min3A, %max3A_27 : vector<3x32768xf32>
    %round3A = math.roundeven %min3A_28 : vector<3x32768xf32>
    %convert_element_type3A = arith.fptosi %round3A : vector<3x32768xf32> to vector<3x32768xi32>
    %swap3A = arith.constant 0 : index
    %swap3A_29 = arith.constant 0 : index
    %swap3A_30 = arith.constant 0 : index
    %swap3A_31 = vector.load %arg2[%swap3A, %swap3A_29, %swap3A_30] : memref<1x3x32768xf32, #tpu.memory_space<vmem>>, vector<1x3x32768xf32>
    %swap3A_32 = vector.shape_cast %swap3A_31 : vector<1x3x32768xf32> to vector<3x32768xf32>
    %swap3A_33 = vector.shape_cast %min3A_28 : vector<3x32768xf32> to vector<1x3x32768xf32>
    tpu.vector_store %arg2[%swap3A, %swap3A_29, %swap3A_30], %swap3A_33 {strides = array<i32>} : memref<1x3x32768xf32, #tpu.memory_space<vmem>>, vector<1x3x32768xf32>,
    %slice3A = vector.extract_strided_slice %convert_element_type3A {offsets = [0, 0], sizes = [1, 32768], strides = [1, 1]} : vector<3x32768xi32> to vector<1x32768xi32>
    %squeeze3A = vector.shape_cast %slice3A : vector<1x32768xi32> to vector<32768xi32>
    %mul3A_34 = arith.constant 32 : i32
    %mul3A_35 = vector.broadcast %mul3A_34 : i32 to vector<32768xi32>
    %mul3A_36 = arith.muli %squeeze3A, %mul3A_35 : vector<32768xi32>
    %slice3A_37 = vector.extract_strided_slice %convert_element_type3A {offsets = [1, 0], sizes = [1, 32768], strides = [1, 1]} : vector<3x32768xi32> to vector<1x32768xi32>
    %squeeze3A_38 = vector.shape_cast %slice3A_37 : vector<1x32768xi32> to vector<32768xi32>
    %add3A_39 = arith.addi %mul3A_36, %squeeze3A_38 : vector<32768xi32>
    %mul3A_40 = arith.constant 32 : i32
    %mul3A_41 = vector.broadcast %mul3A_40 : i32 to vector<32768xi32>
    %mul3A_42 = arith.muli %add3A_39, %mul3A_41 : vector<32768xi32>
    %slice3A_43 = vector.extract_strided_slice %convert_element_type3A {offsets = [2, 0], sizes = [1, 32768], strides = [1, 1]} : vector<3x32768xi32> to vector<1x32768xi32>
    %squeeze3A_44 = vector.shape_cast %slice3A_43 : vector<1x32768xi32> to vector<32768xi32>
    %add3A_45 = arith.addi %mul3A_42, %squeeze3A_44 : vector<32768xi32>
    %broadcast_in_dim3A_46 = vector.shape_cast %add3A_45 : vector<32768xi32> to vector<1x32768xi32>
    %swap3A_47 = arith.constant 0 : index
    %swap3A_48 = arith.constant 0 : index
    %swap3A_49 = arith.constant 0 : index
    %swap3A_50 = vector.load %arg3[%swap3A_47, %swap3A_48, %swap3A_49] : memref<1x1x32768xi32, #tpu.memory_space<vmem>>, vector<1x1x32768xi32>
    %swap3A_51 = vector.shape_cast %swap3A_50 : vector<1x1x32768xi32> to vector<1x32768xi32>
    %swap3A_52 = vector.shape_cast %broadcast_in_dim3A_46 : vector<1x32768xi32> to vector<1x1x32768xi32>
    tpu.vector_store %arg3[%swap3A_47, %swap3A_48, %swap3A_49], %swap3A_52 {strides = array<i32>} : memref<1x1x32768xi32, #tpu.memory_space<vmem>>, vector<1x1x32768xi32>,
    return
  }
  func.func @transform_0(%arg0: i32) -> (i32, i32, i32) {
    %c0_i32 = arith.constant 0 : i32
    %c0_i32_0 = arith.constant 0 : i32
    %c0_i32_1 = arith.constant 0 : i32
    return %arg0, %c0_i32, %c0_i32_0 : i32, i32, i32
  }
  func.func @transform_1(%arg0: i32) -> (i32, i32, i32) {
    %c0_i32 = arith.constant 0 : i32
    %c0_i32_0 = arith.constant 0 : i32
    %c0_i32_1 = arith.constant 0 : i32
    return %arg0, %c0_i32, %c0_i32_0 : i32, i32, i32
  }
  func.func @transform_2(%arg0: i32) -> (i32, i32, i32) {
    %c0_i32 = arith.constant 0 : i32
    %c0_i32_0 = arith.constant 0 : i32
    %c0_i32_1 = arith.constant 0 : i32
    return %arg0, %c0_i32, %c0_i32_0 : i32, i32, i32
  }
}

</mosaic_0001>

<sc_bundles>
// kernel: kernel.4.cloned.1.call-start
scs
__scs_entry_jumppad:
0x0: {  	(pc) =	sbr.rel $0x88, $3  }
0x1: {  	(tag) =	ssettag $0x0;
	lr =	simm.s32 $0x1  }
0x2: {  	[smem:$0x3F9F] =	sst lr;
	_ =	strace $0xD0000000  }
0x3: {  	_ = 	snop  }
0x4: {  	_ = 	snop  }
0x5: {  	_ = 	snop  }
0x6: {  	_ = 	snop  }
0x7: {  	_ = 	snop  }
__scs_overlays_trampoline_lowered:
0x8: {  	[smem:$0x3FAE] =	sst s0  }
0x9: {  	[smem:$0x3FAF] =	sst s1  }
0xa: {  	[smem:$0x3FB0] =	sst s2  }
0xb: {  	[smem:$0x3FB1] =	sst s3  }
0xc: {  	[smem:$0x3FB2] =	sst s4  }
0xd: {  	[smem:$0x3FB3] =	sst s5  }
0xe: {  	[smem:$0x3FB4] =	sst s6  }
0xf: {  	[smem:$0x3FB5] =	sst s7  }
0x10: {  	[smem:$0x3FB6] =	sst s8  }
0x11: {  	[smem:$0x3FB7] =	sst s9;
	s0 =	simm.s32 @!p0 $0x0  }
0x12: {  	s1 =	sld [smem:$0x3F9D];
	s0 =	simm.s32 @p0 $0x1  }
0x13: {  	[smem:$0x3FB8] =	sst s0;
	s0 =	simm.s32 @!p1 $0x0  }
0x14: {  	s2 =	sld [smem:$0x3F9C];
	s0 =	simm.s32 @p1 $0x1  }
0x15: {  	[smem:$0x3FB9] =	sst s0;
	s0 =	simm.s32 @!p2 $0x0  }
0x16: {  	s3 =	sld [smem:$0x3FDB];
	s0 =	simm.s32 @p2 $0x1  }
0x17: {  	s4 =	simm.s32 $0x1BF5;
	[smem:$0x3FBB] =	sst s0  }
0x18: {  	s0 =	sld [smem:$0x3F9E];
	_ =	swait.ge [sflag:s4], $0x0  }
0x19: {  	s7 =	sld [smem:$0x3F9F]  }
0x1a: {  	s8 =	sadd.s32 $0xFFFFE003, lr  }
0x1b: {  	s9 =	sadd.s32 $0xFFFFFEF7, lr;
	s5 =	simm.s32 $0xFFFFFFFF;
	p2 =	slt.u32 s8, $0xFFFFF086  }
0x1c: {  	p1 =	slt.u32 s9, $0xF7A;
	s5 =	simm.s32 @!p2 $0x0  }
0x1d: {  	s5 =	simm.s32 @p1 $0x1;
	p0 =	seq.s32 s7, s2  }
0x1e: {  	s7 =	smul.u32 @!p0 $0xF7A, s2;
	p2 =	seq.s32 @!p0 s5, $0x0  }
0x1f: {  	s9 =	smul.u32 $0xF7A, s1;
	s8 =	simm.s32 @!p0 $0x1BF5;
	p2 =	por !p2, p0  }
0x20: {  	[sflag:s8] =	ssyncset.s32 @!p0 $0xFFFFF086;
	s6 =	sadd.s32 @!p0 s3, s7;
	s7 =	simm.s32 @!p0 $0x108  }
0x21: {  	s3 =	sadd.s32 s3, s9;
	s6 =	sadd.s32 @!p0 $0x88, s6;
	s7 =	simm.s32 @p2 $0x1082  }
0x22: {  	[simem:s7], [sflag:s8] =	dma.local @!p0 [hbm:s6], $0xF7A  }
0x23: {  	s9 =	sor.u32 $0xD0000000, s2;
	s6 =	simm.s32 $0x108;
	_ =	swait.ge @!p0 [sflag:s8], $0x0  }
0x24: {  	s3 =	sadd.s32 $0x88, s3;
	s6 =	simm.s32 @!p1 $0x1082;
	[sflag:s4] =	ssyncset.s32 $0xFFFFF086  }
0x25: {  	[simem:s6], [sflag:s4] =	dma.local [hbm:s3], $0xF7A  }
0x26: {  	[smem:$0x3F9F] =	sst s1;
	(tag) =	ssettag s2;
	_ =	strace s9  }
0x27: {  	s1 =	sld [smem:$0x3FAF]  }
0x28: {  	s2 =	sld [smem:$0x3FB0]  }
0x29: {  	s4 =	sld [smem:$0x3FB2]  }
0x2a: {  	p0 =	seq.s32 s5, $0x0;
	s5 =	sld [smem:$0x3FB3]  }
0x2b: {  	s6 =	sld [smem:$0x3FB4]  }
0x2c: {  	s7 =	sld [smem:$0x3FB5]  }
0x2d: {  	s3 =	simm.s32 $0x108;
	s8 =	sld [smem:$0x3FB6]  }
0x2e: {  	s3 =	simm.s32 @!p0 $0x1082;
	s9 =	sld [smem:$0x3FB7]  }
0x2f: {  	lr =	sadd.s32 s0, s3;
	s0 =	sld [smem:$0x3FAE]  }
0x30: {  	s3 =	sld [smem:$0x3FB1]  }
0x31: {  	[smem:$0x3FBA] =	sst s10  }
0x32: {  	s10 =	sld [smem:$0x3FB8];
	_ =	sdelay $0x3  }
0x33: {  	p0 =	seq.s32 s10, $0x1;
	s10 =	sld [smem:$0x3FBA];
	_ =	sdelay $0x3  }
0x34: {  	[smem:$0x3FBA] =	sst s10  }
0x35: {  	s10 =	sld [smem:$0x3FB9];
	_ =	sdelay $0x3  }
0x36: {  	p1 =	seq.s32 s10, $0x1;
	s10 =	sld [smem:$0x3FBA];
	_ =	sdelay $0x3  }
0x37: {  	[smem:$0x3FBA] =	sst s10  }
0x38: {  	s10 =	sld [smem:$0x3FBB]  }
0x39: {  	_ = 	snop;
	(pc) =	sbr.ind lr, $3  }
0x3a: {  	_ = 	snop  }
0x3b: {  	_ = 	snop  }
0x3c: {  	p2 =	seq.s32 s10, $0x1;
	s10 =	sld [smem:$0x3FBA]  }
0x3d: {  	_ =	shalt  }
0x3e: {  	_ =	shalt  }
0x3f: {  	_ =	shalt  }
0x40: {  	_ =	shalt  }
0x41: {  	_ =	shalt  }
0x42: {  	_ =	shalt  }
0x43: {  	_ =	shalt  }
0x44: {  	_ =	shalt  }
0x45: {  	_ =	shalt  }
0x46: {  	_ =	shalt  }
0x47: {  	_ =	shalt  }
0x48: {  	_ =	shalt  }
0x49: {  	_ =	shalt  }
0x4a: {  	_ =	shalt  }
0x4b: {  	_ =	shalt  }
0x4c: {  	_ =	shalt  }
0x4d: {  	_ =	shalt  }
0x4e: {  	_ =	shalt  }
0x4f: {  	_ =	shalt  }
0x50: {  	_ =	shalt  }
0x51: {  	_ =	shalt  }
0x52: {  	_ =	shalt  }
0x53: {  	_ =	shalt  }
0x54: {  	_ =	shalt  }
0x55: {  	_ =	shalt  }
0x56: {  	_ =	shalt  }
0x57: {  	_ =	shalt  }
0x58: {  	_ =	shalt  }
0x59: {  	_ =	shalt  }
0x5a: {  	_ =	shalt  }
0x5b: {  	_ =	shalt  }
0x5c: {  	_ =	shalt  }
0x5d: {  	_ =	shalt  }
0x5e: {  	_ =	shalt  }
0x5f: {  	_ =	shalt  }
0x60: {  	_ =	shalt  }
0x61: {  	_ =	shalt  }
0x62: {  	_ =	shalt  }
0x63: {  	_ =	shalt  }
0x64: {  	_ =	shalt  }
0x65: {  	_ =	shalt  }
0x66: {  	_ =	shalt  }
0x67: {  	_ =	shalt  }
0x68: {  	_ =	shalt  }
0x69: {  	_ =	shalt  }
0x6a: {  	_ =	shalt  }
0x6b: {  	_ =	shalt  }
0x6c: {  	_ =	shalt  }
0x6d: {  	_ =	shalt  }
0x6e: {  	_ =	shalt  }
0x6f: {  	_ =	shalt  }
0x70: {  	_ =	shalt  }
0x71: {  	_ =	shalt  }
0x72: {  	_ =	shalt  }
0x73: {  	_ =	shalt  }
0x74: {  	_ =	shalt  }
0x75: {  	_ =	shalt  }
0x76: {  	_ =	shalt  }
0x77: {  	_ =	shalt  }
0x78: {  	_ =	shalt  }
0x79: {  	_ =	shalt  }
0x7a: {  	_ =	shalt  }
0x7b: {  	_ =	shalt  }
0x7c: {  	_ =	shalt  }
0x7d: {  	_ =	shalt  }
0x7e: {  	_ =	shalt  }
0x7f: {  	_ =	shalt  }
0x80: {  	_ =	shalt  }
0x81: {  	_ =	shalt  }
0x82: {  	_ =	shalt  }
0x83: {  	_ =	shalt  }
0x84: {  	_ =	shalt  }
0x85: {  	_ =	shalt  }
0x86: {  	_ =	shalt  }
0x87: {  	_ =	shalt  }
.Lfunc_end0:
.L_simem_size_0:
called_computation.2_lowered:
.L_overlay_start_0:
0x88: {  	s2 =	sld [smem:$0x3FD9]  }
0x89: {  	s3 =	sld [smem:$0x3FFE];
	_ =	sdelay $0x1  }
0x8a: {  	s1 =	srdreg.scid  }
0x8b: {  	s0 =	sand.u32 $0x1, s1  }
0x8c: {  	s14 =	sshll.u32 s0, $0xA;
	s2 =	sadd.s32 s3, s2  }
0x8d: {  	s2 =	sadd.s32 s2, s14  }
0x8e: {  	[smem:$0x3FC6] =	sst s2  }
0x8f: {  	_ = 	snop  }
0x90: {  	s2 =	sld [smem:$0x3FD0];
	_ =	sdelay $0x2  }
0x91: {  	s15 =	simm.s32 $0xA;
	s4 =	simm.s32 $0x10  }
0x92: {  	[smem:s4], [sflag:s15] =	dma.local [hbm:s2], $0x1  }
0x93: {  	_ =	swait.eq [sflag:s15], $0x1  }
0x94: {  	[sflag:s15] =	ssyncset.done $0x0  }
0x95: {  	s16 =	sld [smem:$0x10];
	[sflag:s15] =	ssyncadd.s32 $0xFFFFFFFF  }
0x96: {  	s17 =	sld [smem:$0x11];
	(tm) =	ssettm $0x1  }
0x97: {  	s18 =	sld [smem:$0x3FFB];
	_ =	sdelay $0x3  }
0x98: {  	_ =	strace s18  }
0x99: {  	s4 =	sld [smem:$0x3FFC];
	_ =	sdelay $0x3  }
0x9a: {  	_ =	strace s4  }
0x9b: {  	s4 =	sld [smem:$0x3FFD];
	_ =	sdelay $0x3  }
0x9c: {  	_ =	strace s4  }
0x9d: {  	_ =	strace $0x8FFFFFFF  }
0x9e: {  	s19 =	sld [smem:$0x3FDB];
	_ =	sdelay $0x1  }
0x9f: {  	s5 =	simm.s32 $_scs_section_size  }
0xa0: {  	s6 =	simm.s32 $_size__tile_overlayer_lowered;
	s7 =	simm.s32 $_tile_overlayer_lowered  }
0xa1: {  	s22 =	simm.s32 $0x1BFF;
	s21 =	sshll.u32 s7, $0x1;
	s4 =	sadd.s32 s5, s19  }
0xa2: {  	s8 =	simm.s32 $0x0;
	s20 =	sshll.u32 s6, $0x1;
	s6 =	sadd.s32 s21, s4  }
0xa3: {  	[timem:s8], [sflag:s22] =	dma.local [hbm:s6], s20  }
0xa4: {  	_ =	swait.ge [sflag:s22], s20  }
0xa5: {  	s5 =	ssub.s32 $0x0, s20;
	[sflag:s22] =	ssyncset.done $0x0  }
0xa6: {  	[sflag:s22] =	ssyncadd.s32 s5;
	_ =	sdelay $0x1  }
0xa7: {  	s23 =	simm.s32 $0x1B8B  }
0xa8: {  	_ =	swait.ge [sflag:s23], $0x1  }
0xa9: {  	[sflag:s23] =	ssyncset.done $0x0  }
0xaa: {  	s25 =	simm.s32 $0x1B8E;
	s24 =	sld [smem:$0x3FFE];
	[sflag:s23] =	ssyncadd.s32 $0xFFFFFFFF  }
0xab: {  	s26 =	simm.s32 $execute0_lowered;
	[smem:$0x3FD2] =	sst s25  }
0xac: {  	s6 =	sshll.u32 s26, $0x1;
	_ =	strace $0x80000049;
	[dreg:$0x1] =	wrdreg $0xFFFFFFFF  }
0xad: {  	s28 =	simm.s32 $_size_execute0_lowered;
	s4 =	sadd.s32 s4, s6;
	[dreg:$0x0] =	wrdreg $0x0  }
0xae: {  	s6 =	sshll.u32 s28, $0x1;
	[dreg:$0x2] =	wrdreg s4  }
0xaf: {  	[dreg:$0x3] =	wrdreg s6  }
0xb0: {  	[dreg:$0x4] =	wrdreg $0xC0  }
0xb1: {  	_ =	task [dreg:s8], $0x5FFFF  }
0xb2: {  	[dreg:$0x1] =	wrdreg $0xFFFFFFFF  }
0xb3: {  	[dreg:$0x0] =	wrdreg $0x60  }
0xb4: {  	[dreg:$0x2] =	wrdreg s24  }
0xb5: {  	[dreg:$0x3] =	wrdreg s17  }
0xb6: {  	[dreg:$0x4] =	wrdreg s16  }
0xb7: {  	[dreg:$0x5] =	wrdreg $0x9  }
0xb8: {  	_ =	task.clear_ibuf [dreg:s8], $0x6FFFF;
	_ =	strace $0x90000049  }
0xb9: {  	s29 =	simm.s32 $0x9;
	_ =	strace $0x8000004B  }
0xba: {  	_ =	swait.ge [sflag:s29], $0x1  }
0xbb: {  	[sflag:s29] =	ssyncadd.s32 $0xFFFFFFFF  }
0xbc: {  	_ =	strace $0x9000004B  }
0xbd: {  	_ =	sfence  }
0xbe: {  	s30 =	sld [smem:$0x0];
	_ =	sdelay $0x2  }
0xbf: {  	s31 =	sshll.u32 s1, $0xD;
	s1 =	sshrl.u32 s1, $0x2  }
0xc0: {  	s3 =	sand.u32 $0x4000, s31;
	s1 =	sadd.s32 s1, s30  }
0xc1: {  	s0 =	sor.u32 s3, s0;
	s1 =	sshll.u32 s1, $0x11  }
0xc2: {  	s0 =	sor.u32 s1, s0  }
0xc3: {  	s0 =	sadd.s32 $0x8F2B, s0  }
0xc4: {  	[sflag:s0] =	ssyncadd.remote.s32 $0x1  }
0xc5: {  	_ =	sfence.sel $0xFFFF  }
0xc6: {  	[dreg:$0x0] =	wrdreg $0xFFFFFFFF;
	(pc) =	sbr.abs _section_cstart, $3  }
0xc7: {  	[dreg:$0x1] =	wrdreg $0xFFFFFFFF  }
0xc8: {  	_ =	task.clear_ibuf [dreg:s8], $0x2FFFF;
	_ =	strace $0x9FFFFFFF  }
0xc9: {  	(tm) =	ssettm $0x7FFFFFFF  }
tec
execute0_lowered:
.L_overlay_start_1:
0x0: {  	(tag) =	ssettag $0x1  }
0x1: {  	s9 =	rddreg [dreg:$0x0]  }
0x2: {  	s1 =	rddreg [dreg:$0x1]  }
0x3: {  	s2 =	rddreg [dreg:$0x2]  }
0x4: {  	s0 =	rddreg [dreg:$0x3];
	s3 =	simm.s32 $0x0  }
0x5: {  	s4 =	srdreg.scid;
	s12 =	simm.s32 $0x10000;
	s13 =	simm.s32 $0x18000  }
0x6: {  	s14 =	simm.s32 $0x8000;
	s15 =	simm.s32 $0x0;
	s5 =	sand.u32 $0x1, s4  }
0x7: {  	[smem:$0x7FF] =	sst s3;
	s4 =	stileid.u32;
	s6 =	ssub.s32 $0x2, s5  }
0x8: {  	_ =	strace $0x8000004A;
	s8 =	sshll.u32 s4, $0x11;
	s7 =	sshrl.u32 s6, $0x1  }
0x9: {  	s10 =	sshll.u32 s5, $0x10;
	s5 =	sadd.s32 $0x1600, s9;
	s11 =	ssub.s32 s6, s7  }
0xa: {  	s6 =	sor.u32 s10, s8;
	s7 =	sadd.s32 $0x1A00, s9;
	s8 =	sadd.s32 $0x1E00, s9  }
0xb: {  	v0 =	vimm.f32 $0.0e+00;
	v1 =	vimm.f32 $1.000000000e+00;
	s9 =	sadd.s32 $0x2200, s9;
	s10 =	smax.u32 s11, $0x1;
	s11 =	simm.s32 $0x1  }
.LBB2_1:
0xc: {  	s16 =	simm.s32 $0x0  }
.LBB2_2:
0xd: {  	s17 =	sshll.u32 s16, $0xC  }
0xe: {  	s18 =	sadd.s32 s1, s17;
	s17 =	simm.s32 $0x0  }
0xf: {  	[tilespmem:s17], [sflag:$0x1] =	stream.linear.gather [hbm4b:s18+s17], $0x8000, $0x38;
	[tilespmem:$0x1A000] =	vst v63  }
0x10: {  	_ =	swait.ge [sflag:s11], $0x8000  }
0x11: {  	[sflag:s11] =	ssyncset.done $0x0  }
0x12: {  	s19 =	simm.s32 $0x200;
	s18 =	simm.s32 $0x0;
	[sflag:s11] =	ssyncadd.s32 $0xFFFF8000  }
.LBB2_3:
0x13: {  	p0 =	sne.s32 s19, $0x1FE00;
	[tilespmem:s18+$0x10070] =	vst v0  }
0x14: {  	[tilespmem:s18+$0x10000] =	vst v0  }
0x15: {  	[tilespmem:s18+$0x10010] =	vst v0  }
.Ltmp0:
0x16: {  	[tilespmem:s18+$0x10020] =	vst v0;
	(pc) =	sbr.rel @p0 .LBB2_3-.Ltmp0, $4  }
0x17: {  	[tilespmem:s18+$0x10030] =	vst v0  }
0x18: {  	[tilespmem:s18+$0x10040] =	vst v0  }
0x19: {  	[tilespmem:s18+$0x10050] =	vst v0  }
0x1a: {  	[tilespmem:s18+$0x10060] =	vst v0;
	s18 =	sshra.s32 s19, $0x2;
	s19 =	sadd.s32 $0x200, s19  }
0x1b: {  	[tilespmem:s18+$0x10070] =	vst v0  }
0x1c: {  	[tilespmem:s18+$0x10000] =	vst v0  }
0x1d: {  	[tilespmem:s18+$0x10010] =	vst v0  }
0x1e: {  	[tilespmem:s18+$0x10020] =	vst v0  }
0x1f: {  	[tilespmem:s18+$0x10030] =	vst v0  }
0x20: {  	[tilespmem:s18+$0x10040] =	vst v0  }
0x21: {  	[tilespmem:s18+$0x10050] =	vst v0  }
0x22: {  	[tilespmem:s18+$0x10060] =	vst v0  }
.LBB2_5:
0x23: {  	s18 =	sshra.s32 s17, $0x2  }
0x24: {  	v2 =	vld [tilespmem:s18+$0x0];
	_ =	sdelay $0x7  }
0x25: {  	[tilespmem:v2+s12+$0x0] =	vst.idx.add.f32.msk $0xffff, v1  }
0x26: {  	v2 =	vld [tilespmem:s18+$0x10];
	_ =	sdelay $0x7  }
0x27: {  	[tilespmem:v2+s12+$0x0] =	vst.idx.add.f32.msk $0xffff, v1  }
0x28: {  	v2 =	vld [tilespmem:s18+$0x20];
	_ =	sdelay $0x7  }
0x29: {  	[tilespmem:v2+s12+$0x0] =	vst.idx.add.f32.msk $0xffff, v1  }
0x2a: {  	v2 =	vld [tilespmem:s18+$0x30];
	_ =	sdelay $0x7  }
0x2b: {  	[tilespmem:v2+s12+$0x0] =	vst.idx.add.f32.msk $0xffff, v1  }
0x2c: {  	v2 =	vld [tilespmem:s18+$0x40];
	_ =	sdelay $0x7  }
0x2d: {  	[tilespmem:v2+s12+$0x0] =	vst.idx.add.f32.msk $0xffff, v1  }
0x2e: {  	v2 =	vld [tilespmem:s18+$0x50];
	_ =	sdelay $0x7  }
0x2f: {  	[tilespmem:v2+s12+$0x0] =	vst.idx.add.f32.msk $0xffff, v1  }
0x30: {  	v2 =	vld [tilespmem:s18+$0x60];
	_ =	sdelay $0x7  }
0x31: {  	[tilespmem:v2+s12+$0x0] =	vst.idx.add.f32.msk $0xffff, v1  }
0x32: {  	v2 =	vld [tilespmem:s18+$0x70];
	_ =	sdelay $0x2  }
0x33: {  	p0 =	sne.s32 s17, $0x1FE00  }
.Ltmp1:
0x34: {  	_ = 	snop;
	(pc) =	sbr.rel @p0 .LBB2_5-.Ltmp1, $2  }
0x35: {  	_ =	sdelay $0x2  }
0x36: {  	s17 =	sadd.s32 $0x200, s17;
	[tilespmem:v2+s12+$0x0] =	vst.idx.add.f32.msk $0xffff, v1  }
0x37: {  	s18 =	simm.s32 $0x0  }
0x38: {  	v5 =	vld [tilespmem:s18+$0x10000]  }
0x39: {  	v6 =	vld [tilespmem:s18+$0x10010]  }
0x3a: {  	v4 =	vld [tilespmem:s18+$0x10020]  }
0x3b: {  	v2 =	vld [tilespmem:s18+$0x10030]  }
0x3c: {  	v3 =	vld [tilespmem:s18+$0x10040]  }
0x3d: {  	v8 =	vmax.f32 v5, $1.000000000e+00;
	v5 =	vld [tilespmem:s18+$0x10050]  }
0x3e: {  	s19 =	simm.s32 $0x200;
	s17 =	simm.s32 $0x0;
	v7 =	vmax.f32 v6, $1.000000000e+00;
	v6 =	vld [tilespmem:s18+$0x10060];
	(erf) = vrcp.f32 v8  }
.LBB2_7:
0x3f: {  	p0 =	sne.s32 s19, $0x1FE00;
	v4 =	vmax.f32 v4, $1.000000000e+00;
	v8 =	vld [tilespmem:s17+$0x10070];
	(erf) = vrcp.f32 v7  }
0x40: {  	v2 =	vmax.f32 v2, $1.000000000e+00;
	(erf) = vrcp.f32 v4  }
0x41: {  	v3 =	vmax.f32 v3, $1.000000000e+00;
	(erf) = vrcp.f32 v2  }
0x42: {  	v2 =	vmax.f32 v5, $1.000000000e+00;
	(erf) = vrcp.f32 v3  }
0x43: {  	v3 =	vmax.f32 v6, $1.000000000e+00;
	(erf) = vrcp.f32 v2  }
0x44: {  	v2 =	vmax.f32 v8, $1.000000000e+00;
	(erf) = vrcp.f32 v3  }
0x45: {  	(erf) = vrcp.f32 v2;
	_ =	sdelay $0x1  }
0x46: {  	v2 =	vpop (erf)  }
0x47: {  	s20 =	sshra.s32 s19, $0x2;
	[tilespmem:s17+$0x10000] =	vst v2;
	v2 =	vpop (erf)  }
0x48: {  	v5 =	vld [tilespmem:s20+$0x10000];
	[tilespmem:s17+$0x10010] =	vst v2;
	v2 =	vpop (erf)  }
0x49: {  	v6 =	vld [tilespmem:s20+$0x10010];
	[tilespmem:s17+$0x10020] =	vst v2;
	v2 =	vpop (erf)  }
.Ltmp2:
0x4a: {  	v4 =	vld [tilespmem:s20+$0x10020];
	[tilespmem:s17+$0x10030] =	vst v2;
	v3 =	vpop (erf);
	(pc) =	sbr.rel @p0 .LBB2_7-.Ltmp2, $4  }
0x4b: {  	v2 =	vld [tilespmem:s20+$0x10030];
	[tilespmem:s17+$0x10040] =	vst v3;
	v7 =	vpop (erf)  }
0x4c: {  	v3 =	vld [tilespmem:s20+$0x10040];
	[tilespmem:s17+$0x10050] =	vst v7;
	v7 =	vpop (erf)  }
0x4d: {  	v8 =	vmax.f32 v5, $1.000000000e+00;
	v5 =	vld [tilespmem:s20+$0x10050];
	[tilespmem:s17+$0x10060] =	vst v7;
	v9 =	vpop (erf)  }
0x4e: {  	s19 =	sadd.s32 $0x200, s19;
	v7 =	vmax.f32 v6, $1.000000000e+00;
	v6 =	vld [tilespmem:s20+$0x10060];
	(erf) = vrcp.f32 v8;
	[tilespmem:s17+$0x10070] =	vst v9;
	s17 =	smov.u32 s20  }
0x4f: {  	v4 =	vmax.f32 v4, $1.000000000e+00;
	v8 =	vld [tilespmem:s17+$0x10070];
	(erf) = vrcp.f32 v7  }
0x50: {  	v2 =	vmax.f32 v2, $1.000000000e+00;
	(erf) = vrcp.f32 v4  }
0x51: {  	v3 =	vmax.f32 v3, $1.000000000e+00;
	(erf) = vrcp.f32 v2  }
0x52: {  	v2 =	vmax.f32 v5, $1.000000000e+00;
	(erf) = vrcp.f32 v3  }
0x53: {  	v3 =	vmax.f32 v6, $1.000000000e+00;
	(erf) = vrcp.f32 v2  }
0x54: {  	v2 =	vmax.f32 v8, $1.000000000e+00;
	(erf) = vrcp.f32 v3  }
0x55: {  	(erf) = vrcp.f32 v2;
	_ =	sdelay $0x1  }
0x56: {  	v2 =	vpop (erf)  }
0x57: {  	[tilespmem:s17+$0x10000] =	vst v2;
	v2 =	vpop (erf)  }
0x58: {  	[tilespmem:s17+$0x10010] =	vst v2;
	v2 =	vpop (erf)  }
0x59: {  	[tilespmem:s17+$0x10020] =	vst v2;
	v2 =	vpop (erf)  }
0x5a: {  	[tilespmem:s17+$0x10030] =	vst v2;
	v2 =	vpop (erf)  }
0x5b: {  	[tilespmem:s17+$0x10040] =	vst v2;
	v2 =	vpop (erf)  }
0x5c: {  	[tilespmem:s17+$0x10050] =	vst v2;
	v2 =	vpop (erf)  }
0x5d: {  	[tilespmem:s17+$0x10060] =	vst v2;
	v2 =	vpop (erf)  }
0x5e: {  	[tilespmem:s17+$0x10070] =	vst v2;
	s17 =	simm.s32 $0x200  }
.LBB2_9:
0x5f: {  	p0 =	sne.s32 s17, $0x1FE00;
	[tilespmem:s18+$0x8070] =	vst v0  }
0x60: {  	[tilespmem:s18+$0x8000] =	vst v0  }
0x61: {  	[tilespmem:s18+$0x8010] =	vst v0  }
.Ltmp3:
0x62: {  	[tilespmem:s18+$0x8020] =	vst v0;
	(pc) =	sbr.rel @p0 .LBB2_9-.Ltmp3, $4  }
0x63: {  	[tilespmem:s18+$0x8030] =	vst v0  }
0x64: {  	[tilespmem:s18+$0x8040] =	vst v0  }
0x65: {  	[tilespmem:s18+$0x8050] =	vst v0  }
0x66: {  	[tilespmem:s18+$0x8060] =	vst v0;
	s18 =	sshra.s32 s17, $0x2;
	s17 =	sadd.s32 $0x200, s17  }
0x67: {  	[tilespmem:s18+$0x8070] =	vst v0  }
0x68: {  	[tilespmem:s18+$0x8000] =	vst v0  }
0x69: {  	[tilespmem:s18+$0x8010] =	vst v0  }
0x6a: {  	[tilespmem:s18+$0x8020] =	vst v0  }
0x6b: {  	[tilespmem:s18+$0x8030] =	vst v0;
	s17 =	sshll.u32 s16, $0x15  }
0x6c: {  	[tilespmem:s18+$0x8040] =	vst v0;
	s17 =	sor.u32 s6, s17  }
0x6d: {  	[tilespmem:s18+$0x8050] =	vst v0;
	s17 =	sshrl.u32 s17, $0x3  }
0x6e: {  	[tilespmem:s18+$0x8060] =	vst v0;
	s18 =	simm.s32 $0x0;
	s19 =	sadd.s32 s5, s17  }
0x6f: {  	[tilespmem:s13], [sflag:$0x1] =	stream.linear.gather [hbm4b:s19+s18], $0x2000, $0x38;
	[tilespmem:$0x1A000] =	vst v63  }
0x70: {  	_ =	swait.ge [sflag:s11], $0x2000  }
0x71: {  	[sflag:s11] =	ssyncset.done $0x0  }
0x72: {  	[sflag:s11] =	ssyncadd.s32 $0xFFFFE000  }
.LBB2_11:
0x73: {  	s19 =	sshra.s32 s18, $0x2  }
0x74: {  	v2 =	vld [tilespmem:s19+$0x0];
	_ =	sdelay $0x2  }
0x75: {  	v3 =	vld [tilespmem:s19+$0x18000];
	_ =	sdelay $0x4  }
0x76: {  	[tilespmem:v2+s14+$0x0] =	vst.idx.add.f32.msk $0xffff, v3  }
0x77: {  	v2 =	vld [tilespmem:s19+$0x10];
	_ =	sdelay $0x2  }
0x78: {  	v3 =	vld [tilespmem:s19+$0x18010];
	_ =	sdelay $0x4  }
0x79: {  	[tilespmem:v2+s14+$0x0] =	vst.idx.add.f32.msk $0xffff, v3  }
0x7a: {  	v2 =	vld [tilespmem:s19+$0x20];
	_ =	sdelay $0x2  }
0x7b: {  	v3 =	vld [tilespmem:s19+$0x18020];
	_ =	sdelay $0x4  }
0x7c: {  	[tilespmem:v2+s14+$0x0] =	vst.idx.add.f32.msk $0xffff, v3  }
0x7d: {  	v2 =	vld [tilespmem:s19+$0x30];
	_ =	sdelay $0x2  }
0x7e: {  	v3 =	vld [tilespmem:s19+$0x18030];
	_ =	sdelay $0x4  }
0x7f: {  	[tilespmem:v2+s14+$0x0] =	vst.idx.add.f32.msk $0xffff, v3  }
0x80: {  	v2 =	vld [tilespmem:s19+$0x40];
	_ =	sdelay $0x2  }
0x81: {  	v3 =	vld [tilespmem:s19+$0x18040];
	_ =	sdelay $0x4  }
0x82: {  	[tilespmem:v2+s14+$0x0] =	vst.idx.add.f32.msk $0xffff, v3  }
0x83: {  	v2 =	vld [tilespmem:s19+$0x50];
	_ =	sdelay $0x2  }
0x84: {  	v3 =	vld [tilespmem:s19+$0x18050];
	_ =	sdelay $0x4  }
0x85: {  	[tilespmem:v2+s14+$0x0] =	vst.idx.add.f32.msk $0xffff, v3  }
0x86: {  	v2 =	vld [tilespmem:s19+$0x60];
	_ =	sdelay $0x2  }
0x87: {  	v3 =	vld [tilespmem:s19+$0x18060];
	_ =	sdelay $0x4  }
0x88: {  	[tilespmem:v2+s14+$0x0] =	vst.idx.add.f32.msk $0xffff, v3  }
0x89: {  	v2 =	vld [tilespmem:s19+$0x70];
	_ =	sdelay $0x2  }
0x8a: {  	p0 =	sne.s32 s18, $0x7E00;
	v3 =	vld [tilespmem:s19+$0x18070]  }
.Ltmp4:
0x8b: {  	_ = 	snop;
	(pc) =	sbr.rel @p0 .LBB2_11-.Ltmp4, $2  }
0x8c: {  	_ =	sdelay $0x2  }
0x8d: {  	s18 =	sadd.s32 $0x200, s18;
	[tilespmem:v2+s14+$0x0] =	vst.idx.add.f32.msk $0xffff, v3  }
0x8e: {  	s19 =	sadd.s32 s17, s7;
	s18 =	simm.s32 $0x0  }
0x8f: {  	[tilespmem:s13], [sflag:$0x1] =	stream.linear.gather [hbm4b:s19+s18], $0x2000, $0x38;
	[tilespmem:$0x1A000] =	vst v63  }
0x90: {  	_ =	swait.ge [sflag:s11], $0x2000  }
0x91: {  	[sflag:s11] =	ssyncset.done $0x0  }
0x92: {  	[sflag:s11] =	ssyncadd.s32 $0xFFFFE000  }
.LBB2_13:
0x93: {  	s19 =	sshra.s32 s18, $0x2  }
0x94: {  	v2 =	vld [tilespmem:s19+$0x2000];
	_ =	sdelay $0x2  }
0x95: {  	v3 =	vld [tilespmem:s19+$0x18000];
	_ =	sdelay $0x4  }
0x96: {  	[tilespmem:v2+s14+$0x0] =	vst.idx.add.f32.msk $0xffff, v3  }
0x97: {  	v2 =	vld [tilespmem:s19+$0x2010];
	_ =	sdelay $0x2  }
0x98: {  	v3 =	vld [tilespmem:s19+$0x18010];
	_ =	sdelay $0x4  }
0x99: {  	[tilespmem:v2+s14+$0x0] =	vst.idx.add.f32.msk $0xffff, v3  }
0x9a: {  	v2 =	vld [tilespmem:s19+$0x2020];
	_ =	sdelay $0x2  }
0x9b: {  	v3 =	vld [tilespmem:s19+$0x18020];
	_ =	sdelay $0x4  }
0x9c: {  	[tilespmem:v2+s14+$0x0] =	vst.idx.add.f32.msk $0xffff, v3  }
0x9d: {  	v2 =	vld [tilespmem:s19+$0x2030];
	_ =	sdelay $0x2  }
0x9e: {  	v3 =	vld [tilespmem:s19+$0x18030];
	_ =	sdelay $0x4  }
0x9f: {  	[tilespmem:v2+s14+$0x0] =	vst.idx.add.f32.msk $0xffff, v3  }
0xa0: {  	v2 =	vld [tilespmem:s19+$0x2040];
	_ =	sdelay $0x2  }
0xa1: {  	v3 =	vld [tilespmem:s19+$0x18040];
	_ =	sdelay $0x4  }
0xa2: {  	[tilespmem:v2+s14+$0x0] =	vst.idx.add.f32.msk $0xffff, v3  }
0xa3: {  	v2 =	vld [tilespmem:s19+$0x2050];
	_ =	sdelay $0x2  }
0xa4: {  	v3 =	vld [tilespmem:s19+$0x18050];
	_ =	sdelay $0x4  }
0xa5: {  	[tilespmem:v2+s14+$0x0] =	vst.idx.add.f32.msk $0xffff, v3  }
0xa6: {  	v2 =	vld [tilespmem:s19+$0x2060];
	_ =	sdelay $0x2  }
0xa7: {  	v3 =	vld [tilespmem:s19+$0x18060];
	_ =	sdelay $0x4  }
0xa8: {  	[tilespmem:v2+s14+$0x0] =	vst.idx.add.f32.msk $0xffff, v3  }
0xa9: {  	v2 =	vld [tilespmem:s19+$0x2070];
	_ =	sdelay $0x2  }
0xaa: {  	p0 =	sne.s32 s18, $0x7E00;
	v3 =	vld [tilespmem:s19+$0x18070]  }
.Ltmp5:
0xab: {  	_ = 	snop;
	(pc) =	sbr.rel @p0 .LBB2_13-.Ltmp5, $2  }
0xac: {  	_ =	sdelay $0x2  }
0xad: {  	s18 =	sadd.s32 $0x200, s18;
	[tilespmem:v2+s14+$0x0] =	vst.idx.add.f32.msk $0xffff, v3  }
0xae: {  	s19 =	sadd.s32 s17, s8;
	s18 =	simm.s32 $0x0  }
0xaf: {  	[tilespmem:s13], [sflag:$0x1] =	stream.linear.gather [hbm4b:s19+s18], $0x2000, $0x38;
	[tilespmem:$0x1A000] =	vst v63  }
0xb0: {  	_ =	swait.ge [sflag:s11], $0x2000  }
0xb1: {  	[sflag:s11] =	ssyncset.done $0x0  }
0xb2: {  	[sflag:s11] =	ssyncadd.s32 $0xFFFFE000  }
.LBB2_15:
0xb3: {  	s19 =	sshra.s32 s18, $0x2  }
0xb4: {  	v2 =	vld [tilespmem:s19+$0x4000];
	_ =	sdelay $0x2  }
0xb5: {  	v3 =	vld [tilespmem:s19+$0x18000];
	_ =	sdelay $0x4  }
0xb6: {  	[tilespmem:v2+s14+$0x0] =	vst.idx.add.f32.msk $0xffff, v3  }
0xb7: {  	v2 =	vld [tilespmem:s19+$0x4010];
	_ =	sdelay $0x2  }
0xb8: {  	v3 =	vld [tilespmem:s19+$0x18010];
	_ =	sdelay $0x4  }
0xb9: {  	[tilespmem:v2+s14+$0x0] =	vst.idx.add.f32.msk $0xffff, v3  }
0xba: {  	v2 =	vld [tilespmem:s19+$0x4020];
	_ =	sdelay $0x2  }
0xbb: {  	v3 =	vld [tilespmem:s19+$0x18020];
	_ =	sdelay $0x4  }
0xbc: {  	[tilespmem:v2+s14+$0x0] =	vst.idx.add.f32.msk $0xffff, v3  }
0xbd: {  	v2 =	vld [tilespmem:s19+$0x4030];
	_ =	sdelay $0x2  }
0xbe: {  	v3 =	vld [tilespmem:s19+$0x18030];
	_ =	sdelay $0x4  }
0xbf: {  	[tilespmem:v2+s14+$0x0] =	vst.idx.add.f32.msk $0xffff, v3  }
0xc0: {  	v2 =	vld [tilespmem:s19+$0x4040];
	_ =	sdelay $0x2  }
0xc1: {  	v3 =	vld [tilespmem:s19+$0x18040];
	_ =	sdelay $0x4  }
0xc2: {  	[tilespmem:v2+s14+$0x0] =	vst.idx.add.f32.msk $0xffff, v3  }
0xc3: {  	v2 =	vld [tilespmem:s19+$0x4050];
	_ =	sdelay $0x2  }
0xc4: {  	v3 =	vld [tilespmem:s19+$0x18050];
	_ =	sdelay $0x4  }
0xc5: {  	[tilespmem:v2+s14+$0x0] =	vst.idx.add.f32.msk $0xffff, v3  }
0xc6: {  	v2 =	vld [tilespmem:s19+$0x4060];
	_ =	sdelay $0x2  }
0xc7: {  	v3 =	vld [tilespmem:s19+$0x18060];
	_ =	sdelay $0x4  }
0xc8: {  	[tilespmem:v2+s14+$0x0] =	vst.idx.add.f32.msk $0xffff, v3  }
0xc9: {  	v2 =	vld [tilespmem:s19+$0x4070];
	_ =	sdelay $0x2  }
0xca: {  	p0 =	sne.s32 s18, $0x7E00;
	v3 =	vld [tilespmem:s19+$0x18070]  }
.Ltmp6:
0xcb: {  	_ = 	snop;
	(pc) =	sbr.rel @p0 .LBB2_15-.Ltmp6, $2  }
0xcc: {  	_ =	sdelay $0x2  }
0xcd: {  	s18 =	sadd.s32 $0x200, s18;
	[tilespmem:v2+s14+$0x0] =	vst.idx.add.f32.msk $0xffff, v3  }
0xce: {  	s19 =	sadd.s32 s17, s9;
	s18 =	simm.s32 $0x0  }
0xcf: {  	[tilespmem:s13], [sflag:$0x1] =	stream.linear.gather [hbm4b:s19+s18], $0x2000, $0x38;
	[tilespmem:$0x1A000] =	vst v63  }
0xd0: {  	_ =	swait.ge [sflag:s11], $0x2000  }
0xd1: {  	[sflag:s11] =	ssyncset.done $0x0  }
0xd2: {  	[sflag:s11] =	ssyncadd.s32 $0xFFFFE000  }
.LBB2_17:
0xd3: {  	s19 =	sshra.s32 s18, $0x2  }
0xd4: {  	v2 =	vld [tilespmem:s19+$0x6000];
	_ =	sdelay $0x2  }
0xd5: {  	v3 =	vld [tilespmem:s19+$0x18000];
	_ =	sdelay $0x4  }
0xd6: {  	[tilespmem:v2+s14+$0x0] =	vst.idx.add.f32.msk $0xffff, v3  }
0xd7: {  	v2 =	vld [tilespmem:s19+$0x6010];
	_ =	sdelay $0x2  }
0xd8: {  	v3 =	vld [tilespmem:s19+$0x18010];
	_ =	sdelay $0x4  }
0xd9: {  	[tilespmem:v2+s14+$0x0] =	vst.idx.add.f32.msk $0xffff, v3  }
0xda: {  	v2 =	vld [tilespmem:s19+$0x6020];
	_ =	sdelay $0x2  }
0xdb: {  	v3 =	vld [tilespmem:s19+$0x18020];
	_ =	sdelay $0x4  }
0xdc: {  	[tilespmem:v2+s14+$0x0] =	vst.idx.add.f32.msk $0xffff, v3  }
0xdd: {  	v2 =	vld [tilespmem:s19+$0x6030];
	_ =	sdelay $0x2  }
0xde: {  	v3 =	vld [tilespmem:s19+$0x18030];
	_ =	sdelay $0x4  }
0xdf: {  	[tilespmem:v2+s14+$0x0] =	vst.idx.add.f32.msk $0xffff, v3  }
0xe0: {  	v2 =	vld [tilespmem:s19+$0x6040];
	_ =	sdelay $0x2  }
0xe1: {  	v3 =	vld [tilespmem:s19+$0x18040];
	_ =	sdelay $0x4  }
0xe2: {  	[tilespmem:v2+s14+$0x0] =	vst.idx.add.f32.msk $0xffff, v3  }
0xe3: {  	v2 =	vld [tilespmem:s19+$0x6050];
	_ =	sdelay $0x2  }
0xe4: {  	v3 =	vld [tilespmem:s19+$0x18050];
	_ =	sdelay $0x4  }
0xe5: {  	[tilespmem:v2+s14+$0x0] =	vst.idx.add.f32.msk $0xffff, v3  }
0xe6: {  	v2 =	vld [tilespmem:s19+$0x6060];
	_ =	sdelay $0x2  }
0xe7: {  	v3 =	vld [tilespmem:s19+$0x18060];
	_ =	sdelay $0x4  }
0xe8: {  	[tilespmem:v2+s14+$0x0] =	vst.idx.add.f32.msk $0xffff, v3  }
0xe9: {  	v2 =	vld [tilespmem:s19+$0x6070];
	_ =	sdelay $0x2  }
0xea: {  	p0 =	sne.s32 s18, $0x7E00;
	v3 =	vld [tilespmem:s19+$0x18070]  }
.Ltmp7:
0xeb: {  	_ = 	snop;
	(pc) =	sbr.rel @p0 .LBB2_17-.Ltmp7, $2  }
0xec: {  	_ =	sdelay $0x2  }
0xed: {  	s18 =	sadd.s32 $0x200, s18;
	[tilespmem:v2+s14+$0x0] =	vst.idx.add.f32.msk $0xffff, v3  }
0xee: {  	s18 =	simm.s32 $0x0  }
0xef: {  	v9 =	vld [tilespmem:s18+$0x10000]  }
0xf0: {  	v13 =	vld [tilespmem:s18+$0x10010]  }
0xf1: {  	v7 =	vld [tilespmem:s18+$0x10020]  }
0xf2: {  	v6 =	vld [tilespmem:s18+$0x10030]  }
0xf3: {  	v5 =	vld [tilespmem:s18+$0x10040]  }
0xf4: {  	v4 =	vld [tilespmem:s18+$0x10050]  }
0xf5: {  	v3 =	vld [tilespmem:s18+$0x10060]  }
0xf6: {  	v2 =	vld [tilespmem:s18+$0x10070]  }
0xf7: {  	v14 =	vld [tilespmem:s18+$0x8000]  }
0xf8: {  	v15 =	vld [tilespmem:s18+$0x8010]  }
0xf9: {  	v12 =	vld [tilespmem:s18+$0x8020]  }
0xfa: {  	v11 =	vld [tilespmem:s18+$0x8030]  }
0xfb: {  	v10 =	vld [tilespmem:s18+$0x8040]  }
0xfc: {  	v8 =	vld [tilespmem:s18+$0x8050];
	v14 =	vmul.f32 v9, v14  }
0xfd: {  	s19 =	simm.s32 $0x200;
	v13 =	vmul.f32 v13, v15;
	v9 =	vld [tilespmem:s18+$0x8060]  }
.LBB2_19:
0xfe: {  	s20 =	sshra.s32 s19, $0x2;
	p0 =	sne.s32 s19, $0x1FE00;
	[tilespmem:s18+$0x8000] =	vst v14;
	v7 =	vmul.f32 v7, v12;
	v12 =	vld [tilespmem:s18+$0x8070]  }
0xff: {  	v14 =	vld [tilespmem:s20+$0x10000];
	[tilespmem:s18+$0x8010] =	vst v13;
	v6 =	vmul.f32 v6, v11  }
0x100: {  	v13 =	vld [tilespmem:s20+$0x10010];
	[tilespmem:s18+$0x8020] =	vst v7;
	v5 =	vmul.f32 v5, v10  }
0x101: {  	v7 =	vld [tilespmem:s20+$0x10020];
	[tilespmem:s18+$0x8030] =	vst v6;
	v4 =	vmul.f32 v4, v8  }
0x102: {  	v6 =	vld [tilespmem:s20+$0x10030];
	[tilespmem:s18+$0x8040] =	vst v5;
	v3 =	vmul.f32 v3, v9  }
0x103: {  	v5 =	vld [tilespmem:s20+$0x10040];
	[tilespmem:s18+$0x8050] =	vst v4;
	v2 =	vmul.f32 v2, v12  }
0x104: {  	v4 =	vld [tilespmem:s20+$0x10050];
	[tilespmem:s18+$0x8060] =	vst v3  }
0x105: {  	v3 =	vld [tilespmem:s20+$0x10060];
	[tilespmem:s18+$0x8070] =	vst v2;
	s18 =	smov.u32 s20  }
0x106: {  	v2 =	vld [tilespmem:s18+$0x10070]  }
0x107: {  	v8 =	vld [tilespmem:s18+$0x8000]  }
0x108: {  	v9 =	vld [tilespmem:s18+$0x8010]  }
.Ltmp8:
0x109: {  	v12 =	vld [tilespmem:s18+$0x8020];
	(pc) =	sbr.rel @p0 .LBB2_19-.Ltmp8, $4  }
0x10a: {  	v11 =	vld [tilespmem:s18+$0x8030]  }
0x10b: {  	v10 =	vld [tilespmem:s18+$0x8040]  }
0x10c: {  	v14 =	vmul.f32 v14, v8;
	v8 =	vld [tilespmem:s18+$0x8050]  }
0x10d: {  	s19 =	sadd.s32 $0x200, s19;
	v13 =	vmul.f32 v13, v9;
	v9 =	vld [tilespmem:s18+$0x8060]  }
0x10e: {  	[tilespmem:s18+$0x8000] =	vst v14;
	v7 =	vmul.f32 v7, v12;
	v63 =	vld [tilespmem:s18+$0x8070]  }
0x10f: {  	[tilespmem:s18+$0x8010] =	vst v13;
	v6 =	vmul.f32 v6, v11  }
0x110: {  	[tilespmem:s18+$0x8020] =	vst v7;
	v5 =	vmul.f32 v5, v10  }
0x111: {  	[tilespmem:s18+$0x8030] =	vst v6;
	v4 =	vmul.f32 v4, v8  }
0x112: {  	[tilespmem:s18+$0x8040] =	vst v5;
	v3 =	vmul.f32 v3, v9  }
0x113: {  	[tilespmem:s18+$0x8050] =	vst v4;
	v2 =	vmul.f32 v2, v63  }
0x114: {  	[tilespmem:s18+$0x8060] =	vst v3  }
0x115: {  	s31 =	sadd.s32 s2, s17;
	s19 =	simm.s32 $0x0;
	[tilespmem:s18+$0x8070] =	vst v2  }
0x116: {  	[hbm4b:s31+s19] =	stream.linear.scatter [tilespmem:s14], [sflag:$0x1], $0x8000, $0x38;
	[tilespmem:$0x1A000] =	vst v63  }
0x117: {  	_ =	swait.ge [sflag:s11], $0x8000  }
0x118: {  	[sflag:s11] =	ssyncset.done $0x0  }
0x119: {  	s18 =	simm.s32 $0x0;
	s19 =	simm.s32 $0x200;
	[sflag:s11] =	ssyncadd.s32 $0xFFFF8000  }
.LBB2_21:
0x11a: {  	p0 =	sne.s32 s19, $0x1FE00;
	[tilespmem:s18+$0x8070] =	vst v0  }
0x11b: {  	[tilespmem:s18+$0x8000] =	vst v0  }
0x11c: {  	[tilespmem:s18+$0x8010] =	vst v0  }
.Ltmp9:
0x11d: {  	[tilespmem:s18+$0x8020] =	vst v0;
	(pc) =	sbr.rel @p0 .LBB2_21-.Ltmp9, $4  }
0x11e: {  	[tilespmem:s18+$0x8030] =	vst v0  }
0x11f: {  	[tilespmem:s18+$0x8040] =	vst v0  }
0x120: {  	[tilespmem:s18+$0x8050] =	vst v0  }
0x121: {  	[tilespmem:s18+$0x8060] =	vst v0;
	s18 =	sshra.s32 s19, $0x2;
	s19 =	sadd.s32 $0x200, s19  }
0x122: {  	[tilespmem:s18+$0x8070] =	vst v0  }
0x123: {  	[tilespmem:s18+$0x8000] =	vst v0  }
0x124: {  	[tilespmem:s18+$0x8010] =	vst v0  }
0x125: {  	[tilespmem:s18+$0x8020] =	vst v0  }
0x126: {  	[tilespmem:s18+$0x8030] =	vst v0  }
0x127: {  	[tilespmem:s18+$0x8040] =	vst v0  }
0x128: {  	[tilespmem:s18+$0x8050] =	vst v0;
	s17 =	sor.u32 $0x1000, s17  }
0x129: {  	[tilespmem:s18+$0x8060] =	vst v0;
	s18 =	simm.s32 $0x0;
	s19 =	sadd.s32 s5, s17  }
0x12a: {  	[tilespmem:s13], [sflag:$0x1] =	stream.linear.gather [hbm4b:s19+s18], $0x2000, $0x38;
	[tilespmem:$0x1A000] =	vst v63  }
0x12b: {  	_ =	swait.ge [sflag:s11], $0x2000  }
0x12c: {  	[sflag:s11] =	ssyncset.done $0x0  }
0x12d: {  	[sflag:s11] =	ssyncadd.s32 $0xFFFFE000  }
.LBB2_23:
0x12e: {  	s19 =	sshra.s32 s18, $0x2  }
0x12f: {  	v2 =	vld [tilespmem:s19+$0x0];
	_ =	sdelay $0x2  }
0x130: {  	v3 =	vld [tilespmem:s19+$0x18000];
	_ =	sdelay $0x4  }
0x131: {  	[tilespmem:v2+s14+$0x0] =	vst.idx.add.f32.msk $0xffff, v3  }
0x132: {  	v2 =	vld [tilespmem:s19+$0x10];
	_ =	sdelay $0x2  }
0x133: {  	v3 =	vld [tilespmem:s19+$0x18010];
	_ =	sdelay $0x4  }
0x134: {  	[tilespmem:v2+s14+$0x0] =	vst.idx.add.f32.msk $0xffff, v3  }
0x135: {  	v2 =	vld [tilespmem:s19+$0x20];
	_ =	sdelay $0x2  }
0x136: {  	v3 =	vld [tilespmem:s19+$0x18020];
	_ =	sdelay $0x4  }
0x137: {  	[tilespmem:v2+s14+$0x0] =	vst.idx.add.f32.msk $0xffff, v3  }
0x138: {  	v2 =	vld [tilespmem:s19+$0x30];
	_ =	sdelay $0x2  }
0x139: {  	v3 =	vld [tilespmem:s19+$0x18030];
	_ =	sdelay $0x4  }
0x13a: {  	[tilespmem:v2+s14+$0x0] =	vst.idx.add.f32.msk $0xffff, v3  }
0x13b: {  	v2 =	vld [tilespmem:s19+$0x40];
	_ =	sdelay $0x2  }
0x13c: {  	v3 =	vld [tilespmem:s19+$0x18040];
	_ =	sdelay $0x4  }
0x13d: {  	[tilespmem:v2+s14+$0x0] =	vst.idx.add.f32.msk $0xffff, v3  }
0x13e: {  	v2 =	vld [tilespmem:s19+$0x50];
	_ =	sdelay $0x2  }
0x13f: {  	v3 =	vld [tilespmem:s19+$0x18050];
	_ =	sdelay $0x4  }
0x140: {  	[tilespmem:v2+s14+$0x0] =	vst.idx.add.f32.msk $0xffff, v3  }
0x141: {  	v2 =	vld [tilespmem:s19+$0x60];
	_ =	sdelay $0x2  }
0x142: {  	v3 =	vld [tilespmem:s19+$0x18060];
	_ =	sdelay $0x4  }
0x143: {  	[tilespmem:v2+s14+$0x0] =	vst.idx.add.f32.msk $0xffff, v3  }
0x144: {  	v2 =	vld [tilespmem:s19+$0x70];
	_ =	sdelay $0x2  }
0x145: {  	p0 =	sne.s32 s18, $0x7E00;
	v3 =	vld [tilespmem:s19+$0x18070]  }
.Ltmp10:
0x146: {  	_ = 	snop;
	(pc) =	sbr.rel @p0 .LBB2_23-.Ltmp10, $2  }
0x147: {  	_ =	sdelay $0x2  }
0x148: {  	s18 =	sadd.s32 $0x200, s18;
	[tilespmem:v2+s14+$0x0] =	vst.idx.add.f32.msk $0xffff, v3  }
0x149: {  	s19 =	sadd.s32 s17, s7;
	s18 =	simm.s32 $0x0  }
0x14a: {  	[tilespmem:s13], [sflag:$0x1] =	stream.linear.gather [hbm4b:s19+s18], $0x2000, $0x38;
	[tilespmem:$0x1A000] =	vst v63  }
0x14b: {  	_ =	swait.ge [sflag:s11], $0x2000  }
0x14c: {  	[sflag:s11] =	ssyncset.done $0x0  }
0x14d: {  	[sflag:s11] =	ssyncadd.s32 $0xFFFFE000  }
.LBB2_25:
0x14e: {  	s19 =	sshra.s32 s18, $0x2  }
0x14f: {  	v2 =	vld [tilespmem:s19+$0x2000];
	_ =	sdelay $0x2  }
0x150: {  	v3 =	vld [tilespmem:s19+$0x18000];
	_ =	sdelay $0x4  }
0x151: {  	[tilespmem:v2+s14+$0x0] =	vst.idx.add.f32.msk $0xffff, v3  }
0x152: {  	v2 =	vld [tilespmem:s19+$0x2010];
	_ =	sdelay $0x2  }
0x153: {  	v3 =	vld [tilespmem:s19+$0x18010];
	_ =	sdelay $0x4  }
0x154: {  	[tilespmem:v2+s14+$0x0] =	vst.idx.add.f32.msk $0xffff, v3  }
0x155: {  	v2 =	vld [tilespmem:s19+$0x2020];
	_ =	sdelay $0x2  }
0x156: {  	v3 =	vld [tilespmem:s19+$0x18020];
	_ =	sdelay $0x4  }
0x157: {  	[tilespmem:v2+s14+$0x0] =	vst.idx.add.f32.msk $0xffff, v3  }
0x158: {  	v2 =	vld [tilespmem:s19+$0x2030];
	_ =	sdelay $0x2  }
0x159: {  	v3 =	vld [tilespmem:s19+$0x18030];
	_ =	sdelay $0x4  }
0x15a: {  	[tilespmem:v2+s14+$0x0] =	vst.idx.add.f32.msk $0xffff, v3  }
0x15b: {  	v2 =	vld [tilespmem:s19+$0x2040];
	_ =	sdelay $0x2  }
0x15c: {  	v3 =	vld [tilespmem:s19+$0x18040];
	_ =	sdelay $0x4  }
0x15d: {  	[tilespmem:v2+s14+$0x0] =	vst.idx.add.f32.msk $0xffff, v3  }
0x15e: {  	v2 =	vld [tilespmem:s19+$0x2050];
	_ =	sdelay $0x2  }
0x15f: {  	v3 =	vld [tilespmem:s19+$0x18050];
	_ =	sdelay $0x4  }
0x160: {  	[tilespmem:v2+s14+$0x0] =	vst.idx.add.f32.msk $0xffff, v3  }
0x161: {  	v2 =	vld [tilespmem:s19+$0x2060];
	_ =	sdelay $0x2  }
0x162: {  	v3 =	vld [tilespmem:s19+$0x18060];
	_ =	sdelay $0x4  }
0x163: {  	[tilespmem:v2+s14+$0x0] =	vst.idx.add.f32.msk $0xffff, v3  }
0x164: {  	v2 =	vld [tilespmem:s19+$0x2070];
	_ =	sdelay $0x2  }
0x165: {  	p0 =	sne.s32 s18, $0x7E00;
	v3 =	vld [tilespmem:s19+$0x18070]  }
.Ltmp11:
0x166: {  	_ = 	snop;
	(pc) =	sbr.rel @p0 .LBB2_25-.Ltmp11, $2  }
0x167: {  	_ =	sdelay $0x2  }
0x168: {  	s18 =	sadd.s32 $0x200, s18;
	[tilespmem:v2+s14+$0x0] =	vst.idx.add.f32.msk $0xffff, v3  }
0x169: {  	s19 =	sadd.s32 s17, s8;
	s18 =	simm.s32 $0x0  }
0x16a: {  	[tilespmem:s13], [sflag:$0x1] =	stream.linear.gather [hbm4b:s19+s18], $0x2000, $0x38;
	[tilespmem:$0x1A000] =	vst v63  }
0x16b: {  	_ =	swait.ge [sflag:s11], $0x2000  }
0x16c: {  	[sflag:s11] =	ssyncset.done $0x0  }
0x16d: {  	[sflag:s11] =	ssyncadd.s32 $0xFFFFE000  }
.LBB2_27:
0x16e: {  	s19 =	sshra.s32 s18, $0x2  }
0x16f: {  	v2 =	vld [tilespmem:s19+$0x4000];
	_ =	sdelay $0x2  }
0x170: {  	v3 =	vld [tilespmem:s19+$0x18000];
	_ =	sdelay $0x4  }
0x171: {  	[tilespmem:v2+s14+$0x0] =	vst.idx.add.f32.msk $0xffff, v3  }
0x172: {  	v2 =	vld [tilespmem:s19+$0x4010];
	_ =	sdelay $0x2  }
0x173: {  	v3 =	vld [tilespmem:s19+$0x18010];
	_ =	sdelay $0x4  }
0x174: {  	[tilespmem:v2+s14+$0x0] =	vst.idx.add.f32.msk $0xffff, v3  }
0x175: {  	v2 =	vld [tilespmem:s19+$0x4020];
	_ =	sdelay $0x2  }
0x176: {  	v3 =	vld [tilespmem:s19+$0x18020];
	_ =	sdelay $0x4  }
0x177: {  	[tilespmem:v2+s14+$0x0] =	vst.idx.add.f32.msk $0xffff, v3  }
0x178: {  	v2 =	vld [tilespmem:s19+$0x4030];
	_ =	sdelay $0x2  }
0x179: {  	v3 =	vld [tilespmem:s19+$0x18030];
	_ =	sdelay $0x4  }
0x17a: {  	[tilespmem:v2+s14+$0x0] =	vst.idx.add.f32.msk $0xffff, v3  }
0x17b: {  	v2 =	vld [tilespmem:s19+$0x4040];
	_ =	sdelay $0x2  }
0x17c: {  	v3 =	vld [tilespmem:s19+$0x18040];
	_ =	sdelay $0x4  }
0x17d: {  	[tilespmem:v2+s14+$0x0] =	vst.idx.add.f32.msk $0xffff, v3  }
0x17e: {  	v2 =	vld [tilespmem:s19+$0x4050];
	_ =	sdelay $0x2  }
0x17f: {  	v3 =	vld [tilespmem:s19+$0x18050];
	_ =	sdelay $0x4  }
0x180: {  	[tilespmem:v2+s14+$0x0] =	vst.idx.add.f32.msk $0xffff, v3  }
0x181: {  	v2 =	vld [tilespmem:s19+$0x4060];
	_ =	sdelay $0x2  }
0x182: {  	v3 =	vld [tilespmem:s19+$0x18060];
	_ =	sdelay $0x4  }
0x183: {  	[tilespmem:v2+s14+$0x0] =	vst.idx.add.f32.msk $0xffff, v3  }
0x184: {  	v2 =	vld [tilespmem:s19+$0x4070];
	_ =	sdelay $0x2  }
0x185: {  	p0 =	sne.s32 s18, $0x7E00;
	v3 =	vld [tilespmem:s19+$0x18070]  }
.Ltmp12:
0x186: {  	_ = 	snop;
	(pc) =	sbr.rel @p0 .LBB2_27-.Ltmp12, $2  }
0x187: {  	_ =	sdelay $0x2  }
0x188: {  	s18 =	sadd.s32 $0x200, s18;
	[tilespmem:v2+s14+$0x0] =	vst.idx.add.f32.msk $0xffff, v3  }
0x189: {  	s19 =	sadd.s32 s17, s9;
	s18 =	simm.s32 $0x0  }
0x18a: {  	[tilespmem:s13], [sflag:$0x1] =	stream.linear.gather [hbm4b:s19+s18], $0x2000, $0x38;
	[tilespmem:$0x1A000] =	vst v63  }
0x18b: {  	_ =	swait.ge [sflag:s11], $0x2000  }
0x18c: {  	[sflag:s11] =	ssyncset.done $0x0  }
0x18d: {  	[sflag:s11] =	ssyncadd.s32 $0xFFFFE000  }
.LBB2_29:
0x18e: {  	s19 =	sshra.s32 s18, $0x2  }
0x18f: {  	v2 =	vld [tilespmem:s19+$0x6000];
	_ =	sdelay $0x2  }
0x190: {  	v3 =	vld [tilespmem:s19+$0x18000];
	_ =	sdelay $0x4  }
0x191: {  	[tilespmem:v2+s14+$0x0] =	vst.idx.add.f32.msk $0xffff, v3  }
0x192: {  	v2 =	vld [tilespmem:s19+$0x6010];
	_ =	sdelay $0x2  }
0x193: {  	v3 =	vld [tilespmem:s19+$0x18010];
	_ =	sdelay $0x4  }
0x194: {  	[tilespmem:v2+s14+$0x0] =	vst.idx.add.f32.msk $0xffff, v3  }
0x195: {  	v2 =	vld [tilespmem:s19+$0x6020];
	_ =	sdelay $0x2  }
0x196: {  	v3 =	vld [tilespmem:s19+$0x18020];
	_ =	sdelay $0x4  }
0x197: {  	[tilespmem:v2+s14+$0x0] =	vst.idx.add.f32.msk $0xffff, v3  }
0x198: {  	v2 =	vld [tilespmem:s19+$0x6030];
	_ =	sdelay $0x2  }
0x199: {  	v3 =	vld [tilespmem:s19+$0x18030];
	_ =	sdelay $0x4  }
0x19a: {  	[tilespmem:v2+s14+$0x0] =	vst.idx.add.f32.msk $0xffff, v3  }
0x19b: {  	v2 =	vld [tilespmem:s19+$0x6040];
	_ =	sdelay $0x2  }
0x19c: {  	v3 =	vld [tilespmem:s19+$0x18040];
	_ =	sdelay $0x4  }
0x19d: {  	[tilespmem:v2+s14+$0x0] =	vst.idx.add.f32.msk $0xffff, v3  }
0x19e: {  	v2 =	vld [tilespmem:s19+$0x6050];
	_ =	sdelay $0x2  }
0x19f: {  	v3 =	vld [tilespmem:s19+$0x18050];
	_ =	sdelay $0x4  }
0x1a0: {  	[tilespmem:v2+s14+$0x0] =	vst.idx.add.f32.msk $0xffff, v3  }
0x1a1: {  	v2 =	vld [tilespmem:s19+$0x6060];
	_ =	sdelay $0x2  }
0x1a2: {  	v3 =	vld [tilespmem:s19+$0x18060];
	_ =	sdelay $0x4  }
0x1a3: {  	[tilespmem:v2+s14+$0x0] =	vst.idx.add.f32.msk $0xffff, v3  }
0x1a4: {  	v2 =	vld [tilespmem:s19+$0x6070];
	_ =	sdelay $0x2  }
0x1a5: {  	p0 =	sne.s32 s18, $0x7E00;
	v3 =	vld [tilespmem:s19+$0x18070]  }
.Ltmp13:
0x1a6: {  	_ = 	snop;
	(pc) =	sbr.rel @p0 .LBB2_29-.Ltmp13, $2  }
0x1a7: {  	_ =	sdelay $0x2  }
0x1a8: {  	s18 =	sadd.s32 $0x200, s18;
	[tilespmem:v2+s14+$0x0] =	vst.idx.add.f32.msk $0xffff, v3  }
0x1a9: {  	s18 =	simm.s32 $0x0  }
0x1aa: {  	v9 =	vld [tilespmem:s18+$0x10000]  }
0x1ab: {  	v13 =	vld [tilespmem:s18+$0x10010]  }
0x1ac: {  	v7 =	vld [tilespmem:s18+$0x10020]  }
0x1ad: {  	v6 =	vld [tilespmem:s18+$0x10030]  }
0x1ae: {  	v5 =	vld [tilespmem:s18+$0x10040]  }
0x1af: {  	v4 =	vld [tilespmem:s18+$0x10050]  }
0x1b0: {  	v3 =	vld [tilespmem:s18+$0x10060]  }
0x1b1: {  	v2 =	vld [tilespmem:s18+$0x10070]  }
0x1b2: {  	v14 =	vld [tilespmem:s18+$0x8000]  }
0x1b3: {  	v15 =	vld [tilespmem:s18+$0x8010]  }
0x1b4: {  	v12 =	vld [tilespmem:s18+$0x8020]  }
0x1b5: {  	v11 =	vld [tilespmem:s18+$0x8030]  }
0x1b6: {  	v10 =	vld [tilespmem:s18+$0x8040]  }
0x1b7: {  	v8 =	vld [tilespmem:s18+$0x8050];
	v14 =	vmul.f32 v9, v14  }
0x1b8: {  	s19 =	simm.s32 $0x200;
	v13 =	vmul.f32 v13, v15;
	v9 =	vld [tilespmem:s18+$0x8060]  }
.LBB2_31:
0x1b9: {  	s20 =	sshra.s32 s19, $0x2;
	p0 =	sne.s32 s19, $0x1FE00;
	[tilespmem:s18+$0x8000] =	vst v14;
	v7 =	vmul.f32 v7, v12;
	v12 =	vld [tilespmem:s18+$0x8070]  }
0x1ba: {  	v14 =	vld [tilespmem:s20+$0x10000];
	[tilespmem:s18+$0x8010] =	vst v13;
	v6 =	vmul.f32 v6, v11  }
0x1bb: {  	v13 =	vld [tilespmem:s20+$0x10010];
	[tilespmem:s18+$0x8020] =	vst v7;
	v5 =	vmul.f32 v5, v10  }
0x1bc: {  	v7 =	vld [tilespmem:s20+$0x10020];
	[tilespmem:s18+$0x8030] =	vst v6;
	v4 =	vmul.f32 v4, v8  }
0x1bd: {  	v6 =	vld [tilespmem:s20+$0x10030];
	[tilespmem:s18+$0x8040] =	vst v5;
	v3 =	vmul.f32 v3, v9  }
0x1be: {  	v5 =	vld [tilespmem:s20+$0x10040];
	[tilespmem:s18+$0x8050] =	vst v4;
	v2 =	vmul.f32 v2, v12  }
0x1bf: {  	v4 =	vld [tilespmem:s20+$0x10050];
	[tilespmem:s18+$0x8060] =	vst v3  }
0x1c0: {  	v3 =	vld [tilespmem:s20+$0x10060];
	[tilespmem:s18+$0x8070] =	vst v2;
	s18 =	smov.u32 s20  }
0x1c1: {  	v2 =	vld [tilespmem:s18+$0x10070]  }
0x1c2: {  	v8 =	vld [tilespmem:s18+$0x8000]  }
0x1c3: {  	v9 =	vld [tilespmem:s18+$0x8010]  }
.Ltmp14:
0x1c4: {  	v12 =	vld [tilespmem:s18+$0x8020];
	(pc) =	sbr.rel @p0 .LBB2_31-.Ltmp14, $4  }
0x1c5: {  	v11 =	vld [tilespmem:s18+$0x8030]  }
0x1c6: {  	v10 =	vld [tilespmem:s18+$0x8040]  }
0x1c7: {  	v14 =	vmul.f32 v14, v8;
	v8 =	vld [tilespmem:s18+$0x8050]  }
0x1c8: {  	s19 =	sadd.s32 $0x200, s19;
	v13 =	vmul.f32 v13, v9;
	v9 =	vld [tilespmem:s18+$0x8060]  }
0x1c9: {  	[tilespmem:s18+$0x8000] =	vst v14;
	v7 =	vmul.f32 v7, v12;
	v63 =	vld [tilespmem:s18+$0x8070]  }
0x1ca: {  	[tilespmem:s18+$0x8010] =	vst v13;
	v6 =	vmul.f32 v6, v11  }
0x1cb: {  	[tilespmem:s18+$0x8020] =	vst v7;
	v5 =	vmul.f32 v5, v10  }
0x1cc: {  	[tilespmem:s18+$0x8030] =	vst v6;
	v4 =	vmul.f32 v4, v8  }
0x1cd: {  	[tilespmem:s18+$0x8040] =	vst v5;
	v3 =	vmul.f32 v3, v9  }
0x1ce: {  	s16 =	sadd.s32 $0x1, s16;
	[tilespmem:s18+$0x8050] =	vst v4;
	v2 =	vmul.f32 v2, v63  }
0x1cf: {  	p0 =	sne.s32 s16, $0x8;
	[tilespmem:s18+$0x8060] =	vst v3  }
.Ltmp15:
0x1d0: {  	s17 =	sadd.s32 s2, s17;
	[tilespmem:s18+$0x8070] =	vst v2;
	(pc) =	sbr.rel @p0 .LBB2_2-.Ltmp15, $4  }
0x1d1: {  	[hbm4b:s17+s3] =	stream.linear.scatter [tilespmem:s14], [sflag:$0x1], $0x8000, $0x38;
	[tilespmem:$0x1A000] =	vst v63  }
0x1d2: {  	_ =	swait.ge [sflag:s11], $0x8000  }
0x1d3: {  	[sflag:s11] =	ssyncset.done $0x0  }
0x1d4: {  	[sflag:s11] =	ssyncadd.s32 $0xFFFF8000  }
0x1d5: {  	s15 =	sadd.s32 $0x1, s15  }
0x1d6: {  	p0 =	sne.s32 s15, s10  }
.Ltmp16:
0x1d7: {  	_ = 	snop;
	(pc) =	sbr.rel @p0 .LBB2_1-.Ltmp16, $1  }
0x1d8: {  	_ =	sdelay $0x3  }
0x1d9: {  	_ =	sfence.sel $0x180000  }
0x1da: {  	[bflag:$0x0] =	sbarrier.arrive $0xFFFF  }
0x1db: {  	p0 =	sne.s32 s4, $0x0;
	_ =	strace $0x9000004A  }
0x1dc: {  	s0 =	sadd.s32 @!p0 $0x100000, s0;
	[bflag:$0x2] =	sbarrier.arrive $0xFFFF  }
0x1dd: {  	[sflag:s0] =	ssyncadd.tile.s32 @!p0 $0x1;
	_ =	shalt  }
.Lfunc_end2:
_tile_overlayer_lowered:
.L_overlay_start_2:
0x1de: {  	(tag) =	ssettag $0x2  }
0x1df: {  	s0 =	rddreg [dreg:$0x0];
	s2 =	stileid.u32  }
0x1e0: {  	s1 =	rddreg [dreg:$0x1];
	p0 =	sne.s32 s2, $0x0  }
0x1e1: {  	s3 =	rddreg [dreg:$0x2];
	[bflag:$0x3] =	sbarrier.arrive $0xFFFF;
	s2 =	simm.s32 @!p0 $0x1C01  }
0x1e2: {  	[timem:s3], [sflag:s2] =	dma.local @!p0 [hbm:s0], s1  }
0x1e3: {  	s0 =	simm.s32 @!p0 $0x1  }
0x1e4: {  	_ =	swait.ge @!p0 [sflag:s0], s1  }
0x1e5: {  	s1 =	ssub.s32 @!p0 $0x0, s1;
	[sflag:s0] =	ssyncset.done @!p0 $0x0  }
0x1e6: {  	[sflag:s0] =	ssyncadd.s32 @!p0 s1  }
0x1e7: {  	[bflag:$0x3] =	sbarrier.arrive $0xFFFF  }
0x1e8: {  	_ =	shalt  }

// kernel: sparse-core-data-format-call.1.cloned.1.call-start
scs
called_computation.1_lowered:
.L_overlay_start_0:
0x0: {  	s2 =	sld [smem:$0x3FD9]  }
0x1: {  	s3 =	sld [smem:$0x3FFE];
	_ =	sdelay $0x1  }
0x2: {  	s1 =	srdreg.scid  }
0x3: {  	s0 =	sand.u32 $0x1, s1  }
0x4: {  	s18 =	sshll.u32 s0, $0xA;
	s2 =	sadd.s32 s3, s2  }
0x5: {  	s2 =	sadd.s32 s2, s18  }
0x6: {  	[smem:$0x3FC6] =	sst s2  }
0x7: {  	_ = 	snop  }
0x8: {  	s2 =	sld [smem:$0x3FC9];
	(tm) =	ssettm $0x1  }
0x9: {  	s19 =	sld [smem:$0x3FFB];
	_ =	sdelay $0x3  }
0xa: {  	_ =	strace s19  }
0xb: {  	s3 =	sld [smem:$0x3FFC];
	_ =	sdelay $0x3  }
0xc: {  	_ =	strace s3  }
0xd: {  	s3 =	sld [smem:$0x3FFD];
	_ =	sdelay $0x3  }
0xe: {  	_ =	strace s3  }
0xf: {  	_ =	strace $0x8FFFFFFF  }
0x10: {  	s20 =	sld [smem:$0x3FDB];
	_ =	sdelay $0x1  }
0x11: {  	s4 =	simm.s32 $_scs_section_size  }
0x12: {  	s5 =	simm.s32 $_size__tile_overlayer_lowered;
	s6 =	simm.s32 $_tile_overlayer_lowered  }
0x13: {  	s23 =	simm.s32 $0x1BFF;
	s22 =	sshll.u32 s6, $0x1;
	s3 =	sadd.s32 s4, s20  }
0x14: {  	s7 =	simm.s32 $0x0;
	s21 =	sshll.u32 s5, $0x1;
	s5 =	sadd.s32 s22, s3  }
0x15: {  	[timem:s7], [sflag:s23] =	dma.local [hbm:s5], s21  }
0x16: {  	_ =	swait.ge [sflag:s23], s21  }
0x17: {  	s4 =	ssub.s32 $0x0, s21;
	[sflag:s23] =	ssyncset.done $0x0  }
0x18: {  	[sflag:s23] =	ssyncadd.s32 s4;
	_ =	sdelay $0x1  }
0x19: {  	s24 =	simm.s32 $0x1B8B  }
0x1a: {  	_ =	swait.ge [sflag:s24], $0x1  }
0x1b: {  	[sflag:s24] =	ssyncset.done $0x0  }
0x1c: {  	s26 =	simm.s32 $0x1B8E;
	s25 =	sld [smem:$0x3FFE];
	[sflag:s24] =	ssyncadd.s32 $0xFFFFFFFF  }
0x1d: {  	s27 =	simm.s32 $execute0_lowered;
	[smem:$0x3FD2] =	sst s26  }
0x1e: {  	s5 =	sshll.u32 s27, $0x1;
	_ =	strace $0x80000046;
	[dreg:$0x1] =	wrdreg $0xFFFFFFFF  }
0x1f: {  	s28 =	simm.s32 $_size_execute0_lowered;
	s3 =	sadd.s32 s3, s5;
	[dreg:$0x0] =	wrdreg $0x0  }
0x20: {  	s5 =	sshll.u32 s28, $0x1;
	[dreg:$0x2] =	wrdreg s3  }
0x21: {  	[dreg:$0x3] =	wrdreg s5  }
0x22: {  	[dreg:$0x4] =	wrdreg $0xC0  }
0x23: {  	_ =	task [dreg:s7], $0x5FFFF  }
0x24: {  	[dreg:$0x1] =	wrdreg $0xFFFFFFFF  }
0x25: {  	[dreg:$0x0] =	wrdreg $0x60  }
0x26: {  	[dreg:$0x2] =	wrdreg s2  }
0x27: {  	[dreg:$0x3] =	wrdreg s25  }
0x28: {  	[dreg:$0x4] =	wrdreg $0x9  }
0x29: {  	_ =	task.clear_ibuf [dreg:s7], $0x5FFFF;
	_ =	strace $0x90000046  }
0x2a: {  	s29 =	simm.s32 $0x9;
	_ =	strace $0x80000048  }
0x2b: {  	_ =	swait.ge [sflag:s29], $0x1  }
0x2c: {  	[sflag:s29] =	ssyncadd.s32 $0xFFFFFFFF  }
0x2d: {  	_ =	strace $0x90000048  }
0x2e: {  	_ =	sfence  }
0x2f: {  	s30 =	sld [smem:$0x0];
	_ =	sdelay $0x2  }
0x30: {  	s31 =	sshll.u32 s1, $0xD;
	s1 =	sshrl.u32 s1, $0x2  }
0x31: {  	s3 =	sand.u32 $0x4000, s31;
	s1 =	sadd.s32 s1, s30  }
0x32: {  	s0 =	sor.u32 s3, s0;
	s1 =	sshll.u32 s1, $0x11  }
0x33: {  	s0 =	sor.u32 s1, s0  }
0x34: {  	s0 =	sadd.s32 $0x8F2B, s0  }
0x35: {  	[sflag:s0] =	ssyncadd.remote.s32 $0x1  }
0x36: {  	_ =	sfence.sel $0xFFFF  }
0x37: {  	[dreg:$0x0] =	wrdreg $0xFFFFFFFF;
	(pc) =	sbr.abs _section_cstart, $3  }
0x38: {  	[dreg:$0x1] =	wrdreg $0xFFFFFFFF  }
0x39: {  	_ =	task.clear_ibuf [dreg:s7], $0x2FFFF;
	_ =	strace $0x9FFFFFFF  }
0x3a: {  	(tm) =	ssettm $0x7FFFFFFF  }
0x3b: {  	_ =	shalt  }
tec
execute0_lowered:
.L_overlay_start_1:
0x0: {  	(tag) =	ssettag $0x1  }
0x1: {  	s2 =	rddreg [dreg:$0x0]  }
0x2: {  	s1 =	rddreg [dreg:$0x1]  }
0x3: {  	s0 =	rddreg [dreg:$0x2];
	_ =	strace $0x80000047;
	s4 =	srdreg.scid  }
0x4: {  	s6 =	simm.s32 $0x2;
	s11 =	simm.s32 $0x0;
	p0 =	por $0x0, $0x0  }
.Ltmp0:
0x5: {  	s7 =	simm.s32 $0x8000;
	s12 =	simm.s32 $0x0;
	(pc) =	sbr.rel .LBB1_1-.Ltmp0, $4  }
0x6: {  	s9 =	simm.s32 $0x0;
	s3 =	sadd.s32 $0x1600, s1;
	s5 =	sshll.u32 s4, $0x4  }
0x7: {  	s1 =	stileid.u32;
	s4 =	simm.s32 $0x1;
	s5 =	sand.u32 $0x10, s5  }
0x8: {  	s8 =	simm.s32 $0x0;
	[sflag:s4] =	ssyncpa.u1 $0x0;
	s5 =	sor.u32 s1, s5  }
0x9: {  	[sflag:s6] =	ssyncpa.u1 $0x0;
	s6 =	simm.s32 $0x800;
	s10 =	smov.u32 s5  }
.LBB1_7:
0xa: {  	s13 =	sadd.s32 $0x10, s9  }
0xb: {  	s11 =	sadd.s32 $0x20, s10;
	s15 =	smov.u32 s10;
	p2 =	sgt.s32 s13, $0xFF  }
0xc: {  	p1 =	slt.u32 s8, $0x2;
	s15 =	smov.u32 @p2 s11  }
0xd: {  	s8 =	sadd.s32 $0x1, s8;
	s13 =	simm.s32 @p2 $0x0;
	p2 =	sgt.s32 s15, $0x3F  }
0xe: {  	s15 =	smov.u32 @p2 s5;
	p2 =	sne.s32 s8, $0x22  }
.Ltmp1:
0xf: {  	_ = 	snop;
	(pc) =	sbr.rel @!p2 .LBB1_8-.Ltmp1, $4  }
0x10: {  	s14 =	simm.s32 @!p1 $0x2  }
0x11: {  	s12 =	smov.u32 s10;
	_ =	swait.ge @!p1 [sflag:s14], $0x4000  }
0x12: {  	p0 =	por !p0, !p0;
	s11 =	smov.u32 s9;
	[sflag:s14] =	ssyncset.done @!p1 $0x0  }
0x13: {  	s9 =	smov.u32 s13;
	[sflag:s14] =	ssyncadd.s32 @!p1 $0xFFFFC000;
	s10 =	smov.u32 s15  }
.LBB1_1:
0x14: {  	p1 =	sgt.u32 s8, $0x1F  }
0x15: {  	s13 =	sxor.u32 @!p1 $0xFFFFFFFF, s8;
	s14 =	sshll.u32 @!p1 s10, $0xF  }
0x16: {  	s15 =	sshll.u32 @!p1 s9, $0x7;
	s13 =	sshll.u32 @!p1 s13, $0xE;
	s14 =	sadd.s32 @!p1 s2, s14  }
0x17: {  	s13 =	sand.u32 @!p1 $0x4000, s13;
	s14 =	sadd.s32 @!p1 s15, s14;
	s15 =	simm.s32 @!p1 $0x0  }
0x18: {  	[tilespmem:s13], [sflag:$0x1] =	stream.linear.gather @!p1 [hbm4b:s14+s15], $0x4000, $0x38;
	[tilespmem:$0x10000] =	vst v63  }
0x19: {  	p1 =	seq.s32 s8, $0x0  }
0x1a: {  	p2 =	seq.s32 @!p1 s8, $0x21  }
0x1b: {  	p1 =	por p1, p2  }
.Ltmp2:
0x1c: {  	_ = 	snop;
	(pc) =	sbr.rel @p1 .LBB1_7-.Ltmp2, $1  }
0x1d: {  	_ =	sdelay $0x3  }
0x1e: {  	s13 =	simm.s32 $0x1;
	_ =	swait.ge [sflag:s4], $0x4000;
	s16 =	sshll.u32 s8, $0xE  }
0x1f: {  	s13 =	simm.s32 @!p0 $0x0;
	[sflag:s4] =	ssyncset.done $0x0;
	s31 =	sand.u32 $0x4000, s16  }
0x20: {  	s16 =	simm.s32 $0x0;
	s14 =	sshll.u32 s13, $0xE;
	[sflag:s4] =	ssyncadd.s32 $0xFFFFC000  }
0x21: {  	s13 =	sor.u32 $0x8040, s14;
	s15 =	sor.u32 $0x40, s14;
	s14 =	sor.u32 $0x8000, s31  }
.LBB1_3:
0x22: {  	v0 =	vmov s15;
	_ =	sdelay $0x3  }
0x23: {  	s18 =	simm.s32 $0x0  }
0x24: {  	v6 =	vld.idx.msk [tilespmem:v0+s18+$0x30 ss:$0x1], $0xffff  }
0x25: {  	v7 =	vld.idx.msk [tilespmem:v0+s18+$0xFFFFFFC0 ss:$0x1], $0xffff  }
0x26: {  	v5 =	vld.idx.msk [tilespmem:v0+s18+$0xFFFFFFD0 ss:$0x1], $0xffff  }
0x27: {  	v4 =	vld.idx.msk [tilespmem:v0+s18+$0xFFFFFFE0 ss:$0x1], $0xffff  }
0x28: {  	v3 =	vld.idx.msk [tilespmem:v0+s18+$0xFFFFFFF0 ss:$0x1], $0xffff  }
0x29: {  	v1 =	vld.idx.msk [tilespmem:v0+s18+$0x0 ss:$0x1], $0xffff  }
0x2a: {  	v2 =	vld.idx.msk [tilespmem:v0+s18+$0x10 ss:$0x1], $0xffff;
	[tilespmem:s13+$0x30] =	vst v6  }
0x2b: {  	s17 =	simm.s32 $0x80;
	s19 =	simm.s32 $0x400;
	[tilespmem:s13+$0xFFFFFFC0] =	vst v7;
	v6 =	vld.idx.msk [tilespmem:v0+s18+$0x20 ss:$0x1], $0xffff;
	s18 =	smov.u32 s13  }
.LBB1_4:
0x2c: {  	p1 =	sne.s32 s19, $0xE00;
	v7 =	vld.idx.msk [tilespmem:v0+s17+$0x30 ss:$0x1], $0xffff;
	[tilespmem:s18+$0xFFFFFFD0] =	vst v5  }
0x2d: {  	v8 =	vld.idx.msk [tilespmem:v0+s17+$0xFFFFFFC0 ss:$0x1], $0xffff;
	[tilespmem:s18+$0xFFFFFFE0] =	vst v4  }
0x2e: {  	v5 =	vld.idx.msk [tilespmem:v0+s17+$0xFFFFFFD0 ss:$0x1], $0xffff;
	[tilespmem:s18+$0xFFFFFFF0] =	vst v3  }
.Ltmp3:
0x2f: {  	v4 =	vld.idx.msk [tilespmem:v0+s17+$0xFFFFFFE0 ss:$0x1], $0xffff;
	[tilespmem:s18+$0x0] =	vst v1;
	(pc) =	sbr.rel @p1 .LBB1_4-.Ltmp3, $4  }
0x30: {  	v3 =	vld.idx.msk [tilespmem:v0+s17+$0xFFFFFFF0 ss:$0x1], $0xffff;
	[tilespmem:s18+$0x10] =	vst v2  }
0x31: {  	v1 =	vld.idx.msk [tilespmem:v0+s17+$0x0 ss:$0x1], $0xffff;
	[tilespmem:s18+$0x20] =	vst v6;
	s18 =	sadd.s32 $0x800, s18  }
0x32: {  	v2 =	vld.idx.msk [tilespmem:v0+s17+$0x10 ss:$0x1], $0xffff;
	[tilespmem:s18+$0x30] =	vst v7  }
0x33: {  	[tilespmem:s18+$0xFFFFFFC0] =	vst v8;
	v6 =	vld.idx.msk [tilespmem:v0+s17+$0x20 ss:$0x1], $0xffff;
	s17 =	sshra.s32 s19, $0x2;
	s19 =	sadd.s32 $0x200, s19  }
0x34: {  	_ =	sdelay $0x2  }
0x35: {  	[tilespmem:s18+$0xFFFFFFD0] =	vst v5  }
0x36: {  	v56 =	vld.idx.msk [tilespmem:v0+s17+$0x30 ss:$0x1], $0xffff;
	[tilespmem:s18+$0xFFFFFFE0] =	vst v4  }
0x37: {  	v57 =	vld.idx.msk [tilespmem:v0+s17+$0xFFFFFFC0 ss:$0x1], $0xffff;
	[tilespmem:s18+$0xFFFFFFF0] =	vst v3  }
0x38: {  	v58 =	vld.idx.msk [tilespmem:v0+s17+$0xFFFFFFD0 ss:$0x1], $0xffff;
	[tilespmem:s18+$0x0] =	vst v1  }
0x39: {  	v59 =	vld.idx.msk [tilespmem:v0+s17+$0xFFFFFFE0 ss:$0x1], $0xffff;
	[tilespmem:s18+$0x10] =	vst v2  }
0x3a: {  	v60 =	vld.idx.msk [tilespmem:v0+s17+$0xFFFFFFF0 ss:$0x1], $0xffff;
	s31 =	sadd.s32 $0x800, s18;
	[tilespmem:s18+$0x20] =	vst v6  }
0x3b: {  	v61 =	vld.idx.msk [tilespmem:v0+s17+$0x0 ss:$0x1], $0xffff;
	[tilespmem:s31+$0x30] =	vst v56  }
0x3c: {  	v62 =	vld.idx.msk [tilespmem:v0+s17+$0x10 ss:$0x1], $0xffff;
	s16 =	sadd.s32 $0x1, s16;
	[tilespmem:s31+$0xFFFFFFC0] =	vst v57  }
0x3d: {  	v63 =	vld.idx.msk [tilespmem:v0+s17+$0x20 ss:$0x1], $0xffff;
	p1 =	sne.s32 s16, $0x10;
	[tilespmem:s31+$0xFFFFFFD0] =	vst v58  }
.Ltmp4:
0x3e: {  	[tilespmem:s31+$0xFFFFFFE0] =	vst v59;
	(pc) =	sbr.rel @p1 .LBB1_3-.Ltmp4, $4  }
0x3f: {  	[tilespmem:s31+$0xFFFFFFF0] =	vst v60  }
0x40: {  	[tilespmem:s31+$0x0] =	vst v61  }
0x41: {  	[tilespmem:s31+$0x10] =	vst v62  }
0x42: {  	s13 =	sadd.s32 $0x80, s13;
	s15 =	sadd.s32 $0x400, s15;
	[tilespmem:s31+$0x20] =	vst v63  }
.Ltmp5:
0x43: {  	(pc) =	sbr.rel .LBB1_7-.Ltmp5, $4  }
0x44: {  	s12 =	sshll.u32 s12, $0xF;
	s11 =	sshll.u32 s11, $0x4  }
0x45: {  	s11 =	sand.u32 $0xFF0, s11;
	s12 =	sadd.s32 s3, s12  }
0x46: {  	s11 =	sadd.s32 s11, s12  }
0x47: {  	[hbm4b:s11+s6] =	stream.strided.scatter [tilespmem:s14], [sflag:$0x2], $0x4000, s7, s6, $0x38;
	[tilespmem:$0x10000] =	vst v63  }
.LBB1_8:
0x48: {  	_ =	sfence.sel $0x180000  }
0x49: {  	s2 =	simm.s32 $0x1;
	[bflag:$0x0] =	sbarrier.arrive $0xFFFF  }
0x4a: {  	s31 =	simm.s32 $0x2;
	[sflag:s2] =	ssyncpa.u1 $0x1  }
0x4b: {  	[sflag:s31] =	ssyncpa.u1 $0x1  }
0x4c: {  	p0 =	sne.s32 s1, $0x0;
	_ =	strace $0x90000047  }
0x4d: {  	s0 =	sadd.s32 @!p0 $0x100000, s0;
	[bflag:$0x2] =	sbarrier.arrive $0xFFFF  }
0x4e: {  	[sflag:s0] =	ssyncadd.tile.s32 @!p0 $0x1;
	_ =	shalt  }
.Lfunc_end1:
_tile_overlayer_lowered:
.L_overlay_start_2:
0x4f: {  	(tag) =	ssettag $0x2  }
0x50: {  	s0 =	rddreg [dreg:$0x0];
	s2 =	stileid.u32  }
0x51: {  	s1 =	rddreg [dreg:$0x1];
	p0 =	sne.s32 s2, $0x0  }
0x52: {  	s3 =	rddreg [dreg:$0x2];
	[bflag:$0x3] =	sbarrier.arrive $0xFFFF;
	s2 =	simm.s32 @!p0 $0x1C01  }
0x53: {  	[timem:s3], [sflag:s2] =	dma.local @!p0 [hbm:s0], s1  }
0x54: {  	s0 =	simm.s32 @!p0 $0x1  }
0x55: {  	_ =	swait.ge @!p0 [sflag:s0], s1  }
0x56: {  	s1 =	ssub.s32 @!p0 $0x0, s1;
	[sflag:s0] =	ssyncset.done @!p0 $0x0  }
0x57: {  	[sflag:s0] =	ssyncadd.s32 @!p0 s1  }
0x58: {  	[bflag:$0x3] =	sbarrier.arrive $0xFFFF  }
0x59: {  	_ =	shalt  }

// kernel: sparse-core-data-format-call.cloned.1.call-start
scs
called_computation_lowered:
.L_overlay_start_0:
0x0: {  	s2 =	sld [smem:$0x3FD9]  }
0x1: {  	s3 =	sld [smem:$0x3FFE];
	_ =	sdelay $0x1  }
0x2: {  	s1 =	srdreg.scid  }
0x3: {  	s0 =	sand.u32 $0x1, s1  }
0x4: {  	s15 =	sshll.u32 s0, $0xA;
	s2 =	sadd.s32 s3, s2  }
0x5: {  	s2 =	sadd.s32 s2, s15  }
0x6: {  	[smem:$0x3FC6] =	sst s2  }
0x7: {  	_ = 	snop  }
0x8: {  	s2 =	sld [smem:$0x3FD0];
	_ =	sdelay $0x2  }
0x9: {  	s16 =	simm.s32 $0xA;
	s4 =	simm.s32 $0x10  }
0xa: {  	[smem:s4], [sflag:s16] =	dma.local [hbm:s2], $0x1  }
0xb: {  	_ =	swait.eq [sflag:s16], $0x1  }
0xc: {  	[sflag:s16] =	ssyncset.done $0x0  }
0xd: {  	[sflag:s16] =	ssyncadd.s32 $0xFFFFFFFF  }
0xe: {  	s17 =	sld [smem:$0x10];
	(tm) =	ssettm $0x1  }
0xf: {  	s18 =	sld [smem:$0x3FFB];
	_ =	sdelay $0x3  }
0x10: {  	_ =	strace s18  }
0x11: {  	s3 =	sld [smem:$0x3FFC];
	_ =	sdelay $0x3  }
0x12: {  	_ =	strace s3  }
0x13: {  	s3 =	sld [smem:$0x3FFD];
	_ =	sdelay $0x3  }
0x14: {  	_ =	strace s3  }
0x15: {  	_ =	strace $0x8FFFFFFF  }
0x16: {  	s19 =	sld [smem:$0x3FDB];
	_ =	sdelay $0x1  }
0x17: {  	s20 =	simm.s32 $_scs_section_size  }
0x18: {  	s5 =	simm.s32 $_size__tile_overlayer_lowered;
	s6 =	simm.s32 $_tile_overlayer_lowered  }
0x19: {  	s23 =	simm.s32 $0x1BFF;
	s22 =	sshll.u32 s6, $0x1;
	s3 =	sadd.s32 s20, s19  }
0x1a: {  	s7 =	simm.s32 $0x0;
	s21 =	sshll.u32 s5, $0x1;
	s5 =	sadd.s32 s22, s3  }
0x1b: {  	[timem:s7], [sflag:s23] =	dma.local [hbm:s5], s21  }
0x1c: {  	_ =	swait.ge [sflag:s23], s21  }
0x1d: {  	s4 =	ssub.s32 $0x0, s21;
	[sflag:s23] =	ssyncset.done $0x0  }
0x1e: {  	[sflag:s23] =	ssyncadd.s32 s4;
	_ =	sdelay $0x1  }
0x1f: {  	s24 =	simm.s32 $0x1B8B  }
0x20: {  	_ =	swait.ge [sflag:s24], $0x1  }
0x21: {  	[sflag:s24] =	ssyncset.done $0x0  }
0x22: {  	s26 =	simm.s32 $0x1B8E;
	s25 =	sld [smem:$0x3FFE];
	[sflag:s24] =	ssyncadd.s32 $0xFFFFFFFF  }
0x23: {  	s27 =	simm.s32 $execute0_lowered;
	[smem:$0x3FD2] =	sst s26  }
0x24: {  	s5 =	sshll.u32 s27, $0x1;
	_ =	strace $0x8000004C;
	[dreg:$0x1] =	wrdreg $0xFFFFFFFF  }
0x25: {  	s28 =	simm.s32 $_size_execute0_lowered;
	s3 =	sadd.s32 s3, s5;
	[dreg:$0x0] =	wrdreg $0x0  }
0x26: {  	s5 =	sshll.u32 s28, $0x1;
	[dreg:$0x2] =	wrdreg s3  }
0x27: {  	[dreg:$0x3] =	wrdreg s5  }
0x28: {  	[dreg:$0x4] =	wrdreg $0xC0  }
0x29: {  	_ =	task [dreg:s7], $0x5FFFF  }
0x2a: {  	[dreg:$0x1] =	wrdreg $0xFFFFFFFF  }
0x2b: {  	[dreg:$0x0] =	wrdreg $0x60  }
0x2c: {  	[dreg:$0x2] =	wrdreg s25  }
0x2d: {  	[dreg:$0x3] =	wrdreg s17  }
0x2e: {  	[dreg:$0x4] =	wrdreg $0x9  }
0x2f: {  	_ =	task.clear_ibuf [dreg:s7], $0x5FFFF;
	_ =	strace $0x9000004C  }
0x30: {  	s29 =	simm.s32 $0x9;
	_ =	strace $0x8000004E  }
0x31: {  	_ =	swait.ge [sflag:s29], $0x1  }
0x32: {  	[sflag:s29] =	ssyncadd.s32 $0xFFFFFFFF  }
0x33: {  	_ =	strace $0x9000004E  }
0x34: {  	_ =	sfence  }
0x35: {  	s30 =	sld [smem:$0x0];
	_ =	sdelay $0x2  }
0x36: {  	s31 =	sshll.u32 s1, $0xD;
	s1 =	sshrl.u32 s1, $0x2  }
0x37: {  	s3 =	sand.u32 $0x4000, s31;
	s1 =	sadd.s32 s1, s30  }
0x38: {  	s0 =	sor.u32 s3, s0;
	s1 =	sshll.u32 s1, $0x11  }
0x39: {  	s0 =	sor.u32 s1, s0  }
0x3a: {  	s0 =	sadd.s32 $0x8F2B, s0  }
0x3b: {  	[sflag:s0] =	ssyncadd.remote.s32 $0x1  }
0x3c: {  	_ =	sfence.sel $0xFFFF  }
0x3d: {  	[dreg:$0x0] =	wrdreg $0xFFFFFFFF;
	(pc) =	sbr.abs _section_cstart, $3  }
0x3e: {  	[dreg:$0x1] =	wrdreg $0xFFFFFFFF  }
0x3f: {  	_ =	task.clear_ibuf [dreg:s7], $0x2FFFF;
	_ =	strace $0x9FFFFFFF  }
0x40: {  	(tm) =	ssettm $0x7FFFFFFF  }
0x41: {  	_ =	shalt  }
tec
execute0_lowered:
.L_overlay_start_1:
0x0: {  	(tag) =	ssettag $0x1  }
0x1: {  	s0 =	stileid.u32  }
0x2: {  	s1 =	srdreg.scid;
	s4 =	rddreg [dreg:$0x0];
	s8 =	simm.s32 $0x1  }
0x3: {  	s9 =	simm.s32 $0x2;
	s16 =	simm.s32 $0x0;
	s14 =	simm.s32 $0x0  }
0x4: {  	s15 =	simm.s32 $0x0;
	s2 =	sshll.u32 s0, $0x5;
	s1 =	sshll.u32 s1, $0x9  }
0x5: {  	s11 =	simm.s32 $0x0;
	s13 =	simm.s32 $0x0;
	s1 =	sor.u32 s2, s1  }
0x6: {  	s4 =	sadd.s32 $0x1600, s4;
	s5 =	sand.u32 $0x7, s0;
	s3 =	sand.u32 $0x300, s1  }
0x7: {  	s2 =	rddreg [dreg:$0x1];
	s12 =	smov.u32 s5;
	s7 =	ssub.s32 $0x8000, s3  }
.Ltmp0:
0x8: {  	s1 =	rddreg [dreg:$0x2];
	s6 =	sand.u32 $0x300, s7;
	(pc) =	sbr.rel .LBB1_1-.Ltmp0, $4  }
0x9: {  	_ =	strace $0x8000004D;
	s10 =	smov.u32 s3;
	p0 =	sne.s32 s6, $0x0  }
0xa: {  	s7 =	sshrl.u32 s7, $0xA;
	s6 =	simm.s32 $0x1;
	s8 =	simm.s32 @!p0 $0x0  }
0xb: {  	[sflag:s6] =	ssyncpa.u1 $0x0;
	p0 =	por $0x0, $0x0;
	s7 =	sadd.s32 s8, s7  }
0xc: {  	[sflag:s9] =	ssyncpa.u1 $0x0;
	s9 =	simm.s32 $0x80;
	s8 =	sadd.s32 $0x1, s7  }
.LBB1_4:
0xd: {  	_ = 	snop  }
0xe: {  	[tilespmem:s21+$0x1860 ss:$0x41] =	vst.msk $0xffff, v8  }
0xf: {  	[tilespmem:s21+$0x1C70 ss:$0x41] =	vst.msk $0xffff, v7  }
0x10: {  	[tilespmem:s21+$0x2490 ss:$0x41] =	vst.msk $0xffff, v1  }
0x11: {  	s24 =	sor.u32 s27, s26;
	v47 =	vld.idx.msk [tilespmem:v0+s19+$0x470 ss:$0x1], $0xffff;
	[tilespmem:s21+$0x28A0 ss:$0x41] =	vst.msk $0xffff, v2  }
0x12: {  	[tilespmem:s21+$0x2CB0 ss:$0x41] =	vst.msk $0xffff, v3;
	v57 =	vld.idx.msk [tilespmem:v0+s24+$0x410 ss:$0x1], $0xffff  }
0x13: {  	[tilespmem:s21+$0x30C0 ss:$0x41] =	vst.msk $0xffff, v4;
	v58 =	vld.idx.msk [tilespmem:v0+s24+$0x420 ss:$0x1], $0xffff  }
0x14: {  	[tilespmem:s21+$0x34D0 ss:$0x41] =	vst.msk $0xffff, v5;
	v59 =	vld.idx.msk [tilespmem:v0+s24+$0x430 ss:$0x1], $0xffff  }
0x15: {  	s27 =	sshra.s32 s22, $0x2;
	[tilespmem:s21+$0x38E0 ss:$0x41] =	vst.msk $0xffff, v6;
	v60 =	vld.idx.msk [tilespmem:v0+s24+$0x440 ss:$0x1], $0xffff  }
0x16: {  	s25 =	sand.u32 $0x3B00, s24;
	s19 =	sadd.s32 s27, s20;
	v61 =	vld.idx.msk [tilespmem:v0+s24+$0x450 ss:$0x1], $0xffff;
	[tilespmem:s21+$0x3CF0 ss:$0x41] =	vst.msk $0xffff, v47  }
0x17: {  	s23 =	sand.u32 $0x80, s23;
	v62 =	vld.idx.msk [tilespmem:v0+s24+$0x460 ss:$0x1], $0xffff;
	s18 =	sadd.s32 s25, s18;
	[tilespmem:s19+$0x2490 ss:$0x41] =	vst.msk $0xffff, v57  }
0x18: {  	v63 =	vld.idx.msk [tilespmem:v0+s24+$0x470 ss:$0x1], $0xffff;
	s18 =	sadd.s32 s23, s18;
	[tilespmem:s19+$0x28A0 ss:$0x41] =	vst.msk $0xffff, v58  }
0x19: {  	v48 =	vld [tilespmem:s18+$0x400];
	[tilespmem:s19+$0x2CB0 ss:$0x41] =	vst.msk $0xffff, v59  }
0x1a: {  	v49 =	vld [tilespmem:s18+$0x0];
	[tilespmem:s19+$0x30C0 ss:$0x41] =	vst.msk $0xffff, v60  }
0x1b: {  	v50 =	vld [tilespmem:s18+$0x10];
	[tilespmem:s19+$0x34D0 ss:$0x41] =	vst.msk $0xffff, v61  }
0x1c: {  	v51 =	vld [tilespmem:s18+$0x20];
	[tilespmem:s19+$0x38E0 ss:$0x41] =	vst.msk $0xffff, v62  }
0x1d: {  	v52 =	vld [tilespmem:s18+$0x30];
	[tilespmem:s19+$0x3CF0 ss:$0x41] =	vst.msk $0xffff, v63  }
0x1e: {  	v53 =	vld [tilespmem:s18+$0x40];
	[tilespmem:s19+$0x2080 ss:$0x41] =	vst.msk $0xffff, v48  }
0x1f: {  	v54 =	vld [tilespmem:s18+$0x50];
	[tilespmem:s19+$0x0 ss:$0x41] =	vst.msk $0xffff, v49  }
0x20: {  	s16 =	sshll.u32 s16, $0x7;
	s28 =	sshll.u32 s14, $0x3;
	v55 =	vld [tilespmem:s18+$0x60];
	[tilespmem:s19+$0x410 ss:$0x41] =	vst.msk $0xffff, v50  }
0x21: {  	s29 =	sand.u32 $0x3FFC00, s16;
	v56 =	vld [tilespmem:s18+$0x70];
	s18 =	sand.u32 $0x3FFC00, s28;
	[tilespmem:s19+$0x820 ss:$0x41] =	vst.msk $0xffff, v51  }
0x22: {  	s15 =	sshll.u32 s15, $0x13;
	s16 =	sand.u32 $0x380, s16;
	s18 =	sadd.s32 s18, s29;
	[tilespmem:s19+$0xC30 ss:$0x41] =	vst.msk $0xffff, v52  }
0x23: {  	s30 =	sshrl.u32 s14, $0x3;
	s31 =	sand.u32 $0x7, s14;
	s16 =	sor.u32 s16, s18;
	[tilespmem:s19+$0x1040 ss:$0x41] =	vst.msk $0xffff, v53  }
0x24: {  	s15 =	sadd.s32 s2, s15;
	s18 =	sand.u32 $0xF, s30;
	s16 =	sshrl.u32 s16, $0x3;
	[tilespmem:s19+$0x1450 ss:$0x41] =	vst.msk $0xffff, v54  }
0x25: {  	s14 =	sshll.u32 s31, $0x12;
	s15 =	sadd.s32 s18, s15;
	s16 =	sand.u32 $0x7FFF0, s16;
	[tilespmem:s19+$0x1860 ss:$0x41] =	vst.msk $0xffff, v55  }
0x26: {  	s14 =	sor.u32 $0x40, s14;
	[tilespmem:s19+$0x1C70 ss:$0x41] =	vst.msk $0xffff, v56;
	s15 =	sadd.s32 s16, s15  }
0x27: {  	[hbm4b:s15+s14] =	stream.strided.scatter [tilespmem:s17], [sflag:$0x2], $0x4000, s9, s14, $0x18;
	[tilespmem:$0x10200] =	vst v63  }
.LBB1_5:
0x28: {  	s17 =	sadd.s32 $0x400, s10  }
0x29: {  	s14 =	sadd.s32 $0x40, s11;
	s18 =	smov.u32 s11;
	p2 =	sgt.s32 s17, $0x7FFF  }
0x2a: {  	s18 =	smov.u32 @p2 s14  }
0x2b: {  	s20 =	smov.u32 s12;
	s14 =	sadd.s32 $0x8, s12;
	p3 =	sgt.s32 s18, $0x3F  }
0x2c: {  	s20 =	smov.u32 @p3 s14  }
0x2d: {  	s17 =	smov.u32 @p2 s3;
	p2 =	sgt.s32 s20, $0x7  }
0x2e: {  	p1 =	slt.u32 s13, $0x2;
	s20 =	smov.u32 @p2 s5;
	p2 =	sne.s32 s13, s8  }
.Ltmp1:
0x2f: {  	s19 =	simm.s32 @!p1 $0x2;
	(pc) =	sbr.rel @!p2 .LBB1_6-.Ltmp1, $4  }
0x30: {  	s16 =	smov.u32 s10;
	s15 =	smov.u32 s12;
	_ =	swait.ge @!p1 [sflag:s19], $0x4000  }
0x31: {  	p0 =	por !p0, !p0;
	[sflag:s19] =	ssyncset.done @!p1 $0x0;
	s10 =	smov.u32 s17  }
0x32: {  	s18 =	simm.s32 @p3 $0x0;
	s14 =	smov.u32 s11;
	[sflag:s19] =	ssyncadd.s32 @!p1 $0xFFFFC000  }
0x33: {  	s11 =	smov.u32 s18;
	s13 =	sadd.s32 $0x1, s13;
	s12 =	smov.u32 s20  }
.LBB1_1:
0x34: {  	p1 =	sge.u32 s13, s7;
	s31 =	sadd.s32 $0xFFFFFFFF, s13  }
0x35: {  	s17 =	sxor.u32 @!p1 $0xFFFFFFFF, s13;
	s18 =	sand.u32 @!p1 $0x78, s10;
	s19 =	sshll.u32 @!p1 s11, $0xF  }
0x36: {  	s20 =	sshll.u32 @!p1 s11, $0x7;
	s21 =	sshll.u32 @!p1 s10, $0x3;
	s17 =	sshll.u32 @!p1 s17, $0xE  }
0x37: {  	s19 =	sand.u32 @!p1 $0x1C0000, s19;
	s20 =	sand.u32 @!p1 $0x380, s20;
	s17 =	sand.u32 @!p1 $0x4000, s17  }
0x38: {  	s19 =	sadd.s32 @!p1 s19, s21;
	s21 =	sand.u32 @!p1 $0x7C00, s21;
	s18 =	sor.u32 @!p1 s20, s18  }
0x39: {  	s20 =	sshll.u32 @!p1 s12, $0x12;
	s18 =	sor.u32 @!p1 s21, s18;
	s19 =	sshrl.u32 @!p1 s19, $0x3  }
0x3a: {  	s20 =	sadd.s32 @!p1 s4, s20;
	s21 =	sand.u32 @!p1 $0x7, s10;
	s19 =	sand.u32 @!p1 $0x3F000, s19  }
0x3b: {  	s18 =	sshrl.u32 @!p1 s18, $0x3;
	s19 =	sadd.s32 @!p1 s19, s20;
	s20 =	sshll.u32 @!p1 s21, $0x12  }
0x3c: {  	s18 =	sadd.s32 @!p1 s18, s19;
	s19 =	sor.u32 @!p1 $0x800, s20;
	s20 =	simm.s32 @!p1 $0x40000  }
0x3d: {  	[tilespmem:s17], [sflag:$0x1] =	stream.strided.gather @!p1 [hbm4b:s18+s19], $0x4000, s20, s19, $0x38;
	[tilespmem:$0x10200] =	vst v63  }
0x3e: {  	p1 =	sge.u32 s31, s7  }
.Ltmp2:
0x3f: {  	_ = 	snop;
	(pc) =	sbr.rel @p1 .LBB1_5-.Ltmp2, $1  }
0x40: {  	_ =	sdelay $0x3  }
0x41: {  	s20 =	simm.s32 $0x0  }
0x42: {  	s19 =	sand.u32 $0x3800, s20;
	s21 =	sand.u32 $0x380, s20  }
0x43: {  	s17 =	sand.u32 $0x1, s13;
	s19 =	sor.u32 s21, s19  }
0x44: {  	_ =	swait.ge [sflag:s6], $0x4000;
	s18 =	sshll.u32 s17, $0xE;
	s21 =	sand.u32 $0x3B00, s19  }
0x45: {  	[sflag:s6] =	ssyncset.done $0x0;
	s20 =	sand.u32 $0x80, s20;
	s21 =	sadd.s32 s21, s18  }
0x46: {  	[sflag:s6] =	ssyncadd.s32 $0xFFFFC000;
	s23 =	sadd.s32 s20, s21  }
0x47: {  	v4 =	vld [tilespmem:s23+$0x400]  }
0x48: {  	s22 =	simm.s32 $0x1;
	v5 =	vld [tilespmem:s23+$0x0]  }
0x49: {  	s22 =	simm.s32 @!p0 $0x0;
	v6 =	vld [tilespmem:s23+$0x10]  }
0x4a: {  	v0 =	vmov s18;
	s31 =	smul.u32 $0x10400, s22;
	v7 =	vld [tilespmem:s23+$0x20]  }
0x4b: {  	v9 =	vld [tilespmem:s23+$0x30]  }
0x4c: {  	s20 =	sshrl.u32 s31, $0x2;
	v10 =	vld [tilespmem:s23+$0x40]  }
0x4d: {  	s20 =	sor.u32 $0x8000, s20;
	v11 =	vld [tilespmem:s23+$0x50]  }
0x4e: {  	v8 =	vld [tilespmem:s23+$0x60];
	s21 =	sadd.s32 $0x0, s20  }
0x4f: {  	v1 =	vld.idx.msk [tilespmem:v0+s19+$0x410 ss:$0x1], $0xffff;
	[tilespmem:s21+$0x2080 ss:$0x41] =	vst.msk $0xffff, v4  }
0x50: {  	v2 =	vld.idx.msk [tilespmem:v0+s19+$0x420 ss:$0x1], $0xffff;
	[tilespmem:s21+$0x0 ss:$0x41] =	vst.msk $0xffff, v5  }
0x51: {  	v3 =	vld.idx.msk [tilespmem:v0+s19+$0x430 ss:$0x1], $0xffff;
	[tilespmem:s21+$0x410 ss:$0x41] =	vst.msk $0xffff, v6  }
0x52: {  	s17 =	smul.u32 $0x10400, s17;
	[tilespmem:s21+$0x820 ss:$0x41] =	vst.msk $0xffff, v7;
	v7 =	vld [tilespmem:s23+$0x70]  }
0x53: {  	s24 =	simm.s32 $0x100;
	s25 =	simm.s32 $0x8;
	[tilespmem:s21+$0xC30 ss:$0x41] =	vst.msk $0xffff, v9;
	v4 =	vld.idx.msk [tilespmem:v0+s19+$0x440 ss:$0x1], $0xffff  }
0x54: {  	s26 =	sand.u32 $0x3800, s24;
	s17 =	sshrl.u32 s17, $0x2;
	[tilespmem:s21+$0x1040 ss:$0x41] =	vst.msk $0xffff, v10;
	v5 =	vld.idx.msk [tilespmem:v0+s19+$0x450 ss:$0x1], $0xffff;
	s23 =	simm.s32 $0x80  }
0x55: {  	s22 =	simm.s32 $0x4;
	s17 =	sor.u32 $0x8000, s17;
	[tilespmem:s21+$0x1450 ss:$0x41] =	vst.msk $0xffff, v11;
	v6 =	vld.idx.msk [tilespmem:v0+s19+$0x460 ss:$0x1], $0xffff;
	s27 =	sand.u32 $0x380, s23  }
.LBB1_3:
0x56: {  	p1 =	sne.s32 s25, $0xFC;
	[tilespmem:s21+$0x1860 ss:$0x41] =	vst.msk $0xffff, v8;
	v8 =	vld.idx.msk [tilespmem:v0+s19+$0x470 ss:$0x1], $0xffff;
	s19 =	sor.u32 s27, s26  }
0x57: {  	s26 =	sand.u32 $0x3B00, s19;
	v9 =	vld.idx.msk [tilespmem:v0+s19+$0x410 ss:$0x1], $0xffff;
	[tilespmem:s21+$0x1C70 ss:$0x41] =	vst.msk $0xffff, v7  }
0x58: {  	s27 =	sand.u32 $0x80, s23;
	s26 =	sadd.s32 s26, s18;
	v7 =	vld.idx.msk [tilespmem:v0+s19+$0x420 ss:$0x1], $0xffff;
	[tilespmem:s21+$0x2490 ss:$0x41] =	vst.msk $0xffff, v1  }
0x59: {  	s26 =	sadd.s32 s27, s26;
	v10 =	vld.idx.msk [tilespmem:v0+s19+$0x430 ss:$0x1], $0xffff;
	[tilespmem:s21+$0x28A0 ss:$0x41] =	vst.msk $0xffff, v2  }
0x5a: {  	v11 =	vld [tilespmem:s26+$0x400];
	[tilespmem:s21+$0x2CB0 ss:$0x41] =	vst.msk $0xffff, v3  }
0x5b: {  	v12 =	vld [tilespmem:s26+$0x0];
	[tilespmem:s21+$0x30C0 ss:$0x41] =	vst.msk $0xffff, v4  }
0x5c: {  	v4 =	vld [tilespmem:s26+$0x10];
	[tilespmem:s21+$0x34D0 ss:$0x41] =	vst.msk $0xffff, v5  }
0x5d: {  	s27 =	sshra.s32 s22, $0x2;
	s22 =	smov.u32 s25;
	v1 =	vmov v9;
	v5 =	vld [tilespmem:s26+$0x20];
	[tilespmem:s21+$0x38E0 ss:$0x41] =	vst.msk $0xffff, v6  }
0x5e: {  	v2 =	vmov v7;
	v6 =	vld [tilespmem:s26+$0x30];
	[tilespmem:s21+$0x3CF0 ss:$0x41] =	vst.msk $0xffff, v8;
	s21 =	sadd.s32 s27, s20  }
0x5f: {  	v3 =	vmov v10;
	v9 =	vld [tilespmem:s26+$0x40];
	[tilespmem:s21+$0x2080 ss:$0x41] =	vst.msk $0xffff, v11  }
0x60: {  	[tilespmem:s21+$0x0 ss:$0x41] =	vst.msk $0xffff, v12;
	v10 =	vld [tilespmem:s26+$0x50]  }
.Ltmp3:
0x61: {  	[tilespmem:s21+$0x410 ss:$0x41] =	vst.msk $0xffff, v4;
	v8 =	vld [tilespmem:s26+$0x60];
	(pc) =	sbr.rel @p1 .LBB1_3-.Ltmp3, $4  }
0x62: {  	[tilespmem:s21+$0x820 ss:$0x41] =	vst.msk $0xffff, v5;
	v7 =	vld [tilespmem:s26+$0x70]  }
0x63: {  	[tilespmem:s21+$0xC30 ss:$0x41] =	vst.msk $0xffff, v6;
	v4 =	vld.idx.msk [tilespmem:v0+s19+$0x440 ss:$0x1], $0xffff  }
0x64: {  	s23 =	sadd.s32 $0x80, s23;
	s24 =	sadd.s32 $0x100, s24;
	[tilespmem:s21+$0x1040 ss:$0x41] =	vst.msk $0xffff, v9;
	v5 =	vld.idx.msk [tilespmem:v0+s19+$0x450 ss:$0x1], $0xffff  }
0x65: {  	s25 =	sadd.s32 $0x4, s25;
	s27 =	sand.u32 $0x380, s23;
	s26 =	sand.u32 $0x3800, s24;
	[tilespmem:s21+$0x1450 ss:$0x41] =	vst.msk $0xffff, v10;
	v6 =	vld.idx.msk [tilespmem:v0+s19+$0x460 ss:$0x1], $0xffff  }
.Ltmp4:
0x66: {  	_ = 	snop;
	(pc) =	sbr.rel .LBB1_4-.Ltmp4, $1  }
0x67: {  	_ =	sdelay $0x3  }
.LBB1_6:
0x68: {  	_ =	sfence.sel $0x180000  }
0x69: {  	s2 =	simm.s32 $0x1;
	[bflag:$0x0] =	sbarrier.arrive $0xFFFF  }
0x6a: {  	s31 =	simm.s32 $0x2;
	[sflag:s2] =	ssyncpa.u1 $0x1  }
0x6b: {  	[sflag:s31] =	ssyncpa.u1 $0x1  }
0x6c: {  	p0 =	sne.s32 s0, $0x0;
	_ =	strace $0x9000004D  }
0x6d: {  	s0 =	sadd.s32 @!p0 $0x100000, s1;
	[bflag:$0x2] =	sbarrier.arrive $0xFFFF  }
0x6e: {  	[sflag:s0] =	ssyncadd.tile.s32 @!p0 $0x1;
	_ =	shalt  }
.Lfunc_end1:
_tile_overlayer_lowered:
.L_overlay_start_2:
0x6f: {  	(tag) =	ssettag $0x2  }
0x70: {  	s0 =	rddreg [dreg:$0x0];
	s2 =	stileid.u32  }
0x71: {  	s1 =	rddreg [dreg:$0x1];
	p0 =	sne.s32 s2, $0x0  }
0x72: {  	s3 =	rddreg [dreg:$0x2];
	[bflag:$0x3] =	sbarrier.arrive $0xFFFF;
	s2 =	simm.s32 @!p0 $0x1C01  }
0x73: {  	[timem:s3], [sflag:s2] =	dma.local @!p0 [hbm:s0], s1  }
0x74: {  	s0 =	simm.s32 @!p0 $0x1  }
0x75: {  	_ =	swait.ge @!p0 [sflag:s0], s1  }
0x76: {  	s1 =	ssub.s32 @!p0 $0x0, s1;
	[sflag:s0] =	ssyncset.done @!p0 $0x0  }
0x77: {  	[sflag:s0] =	ssyncadd.s32 @!p0 s1  }
0x78: {  	[bflag:$0x3] =	sbarrier.arrive $0xFFFF  }
0x79: {  	_ =	shalt  }

</sc_bundles>
